<compile_context>
chip_gen: v7x
topology: tpu7x:2x2x1
jax: 0.10.2.dev20260603
libtpu: 0.0.44.dev20260713+nightly
codegen_flags: <defaults>
</compile_context>

<pallas_src>
import functools
import math

import jax
import jax.numpy as jnp
from jax import lax
from jax.experimental import pallas as pl
from jax.experimental.pallas import tpu as pltpu
from jax.experimental.pallas import tpu_sc as plsc

_NC = 2
_NS = 16
_NW = _NC * _NS
_CH = 128


@functools.lru_cache(maxsize=None)
def _make_segsum(n_rows, n_chunks, width):
    zrows = ((n_rows + 1 + _NS * 8 - 1) // (_NS * 8)) * 8
    n_acc = zrows * _NS
    mesh = plsc.VectorSubcoreMesh(
        core_axis_name="c", subcore_axis_name="s",
        num_cores=_NC, num_subcores=_NS)

    @functools.partial(
        pl.kernel,
        out_type=jax.ShapeDtypeStruct((_NC, n_acc, width), jnp.float32),
        mesh=mesh,
        scratch_types=[
            pltpu.VMEM((2, _CH), jnp.int32),
            pltpu.VMEM((2, _CH), jnp.int32),
            pltpu.VMEM((2, _CH, width), jnp.float32),
            pltpu.VMEM((zrows, width), jnp.float32),
            pltpu.VMEM_SHARED((n_acc, width), jnp.float32),
            pltpu.SemaphoreType.DMA,
        ],
        compiler_params=pltpu.CompilerParams(use_tc_tiling_on_sc=False),
    )
    def segsum(p_hbm, src_hbm, dst_hbm, out_hbm, sidx, didx, rows, zbuf,
               acc, sem):
        cid = lax.axis_index("c")
        sid = lax.axis_index("s")
        wid = sid * _NC + cid
        base = wid * n_chunks * _CH

        zv = jnp.zeros((16,), jnp.float32)
        nsub = width // 16
        def zero_row(i, carry):
            zbuf[i // nsub, pl.ds((i % nsub) * 16, 16)] = zv
            return carry
        lax.fori_loop(0, zrows * nsub, zero_row, 0)
        pltpu.sync_copy(zbuf, acc.at[pl.ds(sid * zrows, zrows)])
        plsc.subcore_barrier()

        def fetch(c):
            b = c % 2
            pltpu.sync_copy(src_hbm.at[pl.ds(base + c * _CH, _CH)],
                            sidx.at[b])
            pltpu.sync_copy(dst_hbm.at[pl.ds(base + c * _CH, _CH)],
                            didx.at[b])
            pltpu.async_copy(p_hbm.at[sidx.at[b]], rows.at[b], sem)

        fetch(0)
        def chunk(c, carry):
            b = c % 2
            @pl.when(c + 1 < n_chunks)
            def _():
                fetch(c + 1)
            pltpu.make_async_copy(p_hbm.at[sidx.at[b]], rows.at[b],
                                  sem).wait()
            pltpu.sync_copy(rows.at[b], acc.at[didx.at[b]], add=True)
            return carry
        lax.fori_loop(0, n_chunks, chunk, 0)
        plsc.subcore_barrier()

        pltpu.sync_copy(acc.at[pl.ds(sid * zrows, zrows)],
                        out_hbm.at[cid, pl.ds(sid * zrows, zrows)])

    return segsum


def _dot1x(a, w):
    return jnp.dot(a.astype(jnp.bfloat16), w.astype(jnp.bfloat16),
                   preferred_element_type=jnp.float32)


def _bn_relu(h, g, b):
    mean = jnp.mean(h, axis=0, keepdims=True)
    var = jnp.mean((h - mean) ** 2, axis=0, keepdims=True)
    return jnp.maximum((h - mean) / jnp.sqrt(var + 1e-5) * g + b, 0.0)


def _mlp_core(x_ref, s_ref, w1, b1, g1, be1, w2, b2, g2, be2, w3, b3):
    hin = x_ref[...] + s_ref[0] + s_ref[1]
    h = _dot1x(hin, w1[...]) + b1[...]
    h = _bn_relu(h, g1[...], be1[...])
    h = _dot1x(h, w2[...]) + b2[...]
    h = _bn_relu(h, g2[...], be2[...])
    return _dot1x(h, w3[...]) + b3[...]


def _mlp_relu_body(x_ref, s_ref, w1, b1, g1, be1, w2, b2, g2, be2, w3, b3,
                   o_ref):
    o_ref[...] = jnp.maximum(
        _mlp_core(x_ref, s_ref, w1, b1, g1, be1, w2, b2, g2, be2, w3, b3),
        0.0)


def _mlp_last_body(x_ref, s_ref, w1, b1, g1, be1, w2, b2, g2, be2, w3, b3,
                   rw, rb, o_ref):
    h = _mlp_core(x_ref, s_ref, w1, b1, g1, be1, w2, b2, g2, be2, w3, b3)
    h = h.astype(jnp.bfloat16).astype(jnp.float32)
    o_ref[...] = jnp.dot(h, rw[...], preferred_element_type=jnp.float32,
                         precision=lax.Precision.HIGHEST) + rb[...]


def _tc_call(body, out_shape, *args):
    return pl.pallas_call(
        body, out_shape=jax.ShapeDtypeStruct(out_shape, jnp.float32),
    )(*args)


def _row(v):
    return v.reshape(1, -1)


def kernel(data_x, data_edge_index, params):
    n, d_in = data_x.shape
    h = params['conv1']['W1'].shape[1]
    e = data_edge_index.shape[1]

    n_chunks = math.ceil(e / (_NW * _CH))
    e_pad = _NW * n_chunks * _CH
    src = data_edge_index[0]
    dst = data_edge_index[1]
    if e_pad != e:
        pad = e_pad - e
        src = jnp.concatenate([src, jnp.zeros((pad,), jnp.int32)])
        dst = jnp.concatenate([dst, jnp.full((pad,), n, jnp.int32)])

    n_acc = _NS * (((n + 1 + _NS * 8 - 1) // (_NS * 8)) * 8)

    def seg(p):
        w = p.shape[1]
        outs = []
        for c0 in range(0, w, 64):
            blk = p[:, c0:c0 + 64]
            wb = blk.shape[1]
            blk = jnp.pad(blk, ((0, n_acc - n), (0, 0)))
            outs.append(_make_segsum(n, n_chunks, wb)(blk, src, dst)[:, :n])
        return outs[0] if len(outs) == 1 else jnp.concatenate(outs, axis=2)

    def mlp_args(c):
        p = params[c]
        return (p['W1'], _row(p['b1']), _row(p['g1']), _row(p['be1']),
                p['W2'], _row(p['b2']), _row(p['g2']), _row(p['be2']),
                p['W3'], _row(p['b3']))

    x1 = _tc_call(_mlp_relu_body, (n, h), data_x, seg(data_x),
                  *mlp_args('conv1'))
    x2 = _tc_call(_mlp_relu_body, (n, h), x1, seg(x1), *mlp_args('conv2'))
    out = _tc_call(_mlp_last_body, (n, 1), x2, seg(x2), *mlp_args('conv3'),
                   params['rates_W'], _row(params['rates_b']))
    return out

# --- scband reference (transcript-rebuilt; emitter-appended) ---
"""Pipeline reference for scband-sgnn-39719857554008 (READ-ONLY COPY).

The authoritative reference and input builder live on the scoring server;
editing this copy changes nothing except your own understanding.
"""

import jax, jax.numpy as jnp
import numpy as np


def _bn(h, g, b):
    mean = jnp.mean(h, axis=0, keepdims=True)
    var = jnp.var(h, axis=0, keepdims=True)
    return (h - mean) / jnp.sqrt(var + 1e-5) * g + b


def _mlp(x, p):
    # PyG MLP(num_layers=3, plain_last=True): Linear -> BN -> ReLU twice, then plain Linear
    h = x @ p['W1'] + p['b1']
    h = jax.nn.relu(_bn(h, p['g1'], p['be1']))
    h = h @ p['W2'] + p['b2']
    h = jax.nn.relu(_bn(h, p['g2'], p['be2']))
    h = h @ p['W3'] + p['b3']
    return h


def _gin(x, edge_index, p):
    # GINConv with eps=0: mlp((1+eps)*x + sum_{j in N(i)} x_j)
    src = edge_index[0]
    dst = edge_index[1]
    agg = jax.ops.segment_sum(x[src], dst, num_segments=x.shape[0])
    return _mlp(x + agg, p)


def _mk_mlp(key, din, h):
    k = jax.random.split(key, 3)
    return {
        'W1': jax.random.normal(k[0], (din, h), dtype=jnp.float32) / np.sqrt(din),
        'b1': jnp.zeros((h,), dtype=jnp.float32),
        'g1': jnp.ones((h,), dtype=jnp.float32),
        'be1': jnp.zeros((h,), dtype=jnp.float32),
        'W2': jax.random.normal(k[1], (h, h), dtype=jnp.float32) / np.sqrt(h),
        'b2': jnp.zeros((h,), dtype=jnp.float32),
        'g2': jnp.ones((h,), dtype=jnp.float32),
        'be2': jnp.zeros((h,), dtype=jnp.float32),
        'W3': jax.random.normal(k[2], (h, h), dtype=jnp.float32) / np.sqrt(h),
        'b3': jnp.zeros((h,), dtype=jnp.float32),
    }


def setup_inputs(seed: int = 0) -> dict:
    key = jax.random.key(seed)
    ks = jax.random.split(key, 8)
    N, E, D, H = 10000, 320000, 128, 16
    data_x = jax.random.normal(ks[0], (N, D), dtype=jnp.float32)
    data_edge_index = jax.random.randint(ks[1], (2, E), 0, N, dtype=jnp.int32)
    params = {
        'conv1': _mk_mlp(ks[2], D, H),
        'conv2': _mk_mlp(ks[3], H, H),
        'conv3': _mk_mlp(ks[4], H, H),
        'rates_W': jax.random.normal(ks[5], (H, 1), dtype=jnp.float32) / np.sqrt(H),
        'rates_b': jnp.zeros((1,), dtype=jnp.float32),
    }
    return {'data_x': data_x, 'data_edge_index': data_edge_index, 'params': params}


def reference(data_x, data_edge_index, params):
    x = jax.nn.relu(_gin(data_x, data_edge_index, params['conv1']))
    x = jax.nn.relu(_gin(x, data_edge_index, params['conv2']))
    x = _gin(x, data_edge_index, params['conv3'])
    out = x @ params['rates_W'] + params['rates_b']
    return out

if __name__ == "__main__":
    import jax
    _d = setup_inputs()
    print(jax.jit(kernel)(*tuple(_d.values())))

</pallas_src>

<mosaic_0001>
#map = affine_map<(d0, d1) -> (0, 0)>
#map1 = affine_map<(d0, d1) -> (0)>
#map2 = affine_map<(d0, d1) -> (0, 0, 0)>
module attributes {stable_mosaic.version = 14 : i64} {
  func.func @segsum(%arg0: i32, %arg1: i32, %arg2: memref<10112x16xf32, #tpu.memory_space<hbm>>, %arg3: memref<323584xi32, #tpu.memory_space<hbm>>, %arg4: memref<323584xi32, #tpu.memory_space<hbm>>, %arg5: memref<2x10112x16xf32, #tpu.memory_space<hbm>>, %arg6: memref<2x128xi32, #tpu.memory_space<vmem>>, %arg7: memref<2x128xi32, #tpu.memory_space<vmem>>, %arg8: memref<2x128x16xf32, #tpu.memory_space<vmem>>, %arg9: memref<632x16xf32, #tpu.memory_space<vmem>>, %arg10: memref<10112x16xf32, #tpu.memory_space<vmem_shared>>, %arg11: memref<!tpu.dma_semaphore, #tpu.memory_space<semaphore_mem>>) attributes {dimension_semantics = [#tpu.dimension_semantics<core_parallel>, #tpu.dimension_semantics<subcore_parallel>], iteration_bounds = array<i64: 2, 16>, scalar_prefetch = 0 : i64, scratch_operands = 6 : i64, tpu.core_type = #tpu.core_type<sc_vector_subcore>, window_params = [{transform_indices = #map}, {transform_indices = #map1}, {transform_indices = #map1}, {transform_indices = #map2}]} {
    %mul3A = arith.constant 2 : i32
    %mul3A_0 = arith.muli %arg1, %mul3A : i32
    %add3A = arith.addi %mul3A_0, %arg0 : i32
    %mul3A_1 = arith.constant 79 : i32
    %mul3A_2 = arith.muli %add3A, %mul3A_1 : i32
    %mul3A_3 = arith.constant 128 : i32
    %mul3A_4 = arith.muli %mul3A_2, %mul3A_3 : i32
    %broadcast_in_dim3A = arith.constant 0.000000e+00 : f32
    %broadcast_in_dim3A_5 = vector.broadcast %broadcast_in_dim3A : f32 to vector<16xf32>
    %scan3A = arith.constant 0 : i32
    %scan3A_6 = arith.constant 0 : i32
    %scan3A_7 = arith.constant 632 : i32
    %scan3A_8 = arith.addi %scan3A_6, %scan3A_7 : i32
    %scan3A_9 = arith.constant 1 : i32
    scf.for %scan3A_40 = %scan3A_6 to %scan3A_8 step %scan3A_9  : i32 {
      %jit3A = arith.constant 1 : i32
      %div3A = arith.divsi %scan3A_40, %jit3A : i32
      %sign3A = arith.constant 0 : i32
      %sign3A_41 = arith.cmpi sgt, %scan3A_40, %sign3A : i32
      %sign3A_42 = arith.extui %sign3A_41 : i1 to i32
      %sign3A_43 = arith.constant 0 : i32
      %sign3A_44 = arith.cmpi slt, %scan3A_40, %sign3A_43 : i32
      %sign3A_45 = arith.extui %sign3A_44 : i1 to i32
      %sign3A_46 = arith.subi %sign3A_42, %sign3A_45 : i32
      %sign3A_47 = arith.constant 0 : i32
      %sign3A_48 = arith.cmpi sgt, %jit3A, %sign3A_47 : i32
      %sign3A_49 = arith.extui %sign3A_48 : i1 to i32
      %sign3A_50 = arith.constant 0 : i32
      %sign3A_51 = arith.cmpi slt, %jit3A, %sign3A_50 : i32
      %sign3A_52 = arith.extui %sign3A_51 : i1 to i32
      %sign3A_53 = arith.subi %sign3A_49, %sign3A_52 : i32
      %ne3A = arith.cmpi ne, %sign3A_46, %sign3A_53 : i32
      %rem3A = arith.remsi %scan3A_40, %jit3A : i32
      %ne3A_54 = arith.constant 0 : i32
      %ne3A_55 = arith.cmpi ne, %rem3A, %ne3A_54 : i32
      %and3A = arith.andi %ne3A, %ne3A_55 : i1
      %sub3A = arith.constant 1 : i32
      %sub3A_56 = arith.subi %div3A, %sub3A : i32
      %select_n3A = arith.select %and3A, %sub3A_56, %div3A : i32
      %jit3A_57 = arith.constant 1 : i32
      %eq3A = arith.constant 0 : i32
      %eq3A_58 = arith.cmpi eq, %jit3A_57, %eq3A : i32
      %jit3A_59 = arith.constant 1 : i32
      %select_n3A_60 = arith.select %eq3A_58, %jit3A_59, %jit3A_57 : i32
      %rem3A_61 = arith.remsi %scan3A_40, %select_n3A_60 : i32
      %ne3A_62 = arith.constant 0 : i32
      %ne3A_63 = arith.cmpi ne, %rem3A_61, %ne3A_62 : i32
      %lt3A = arith.constant 0 : i32
      %lt3A_64 = arith.cmpi slt, %rem3A_61, %lt3A : i32
      %lt3A_65 = arith.constant 0 : i32
      %lt3A_66 = arith.cmpi slt, %select_n3A_60, %lt3A_65 : i32
      %ne3A_67 = arith.xori %lt3A_64, %lt3A_66 : i1
      %and3A_68 = arith.andi %ne3A_67, %ne3A_63 : i1
      %add3A_69 = arith.addi %rem3A_61, %select_n3A_60 : i32
      %select_n3A_70 = arith.select %and3A_68, %add3A_69, %rem3A_61 : i32
      %mul3A_71 = arith.constant 16 : i32
      %mul3A_72 = arith.muli %select_n3A_70, %mul3A_71 : i32
      %swap3A = arith.index_cast %select_n3A : i32 to index
      %swap3A_73 = arith.index_cast %mul3A_72 : i32 to index
      %swap3A_74 = tpu.vector_load %arg9[%swap3A, %swap3A_73] {strides = array<i32>} : memref<632x16xf32, #tpu.memory_space<vmem>>, vector<1x16xf32>,
      %swap3A_75 = vector.shape_cast %swap3A_74 : vector<1x16xf32> to vector<16xf32>
      %swap3A_76 = vector.shape_cast %broadcast_in_dim3A_5 : vector<16xf32> to vector<1x16xf32>
      tpu.vector_store %arg9[%swap3A, %swap3A_73], %swap3A_76 {strides = array<i32>} : memref<632x16xf32, #tpu.memory_space<vmem>>, vector<1x16xf32>,
    }
    %scan3A_10 = arith.constant 632 : i32
    %mul3A_11 = arith.constant 632 : i32
    %mul3A_12 = arith.muli %arg1, %mul3A_11 : i32
    "tpu.region"() ({
      %run_scoped3A_40 = tpu.sem_alloc : memref<!tpu.dma_semaphore, #tpu.memory_space<semaphore_mem>>
      %dma_start3A_41 = arith.constant 0 : i32
      %dma_start3A_42 = tpu.memref_slice %arg10[%mul3A_12, %dma_start3A_41] : memref<10112x16xf32, #tpu.memory_space<vmem_shared>> -> memref<632x16xf32, #tpu.memory_space<vmem_shared>>
      %dma_start3A_43 = arith.constant 0 : i32
      %dma_start3A_44 = tpu.memref_slice %arg10[%mul3A_12, %dma_start3A_43] : memref<10112x16xf32, #tpu.memory_space<vmem_shared>> -> memref<632x16xf32, #tpu.memory_space<vmem_shared>>
      tpu.enqueue_dma source(%arg9 : memref<632x16xf32, #tpu.memory_space<vmem>>) target(%dma_start3A_44 : memref<632x16xf32, #tpu.memory_space<vmem_shared>>) target_semaphore(%run_scoped3A_40 : memref<!tpu.dma_semaphore, #tpu.memory_space<semaphore_mem>>)
      %dma_wait3A = arith.constant 0 : i32
      %dma_wait3A_45 = tpu.memref_slice %arg10[%mul3A_12, %dma_wait3A] : memref<10112x16xf32, #tpu.memory_space<vmem_shared>> -> memref<632x16xf32, #tpu.memory_space<vmem_shared>>
      %dma_wait3A_46 = arith.constant 0 : i32
      %dma_wait3A_47 = tpu.memref_slice %arg10[%mul3A_12, %dma_wait3A_46] : memref<10112x16xf32, #tpu.memory_space<vmem_shared>> -> memref<632x16xf32, #tpu.memory_space<vmem_shared>>
      tpu.wait_dma2 semaphore(%run_scoped3A_40 : memref<!tpu.dma_semaphore, #tpu.memory_space<semaphore_mem>>) src(%arg9 : memref<632x16xf32, #tpu.memory_space<vmem>>) dst(%dma_wait3A_47 : memref<632x16xf32, #tpu.memory_space<vmem_shared>>)
      tpu.yield
    }) : () -> ()
    %barrier3A = arith.constant 0 : index
    tpu.barrier barrier_id(%barrier3A)
    %add3A_13 = arith.constant 0 : i32
    %add3A_14 = arith.addi %mul3A_4, %add3A_13 : i32
    %run_scoped3A = arith.constant 0 : i32
    "tpu.region"() ({
      %run_scoped3A_40 = tpu.sem_alloc : memref<!tpu.dma_semaphore, #tpu.memory_space<semaphore_mem>>
      %dma_start3A_41 = arith.constant 0 : i32
      %dma_start3A_42 = tpu.memref_slice %arg6[%run_scoped3A, %dma_start3A_41] : memref<2x128xi32, #tpu.memory_space<vmem>> -> memref<1x128xi32, #tpu.memory_space<vmem>>
      %dma_start3A_43 = tpu.memref_squeeze %dma_start3A_42 : memref<1x128xi32, #tpu.memory_space<vmem>> -> memref<128xi32, #tpu.memory_space<vmem>>
      %dma_start3A_44 = tpu.memref_slice %arg3[%add3A_14] : memref<323584xi32, #tpu.memory_space<hbm>> -> memref<128xi32, #tpu.memory_space<hbm>>
      %dma_start3A_45 = arith.constant 0 : i32
      %dma_start3A_46 = tpu.memref_slice %arg6[%run_scoped3A, %dma_start3A_45] : memref<2x128xi32, #tpu.memory_space<vmem>> -> memref<1x128xi32, #tpu.memory_space<vmem>>
      %dma_start3A_47 = tpu.memref_squeeze %dma_start3A_46 : memref<1x128xi32, #tpu.memory_space<vmem>> -> memref<128xi32, #tpu.memory_space<vmem>>
      %dma_start3A_48 = tpu.memref_slice %arg3[%add3A_14] : memref<323584xi32, #tpu.memory_space<hbm>> -> memref<128xi32, #tpu.memory_space<hbm>>
      tpu.enqueue_dma source(%dma_start3A_48 : memref<128xi32, #tpu.memory_space<hbm>>) target(%dma_start3A_47 : memref<128xi32, #tpu.memory_space<vmem>>) target_semaphore(%run_scoped3A_40 : memref<!tpu.dma_semaphore, #tpu.memory_space<semaphore_mem>>)
      %dma_wait3A = arith.constant 0 : i32
      %dma_wait3A_49 = tpu.memref_slice %arg6[%run_scoped3A, %dma_wait3A] : memref<2x128xi32, #tpu.memory_space<vmem>> -> memref<1x128xi32, #tpu.memory_space<vmem>>
      %dma_wait3A_50 = tpu.memref_squeeze %dma_wait3A_49 : memref<1x128xi32, #tpu.memory_space<vmem>> -> memref<128xi32, #tpu.memory_space<vmem>>
      %dma_wait3A_51 = tpu.memref_slice %arg3[%add3A_14] : memref<323584xi32, #tpu.memory_space<hbm>> -> memref<128xi32, #tpu.memory_space<hbm>>
      %dma_wait3A_52 = arith.constant 0 : i32
      %dma_wait3A_53 = tpu.memref_slice %arg6[%run_scoped3A, %dma_wait3A_52] : memref<2x128xi32, #tpu.memory_space<vmem>> -> memref<1x128xi32, #tpu.memory_space<vmem>>
      %dma_wait3A_54 = tpu.memref_squeeze %dma_wait3A_53 : memref<1x128xi32, #tpu.memory_space<vmem>> -> memref<128xi32, #tpu.memory_space<vmem>>
      %dma_wait3A_55 = tpu.memref_slice %arg3[%add3A_14] : memref<323584xi32, #tpu.memory_space<hbm>> -> memref<128xi32, #tpu.memory_space<hbm>>
      tpu.wait_dma2 semaphore(%run_scoped3A_40 : memref<!tpu.dma_semaphore, #tpu.memory_space<semaphore_mem>>) src(%dma_wait3A_55 : memref<128xi32, #tpu.memory_space<hbm>>) dst(%dma_wait3A_54 : memref<128xi32, #tpu.memory_space<vmem>>)
      tpu.yield
    }) : () -> ()
    %add3A_15 = arith.constant 0 : i32
    %add3A_16 = arith.addi %mul3A_4, %add3A_15 : i32
    %run_scoped3A_17 = arith.constant 0 : i32
    "tpu.region"() ({
      %run_scoped3A_40 = tpu.sem_alloc : memref<!tpu.dma_semaphore, #tpu.memory_space<semaphore_mem>>
      %dma_start3A_41 = arith.constant 0 : i32
      %dma_start3A_42 = tpu.memref_slice %arg7[%run_scoped3A_17, %dma_start3A_41] : memref<2x128xi32, #tpu.memory_space<vmem>> -> memref<1x128xi32, #tpu.memory_space<vmem>>
      %dma_start3A_43 = tpu.memref_squeeze %dma_start3A_42 : memref<1x128xi32, #tpu.memory_space<vmem>> -> memref<128xi32, #tpu.memory_space<vmem>>
      %dma_start3A_44 = tpu.memref_slice %arg4[%add3A_16] : memref<323584xi32, #tpu.memory_space<hbm>> -> memref<128xi32, #tpu.memory_space<hbm>>
      %dma_start3A_45 = arith.constant 0 : i32
      %dma_start3A_46 = tpu.memref_slice %arg7[%run_scoped3A_17, %dma_start3A_45] : memref<2x128xi32, #tpu.memory_space<vmem>> -> memref<1x128xi32, #tpu.memory_space<vmem>>
      %dma_start3A_47 = tpu.memref_squeeze %dma_start3A_46 : memref<1x128xi32, #tpu.memory_space<vmem>> -> memref<128xi32, #tpu.memory_space<vmem>>
      %dma_start3A_48 = tpu.memref_slice %arg4[%add3A_16] : memref<323584xi32, #tpu.memory_space<hbm>> -> memref<128xi32, #tpu.memory_space<hbm>>
      tpu.enqueue_dma source(%dma_start3A_48 : memref<128xi32, #tpu.memory_space<hbm>>) target(%dma_start3A_47 : memref<128xi32, #tpu.memory_space<vmem>>) target_semaphore(%run_scoped3A_40 : memref<!tpu.dma_semaphore, #tpu.memory_space<semaphore_mem>>)
      %dma_wait3A = arith.constant 0 : i32
      %dma_wait3A_49 = tpu.memref_slice %arg7[%run_scoped3A_17, %dma_wait3A] : memref<2x128xi32, #tpu.memory_space<vmem>> -> memref<1x128xi32, #tpu.memory_space<vmem>>
      %dma_wait3A_50 = tpu.memref_squeeze %dma_wait3A_49 : memref<1x128xi32, #tpu.memory_space<vmem>> -> memref<128xi32, #tpu.memory_space<vmem>>
      %dma_wait3A_51 = tpu.memref_slice %arg4[%add3A_16] : memref<323584xi32, #tpu.memory_space<hbm>> -> memref<128xi32, #tpu.memory_space<hbm>>
      %dma_wait3A_52 = arith.constant 0 : i32
      %dma_wait3A_53 = tpu.memref_slice %arg7[%run_scoped3A_17, %dma_wait3A_52] : memref<2x128xi32, #tpu.memory_space<vmem>> -> memref<1x128xi32, #tpu.memory_space<vmem>>
      %dma_wait3A_54 = tpu.memref_squeeze %dma_wait3A_53 : memref<1x128xi32, #tpu.memory_space<vmem>> -> memref<128xi32, #tpu.memory_space<vmem>>
      %dma_wait3A_55 = tpu.memref_slice %arg4[%add3A_16] : memref<323584xi32, #tpu.memory_space<hbm>> -> memref<128xi32, #tpu.memory_space<hbm>>
      tpu.wait_dma2 semaphore(%run_scoped3A_40 : memref<!tpu.dma_semaphore, #tpu.memory_space<semaphore_mem>>) src(%dma_wait3A_55 : memref<128xi32, #tpu.memory_space<hbm>>) dst(%dma_wait3A_54 : memref<128xi32, #tpu.memory_space<vmem>>)
      tpu.yield
    }) : () -> ()
    %dma_start3A = arith.constant 0 : i32
    %dma_start3A_18 = arith.constant 0 : i32
    %dma_start3A_19 = arith.constant 0 : i32
    %dma_start3A_20 = arith.constant 0 : i32
    %dma_start3A_21 = tpu.memref_slice %arg8[%dma_start3A_18, %dma_start3A_19, %dma_start3A_20] : memref<2x128x16xf32, #tpu.memory_space<vmem>> -> memref<1x128x16xf32, #tpu.memory_space<vmem>>
    %dma_start3A_22 = tpu.memref_squeeze %dma_start3A_21 : memref<1x128x16xf32, #tpu.memory_space<vmem>> -> memref<128x16xf32, #tpu.memory_space<vmem>>
    %dma_start3A_23 = arith.constant 0 : i32
    %dma_start3A_24 = tpu.memref_slice %arg6[%dma_start3A, %dma_start3A_23] : memref<2x128xi32, #tpu.memory_space<vmem>> -> memref<1x128xi32, #tpu.memory_space<vmem>>
    %dma_start3A_25 = tpu.memref_squeeze %dma_start3A_24 : memref<1x128xi32, #tpu.memory_space<vmem>> -> memref<128xi32, #tpu.memory_space<vmem>>
    %dma_start3A_26 = arith.constant 0 : i32
    %dma_start3A_27 = arith.constant 0 : i32
    %dma_start3A_28 = tpu.memref_slice %arg2[%dma_start3A_26, %dma_start3A_27] : memref<10112x16xf32, #tpu.memory_space<hbm>> -> memref<10112x16xf32, #tpu.memory_space<hbm>>
    tpu.enqueue_indirect_dma source(%dma_start3A_28 : memref<10112x16xf32, #tpu.memory_space<hbm>>) target(%dma_start3A_22 : memref<128x16xf32, #tpu.memory_space<vmem>>) offsets(%dma_start3A_25 : memref<128xi32, #tpu.memory_space<vmem>>) semaphore(%arg11 : memref<!tpu.dma_semaphore, #tpu.memory_space<semaphore_mem>>)
    %scan3A_29 = arith.constant 0 : i32
    %scan3A_30 = arith.constant 0 : i32
    %scan3A_31 = arith.constant 79 : i32
    %scan3A_32 = arith.addi %scan3A_30, %scan3A_31 : i32
    %scan3A_33 = arith.constant 1 : i32
    scf.for %scan3A_40 = %scan3A_30 to %scan3A_32 step %scan3A_33  : i32 {
      %jit3A = arith.constant 2 : i32
      %eq3A = arith.constant 0 : i32
      %eq3A_41 = arith.cmpi eq, %jit3A, %eq3A : i32
      %jit3A_42 = arith.constant 1 : i32
      %select_n3A = arith.select %eq3A_41, %jit3A_42, %jit3A : i32
      %rem3A = arith.remsi %scan3A_40, %select_n3A : i32
      %ne3A = arith.constant 0 : i32
      %ne3A_43 = arith.cmpi ne, %rem3A, %ne3A : i32
      %lt3A = arith.constant 0 : i32
      %lt3A_44 = arith.cmpi slt, %rem3A, %lt3A : i32
      %lt3A_45 = arith.constant 0 : i32
      %lt3A_46 = arith.cmpi slt, %select_n3A, %lt3A_45 : i32
      %ne3A_47 = arith.xori %lt3A_44, %lt3A_46 : i1
      %and3A = arith.andi %ne3A_47, %ne3A_43 : i1
      %add3A_48 = arith.addi %rem3A, %select_n3A : i32
      %select_n3A_49 = arith.select %and3A, %add3A_48, %rem3A : i32
      %add3A_50 = arith.constant 1 : i32
      %add3A_51 = arith.addi %scan3A_40, %add3A_50 : i32
      %lt3A_52 = arith.constant 79 : i32
      %lt3A_53 = arith.cmpi slt, %add3A_51, %lt3A_52 : i32
      %convert_element_type3A = arith.extui %lt3A_53 : i1 to i32
      %cond3A = arith.constant 0 : i32
      %cond3A_54 = arith.cmpi ne, %convert_element_type3A, %cond3A : i32
      scf.if %cond3A_54 {
        %add3A_64 = arith.constant 1 : i32
        %add3A_65 = arith.addi %scan3A_40, %add3A_64 : i32
        %jit3A_66 = arith.constant 2 : i32
        %eq3A_67 = arith.constant 0 : i32
        %eq3A_68 = arith.cmpi eq, %jit3A_66, %eq3A_67 : i32
        %jit3A_69 = arith.constant 1 : i32
        %select_n3A_70 = arith.select %eq3A_68, %jit3A_69, %jit3A_66 : i32
        %rem3A_71 = arith.remsi %add3A_65, %select_n3A_70 : i32
        %ne3A_72 = arith.constant 0 : i32
        %ne3A_73 = arith.cmpi ne, %rem3A_71, %ne3A_72 : i32
        %lt3A_74 = arith.constant 0 : i32
        %lt3A_75 = arith.cmpi slt, %rem3A_71, %lt3A_74 : i32
        %lt3A_76 = arith.constant 0 : i32
        %lt3A_77 = arith.cmpi slt, %select_n3A_70, %lt3A_76 : i32
        %ne3A_78 = arith.xori %lt3A_75, %lt3A_77 : i1
        %and3A_79 = arith.andi %ne3A_78, %ne3A_73 : i1
        %add3A_80 = arith.addi %rem3A_71, %select_n3A_70 : i32
        %select_n3A_81 = arith.select %and3A_79, %add3A_80, %rem3A_71 : i32
        %mul3A_82 = arith.constant 128 : i32
        %mul3A_83 = arith.muli %add3A_65, %mul3A_82 : i32
        %add3A_84 = arith.addi %mul3A_4, %mul3A_83 : i32
        "tpu.region"() ({
          %run_scoped3A_98 = tpu.sem_alloc : memref<!tpu.dma_semaphore, #tpu.memory_space<semaphore_mem>>
          %dma_start3A_99 = arith.constant 0 : i32
          %dma_start3A_100 = tpu.memref_slice %arg6[%select_n3A_81, %dma_start3A_99] : memref<2x128xi32, #tpu.memory_space<vmem>> -> memref<1x128xi32, #tpu.memory_space<vmem>>
          %dma_start3A_101 = tpu.memref_squeeze %dma_start3A_100 : memref<1x128xi32, #tpu.memory_space<vmem>> -> memref<128xi32, #tpu.memory_space<vmem>>
          %dma_start3A_102 = tpu.memref_slice %arg3[%add3A_84] : memref<323584xi32, #tpu.memory_space<hbm>> -> memref<128xi32, #tpu.memory_space<hbm>>
          %dma_start3A_103 = arith.constant 0 : i32
          %dma_start3A_104 = tpu.memref_slice %arg6[%select_n3A_81, %dma_start3A_103] : memref<2x128xi32, #tpu.memory_space<vmem>> -> memref<1x128xi32, #tpu.memory_space<vmem>>
          %dma_start3A_105 = tpu.memref_squeeze %dma_start3A_104 : memref<1x128xi32, #tpu.memory_space<vmem>> -> memref<128xi32, #tpu.memory_space<vmem>>
          %dma_start3A_106 = tpu.memref_slice %arg3[%add3A_84] : memref<323584xi32, #tpu.memory_space<hbm>> -> memref<128xi32, #tpu.memory_space<hbm>>
          tpu.enqueue_dma source(%dma_start3A_106 : memref<128xi32, #tpu.memory_space<hbm>>) target(%dma_start3A_105 : memref<128xi32, #tpu.memory_space<vmem>>) target_semaphore(%run_scoped3A_98 : memref<!tpu.dma_semaphore, #tpu.memory_space<semaphore_mem>>)
          %dma_wait3A_107 = arith.constant 0 : i32
          %dma_wait3A_108 = tpu.memref_slice %arg6[%select_n3A_81, %dma_wait3A_107] : memref<2x128xi32, #tpu.memory_space<vmem>> -> memref<1x128xi32, #tpu.memory_space<vmem>>
          %dma_wait3A_109 = tpu.memref_squeeze %dma_wait3A_108 : memref<1x128xi32, #tpu.memory_space<vmem>> -> memref<128xi32, #tpu.memory_space<vmem>>
          %dma_wait3A_110 = tpu.memref_slice %arg3[%add3A_84] : memref<323584xi32, #tpu.memory_space<hbm>> -> memref<128xi32, #tpu.memory_space<hbm>>
          %dma_wait3A_111 = arith.constant 0 : i32
          %dma_wait3A_112 = tpu.memref_slice %arg6[%select_n3A_81, %dma_wait3A_111] : memref<2x128xi32, #tpu.memory_space<vmem>> -> memref<1x128xi32, #tpu.memory_space<vmem>>
          %dma_wait3A_113 = tpu.memref_squeeze %dma_wait3A_112 : memref<1x128xi32, #tpu.memory_space<vmem>> -> memref<128xi32, #tpu.memory_space<vmem>>
          %dma_wait3A_114 = tpu.memref_slice %arg3[%add3A_84] : memref<323584xi32, #tpu.memory_space<hbm>> -> memref<128xi32, #tpu.memory_space<hbm>>
          tpu.wait_dma2 semaphore(%run_scoped3A_98 : memref<!tpu.dma_semaphore, #tpu.memory_space<semaphore_mem>>) src(%dma_wait3A_114 : memref<128xi32, #tpu.memory_space<hbm>>) dst(%dma_wait3A_113 : memref<128xi32, #tpu.memory_space<vmem>>)
          tpu.yield
        }) : () -> ()
        %mul3A_85 = arith.constant 128 : i32
        %mul3A_86 = arith.muli %add3A_65, %mul3A_85 : i32
        %add3A_87 = arith.addi %mul3A_4, %mul3A_86 : i32
        "tpu.region"() ({
          %run_scoped3A_98 = tpu.sem_alloc : memref<!tpu.dma_semaphore, #tpu.memory_space<semaphore_mem>>
          %dma_start3A_99 = arith.constant 0 : i32
          %dma_start3A_100 = tpu.memref_slice %arg7[%select_n3A_81, %dma_start3A_99] : memref<2x128xi32, #tpu.memory_space<vmem>> -> memref<1x128xi32, #tpu.memory_space<vmem>>
          %dma_start3A_101 = tpu.memref_squeeze %dma_start3A_100 : memref<1x128xi32, #tpu.memory_space<vmem>> -> memref<128xi32, #tpu.memory_space<vmem>>
          %dma_start3A_102 = tpu.memref_slice %arg4[%add3A_87] : memref<323584xi32, #tpu.memory_space<hbm>> -> memref<128xi32, #tpu.memory_space<hbm>>
          %dma_start3A_103 = arith.constant 0 : i32
          %dma_start3A_104 = tpu.memref_slice %arg7[%select_n3A_81, %dma_start3A_103] : memref<2x128xi32, #tpu.memory_space<vmem>> -> memref<1x128xi32, #tpu.memory_space<vmem>>
          %dma_start3A_105 = tpu.memref_squeeze %dma_start3A_104 : memref<1x128xi32, #tpu.memory_space<vmem>> -> memref<128xi32, #tpu.memory_space<vmem>>
          %dma_start3A_106 = tpu.memref_slice %arg4[%add3A_87] : memref<323584xi32, #tpu.memory_space<hbm>> -> memref<128xi32, #tpu.memory_space<hbm>>
          tpu.enqueue_dma source(%dma_start3A_106 : memref<128xi32, #tpu.memory_space<hbm>>) target(%dma_start3A_105 : memref<128xi32, #tpu.memory_space<vmem>>) target_semaphore(%run_scoped3A_98 : memref<!tpu.dma_semaphore, #tpu.memory_space<semaphore_mem>>)
          %dma_wait3A_107 = arith.constant 0 : i32
          %dma_wait3A_108 = tpu.memref_slice %arg7[%select_n3A_81, %dma_wait3A_107] : memref<2x128xi32, #tpu.memory_space<vmem>> -> memref<1x128xi32, #tpu.memory_space<vmem>>
          %dma_wait3A_109 = tpu.memref_squeeze %dma_wait3A_108 : memref<1x128xi32, #tpu.memory_space<vmem>> -> memref<128xi32, #tpu.memory_space<vmem>>
          %dma_wait3A_110 = tpu.memref_slice %arg4[%add3A_87] : memref<323584xi32, #tpu.memory_space<hbm>> -> memref<128xi32, #tpu.memory_space<hbm>>
          %dma_wait3A_111 = arith.constant 0 : i32
          %dma_wait3A_112 = tpu.memref_slice %arg7[%select_n3A_81, %dma_wait3A_111] : memref<2x128xi32, #tpu.memory_space<vmem>> -> memref<1x128xi32, #tpu.memory_space<vmem>>
          %dma_wait3A_113 = tpu.memref_squeeze %dma_wait3A_112 : memref<1x128xi32, #tpu.memory_space<vmem>> -> memref<128xi32, #tpu.memory_space<vmem>>
          %dma_wait3A_114 = tpu.memref_slice %arg4[%add3A_87] : memref<323584xi32, #tpu.memory_space<hbm>> -> memref<128xi32, #tpu.memory_space<hbm>>
          tpu.wait_dma2 semaphore(%run_scoped3A_98 : memref<!tpu.dma_semaphore, #tpu.memory_space<semaphore_mem>>) src(%dma_wait3A_114 : memref<128xi32, #tpu.memory_space<hbm>>) dst(%dma_wait3A_113 : memref<128xi32, #tpu.memory_space<vmem>>)
          tpu.yield
        }) : () -> ()
        %dma_start3A_88 = arith.constant 0 : i32
        %dma_start3A_89 = arith.constant 0 : i32
        %dma_start3A_90 = tpu.memref_slice %arg8[%select_n3A_81, %dma_start3A_88, %dma_start3A_89] : memref<2x128x16xf32, #tpu.memory_space<vmem>> -> memref<1x128x16xf32, #tpu.memory_space<vmem>>
        %dma_start3A_91 = tpu.memref_squeeze %dma_start3A_90 : memref<1x128x16xf32, #tpu.memory_space<vmem>> -> memref<128x16xf32, #tpu.memory_space<vmem>>
        %dma_start3A_92 = arith.constant 0 : i32
        %dma_start3A_93 = tpu.memref_slice %arg6[%select_n3A_81, %dma_start3A_92] : memref<2x128xi32, #tpu.memory_space<vmem>> -> memref<1x128xi32, #tpu.memory_space<vmem>>
        %dma_start3A_94 = tpu.memref_squeeze %dma_start3A_93 : memref<1x128xi32, #tpu.memory_space<vmem>> -> memref<128xi32, #tpu.memory_space<vmem>>
        %dma_start3A_95 = arith.constant 0 : i32
        %dma_start3A_96 = arith.constant 0 : i32
        %dma_start3A_97 = tpu.memref_slice %arg2[%dma_start3A_95, %dma_start3A_96] : memref<10112x16xf32, #tpu.memory_space<hbm>> -> memref<10112x16xf32, #tpu.memory_space<hbm>>
        tpu.enqueue_indirect_dma source(%dma_start3A_97 : memref<10112x16xf32, #tpu.memory_space<hbm>>) target(%dma_start3A_91 : memref<128x16xf32, #tpu.memory_space<vmem>>) offsets(%dma_start3A_94 : memref<128xi32, #tpu.memory_space<vmem>>) semaphore(%arg11 : memref<!tpu.dma_semaphore, #tpu.memory_space<semaphore_mem>>)
      } else {
      }
      %dma_wait3A = arith.constant 0 : i32
      %dma_wait3A_55 = arith.constant 0 : i32
      %dma_wait3A_56 = tpu.memref_slice %arg8[%select_n3A_49, %dma_wait3A, %dma_wait3A_55] : memref<2x128x16xf32, #tpu.memory_space<vmem>> -> memref<1x128x16xf32, #tpu.memory_space<vmem>>
      %dma_wait3A_57 = tpu.memref_squeeze %dma_wait3A_56 : memref<1x128x16xf32, #tpu.memory_space<vmem>> -> memref<128x16xf32, #tpu.memory_space<vmem>>
      %dma_wait3A_58 = arith.constant 0 : i32
      %dma_wait3A_59 = tpu.memref_slice %arg6[%select_n3A_49, %dma_wait3A_58] : memref<2x128xi32, #tpu.memory_space<vmem>> -> memref<1x128xi32, #tpu.memory_space<vmem>>
      %dma_wait3A_60 = tpu.memref_squeeze %dma_wait3A_59 : memref<1x128xi32, #tpu.memory_space<vmem>> -> memref<128xi32, #tpu.memory_space<vmem>>
      %dma_wait3A_61 = arith.constant 0 : i32
      %dma_wait3A_62 = arith.constant 0 : i32
      %dma_wait3A_63 = tpu.memref_slice %arg2[%dma_wait3A_61, %dma_wait3A_62] : memref<10112x16xf32, #tpu.memory_space<hbm>> -> memref<10112x16xf32, #tpu.memory_space<hbm>>
      tpu.wait_indirect_dma semaphore(%arg11 : memref<!tpu.dma_semaphore, #tpu.memory_space<semaphore_mem>>) src(%dma_wait3A_63 : memref<10112x16xf32, #tpu.memory_space<hbm>>) dst(%dma_wait3A_57 : memref<128x16xf32, #tpu.memory_space<vmem>>)
      "tpu.region"() ({
        %run_scoped3A_64 = tpu.sem_alloc : memref<!tpu.dma_semaphore, #tpu.memory_space<semaphore_mem>>
        %dma_start3A_65 = arith.constant 0 : i32
        %dma_start3A_66 = arith.constant 0 : i32
        %dma_start3A_67 = tpu.memref_slice %arg8[%select_n3A_49, %dma_start3A_65, %dma_start3A_66] : memref<2x128x16xf32, #tpu.memory_space<vmem>> -> memref<1x128x16xf32, #tpu.memory_space<vmem>>
        %dma_start3A_68 = tpu.memref_squeeze %dma_start3A_67 : memref<1x128x16xf32, #tpu.memory_space<vmem>> -> memref<128x16xf32, #tpu.memory_space<vmem>>
        %dma_start3A_69 = arith.constant 0 : i32
        %dma_start3A_70 = tpu.memref_slice %arg7[%select_n3A_49, %dma_start3A_69] : memref<2x128xi32, #tpu.memory_space<vmem>> -> memref<1x128xi32, #tpu.memory_space<vmem>>
        %dma_start3A_71 = tpu.memref_squeeze %dma_start3A_70 : memref<1x128xi32, #tpu.memory_space<vmem>> -> memref<128xi32, #tpu.memory_space<vmem>>
        %dma_start3A_72 = arith.constant 0 : i32
        %dma_start3A_73 = arith.constant 0 : i32
        %dma_start3A_74 = tpu.memref_slice %arg10[%dma_start3A_72, %dma_start3A_73] : memref<10112x16xf32, #tpu.memory_space<vmem_shared>> -> memref<10112x16xf32, #tpu.memory_space<vmem_shared>>
        tpu.enqueue_indirect_dma source(%dma_start3A_68 : memref<128x16xf32, #tpu.memory_space<vmem>>) target(%dma_start3A_74 : memref<10112x16xf32, #tpu.memory_space<vmem_shared>>) offsets(%dma_start3A_71 : memref<128xi32, #tpu.memory_space<vmem>>) semaphore(%run_scoped3A_64 : memref<!tpu.dma_semaphore, #tpu.memory_space<semaphore_mem>>) {add = true}
        %dma_wait3A_75 = arith.constant 0 : i32
        %dma_wait3A_76 = arith.constant 0 : i32
        %dma_wait3A_77 = tpu.memref_slice %arg8[%select_n3A_49, %dma_wait3A_75, %dma_wait3A_76] : memref<2x128x16xf32, #tpu.memory_space<vmem>> -> memref<1x128x16xf32, #tpu.memory_space<vmem>>
        %dma_wait3A_78 = tpu.memref_squeeze %dma_wait3A_77 : memref<1x128x16xf32, #tpu.memory_space<vmem>> -> memref<128x16xf32, #tpu.memory_space<vmem>>
        %dma_wait3A_79 = arith.constant 0 : i32
        %dma_wait3A_80 = tpu.memref_slice %arg7[%select_n3A_49, %dma_wait3A_79] : memref<2x128xi32, #tpu.memory_space<vmem>> -> memref<1x128xi32, #tpu.memory_space<vmem>>
        %dma_wait3A_81 = tpu.memref_squeeze %dma_wait3A_80 : memref<1x128xi32, #tpu.memory_space<vmem>> -> memref<128xi32, #tpu.memory_space<vmem>>
        %dma_wait3A_82 = arith.constant 0 : i32
        %dma_wait3A_83 = arith.constant 0 : i32
        %dma_wait3A_84 = tpu.memref_slice %arg10[%dma_wait3A_82, %dma_wait3A_83] : memref<10112x16xf32, #tpu.memory_space<vmem_shared>> -> memref<10112x16xf32, #tpu.memory_space<vmem_shared>>
        tpu.wait_indirect_dma semaphore(%run_scoped3A_64 : memref<!tpu.dma_semaphore, #tpu.memory_space<semaphore_mem>>) src(%dma_wait3A_78 : memref<128x16xf32, #tpu.memory_space<vmem>>) dst(%dma_wait3A_84 : memref<10112x16xf32, #tpu.memory_space<vmem_shared>>)
        tpu.yield
      }) : () -> ()
    }
    %scan3A_34 = arith.constant 79 : i32
    %barrier3A_35 = arith.constant 0 : index
    tpu.barrier barrier_id(%barrier3A_35)
    %mul3A_36 = arith.constant 632 : i32
    %mul3A_37 = arith.muli %arg1, %mul3A_36 : i32
    %mul3A_38 = arith.constant 632 : i32
    %mul3A_39 = arith.muli %arg1, %mul3A_38 : i32
    "tpu.region"() ({
      %run_scoped3A_40 = tpu.sem_alloc : memref<!tpu.dma_semaphore, #tpu.memory_space<semaphore_mem>>
      %dma_start3A_41 = arith.constant 0 : i32
      %dma_start3A_42 = tpu.memref_slice %arg5[%arg0, %mul3A_39, %dma_start3A_41] : memref<2x10112x16xf32, #tpu.memory_space<hbm>> -> memref<1x632x16xf32, #tpu.memory_space<hbm>>
      %dma_start3A_43 = tpu.memref_squeeze %dma_start3A_42 : memref<1x632x16xf32, #tpu.memory_space<hbm>> -> memref<632x16xf32, #tpu.memory_space<hbm>>
      %dma_start3A_44 = arith.constant 0 : i32
      %dma_start3A_45 = tpu.memref_slice %arg10[%mul3A_37, %dma_start3A_44] : memref<10112x16xf32, #tpu.memory_space<vmem_shared>> -> memref<632x16xf32, #tpu.memory_space<vmem_shared>>
      tpu.enqueue_dma source(%dma_start3A_45 : memref<632x16xf32, #tpu.memory_space<vmem_shared>>) target(%dma_start3A_43 : memref<632x16xf32, #tpu.memory_space<hbm>>) target_semaphore(%run_scoped3A_40 : memref<!tpu.dma_semaphore, #tpu.memory_space<semaphore_mem>>)
      %dma_wait3A = arith.constant 0 : i32
      %dma_wait3A_46 = tpu.memref_slice %arg5[%arg0, %mul3A_39, %dma_wait3A] : memref<2x10112x16xf32, #tpu.memory_space<hbm>> -> memref<1x632x16xf32, #tpu.memory_space<hbm>>
      %dma_wait3A_47 = tpu.memref_squeeze %dma_wait3A_46 : memref<1x632x16xf32, #tpu.memory_space<hbm>> -> memref<632x16xf32, #tpu.memory_space<hbm>>
      %dma_wait3A_48 = arith.constant 0 : i32
      %dma_wait3A_49 = tpu.memref_slice %arg10[%mul3A_37, %dma_wait3A_48] : memref<10112x16xf32, #tpu.memory_space<vmem_shared>> -> memref<632x16xf32, #tpu.memory_space<vmem_shared>>
      tpu.wait_dma2 semaphore(%run_scoped3A_40 : memref<!tpu.dma_semaphore, #tpu.memory_space<semaphore_mem>>) src(%dma_wait3A_49 : memref<632x16xf32, #tpu.memory_space<vmem_shared>>) dst(%dma_wait3A_47 : memref<632x16xf32, #tpu.memory_space<hbm>>)
      tpu.yield
    }) : () -> ()
    return
  }
}

#map = affine_map<(d0, d1) -> (0, 0)>
#map1 = affine_map<(d0, d1) -> (0)>
#map2 = affine_map<(d0, d1) -> (0, 0, 0)>
module attributes {stable_mosaic.version = 14 : i64} {
  func.func @segsum(%arg0: i32, %arg1: i32, %arg2: memref<10112x16xf32, #tpu.memory_space<hbm>>, %arg3: memref<323584xi32, #tpu.memory_space<hbm>>, %arg4: memref<323584xi32, #tpu.memory_space<hbm>>, %arg5: memref<2x10112x16xf32, #tpu.memory_space<hbm>>, %arg6: memref<2x128xi32, #tpu.memory_space<vmem>>, %arg7: memref<2x128xi32, #tpu.memory_space<vmem>>, %arg8: memref<2x128x16xf32, #tpu.memory_space<vmem>>, %arg9: memref<632x16xf32, #tpu.memory_space<vmem>>, %arg10: memref<10112x16xf32, #tpu.memory_space<vmem_shared>>, %arg11: memref<!tpu.dma_semaphore, #tpu.memory_space<semaphore_mem>>) attributes {dimension_semantics = [#tpu.dimension_semantics<core_parallel>, #tpu.dimension_semantics<subcore_parallel>], iteration_bounds = array<i64: 2, 16>, scalar_prefetch = 0 : i64, scratch_operands = 6 : i64, tpu.core_type = #tpu.core_type<sc_vector_subcore>, window_params = [{transform_indices = #map}, {transform_indices = #map1}, {transform_indices = #map1}, {transform_indices = #map2}]} {
    %mul3A = arith.constant 2 : i32
    %mul3A_0 = arith.muli %arg1, %mul3A : i32
    %add3A = arith.addi %mul3A_0, %arg0 : i32
    %mul3A_1 = arith.constant 79 : i32
    %mul3A_2 = arith.muli %add3A, %mul3A_1 : i32
    %mul3A_3 = arith.constant 128 : i32
    %mul3A_4 = arith.muli %mul3A_2, %mul3A_3 : i32
    %broadcast_in_dim3A = arith.constant 0.000000e+00 : f32
    %broadcast_in_dim3A_5 = vector.broadcast %broadcast_in_dim3A : f32 to vector<16xf32>
    %scan3A = arith.constant 0 : i32
    %scan3A_6 = arith.constant 0 : i32
    %scan3A_7 = arith.constant 632 : i32
    %scan3A_8 = arith.addi %scan3A_6, %scan3A_7 : i32
    %scan3A_9 = arith.constant 1 : i32
    scf.for %scan3A_40 = %scan3A_6 to %scan3A_8 step %scan3A_9  : i32 {
      %jit3A = arith.constant 1 : i32
      %div3A = arith.divsi %scan3A_40, %jit3A : i32
      %sign3A = arith.constant 0 : i32
      %sign3A_41 = arith.cmpi sgt, %scan3A_40, %sign3A : i32
      %sign3A_42 = arith.extui %sign3A_41 : i1 to i32
      %sign3A_43 = arith.constant 0 : i32
      %sign3A_44 = arith.cmpi slt, %scan3A_40, %sign3A_43 : i32
      %sign3A_45 = arith.extui %sign3A_44 : i1 to i32
      %sign3A_46 = arith.subi %sign3A_42, %sign3A_45 : i32
      %sign3A_47 = arith.constant 0 : i32
      %sign3A_48 = arith.cmpi sgt, %jit3A, %sign3A_47 : i32
      %sign3A_49 = arith.extui %sign3A_48 : i1 to i32
      %sign3A_50 = arith.constant 0 : i32
      %sign3A_51 = arith.cmpi slt, %jit3A, %sign3A_50 : i32
      %sign3A_52 = arith.extui %sign3A_51 : i1 to i32
      %sign3A_53 = arith.subi %sign3A_49, %sign3A_52 : i32
      %ne3A = arith.cmpi ne, %sign3A_46, %sign3A_53 : i32
      %rem3A = arith.remsi %scan3A_40, %jit3A : i32
      %ne3A_54 = arith.constant 0 : i32
      %ne3A_55 = arith.cmpi ne, %rem3A, %ne3A_54 : i32
      %and3A = arith.andi %ne3A, %ne3A_55 : i1
      %sub3A = arith.constant 1 : i32
      %sub3A_56 = arith.subi %div3A, %sub3A : i32
      %select_n3A = arith.select %and3A, %sub3A_56, %div3A : i32
      %jit3A_57 = arith.constant 1 : i32
      %eq3A = arith.constant 0 : i32
      %eq3A_58 = arith.cmpi eq, %jit3A_57, %eq3A : i32
      %jit3A_59 = arith.constant 1 : i32
      %select_n3A_60 = arith.select %eq3A_58, %jit3A_59, %jit3A_57 : i32
      %rem3A_61 = arith.remsi %scan3A_40, %select_n3A_60 : i32
      %ne3A_62 = arith.constant 0 : i32
      %ne3A_63 = arith.cmpi ne, %rem3A_61, %ne3A_62 : i32
      %lt3A = arith.constant 0 : i32
      %lt3A_64 = arith.cmpi slt, %rem3A_61, %lt3A : i32
      %lt3A_65 = arith.constant 0 : i32
      %lt3A_66 = arith.cmpi slt, %select_n3A_60, %lt3A_65 : i32
      %ne3A_67 = arith.xori %lt3A_64, %lt3A_66 : i1
      %and3A_68 = arith.andi %ne3A_67, %ne3A_63 : i1
      %add3A_69 = arith.addi %rem3A_61, %select_n3A_60 : i32
      %select_n3A_70 = arith.select %and3A_68, %add3A_69, %rem3A_61 : i32
      %mul3A_71 = arith.constant 16 : i32
      %mul3A_72 = arith.muli %select_n3A_70, %mul3A_71 : i32
      %swap3A = arith.index_cast %select_n3A : i32 to index
      %swap3A_73 = arith.index_cast %mul3A_72 : i32 to index
      %swap3A_74 = tpu.vector_load %arg9[%swap3A, %swap3A_73] {strides = array<i32>} : memref<632x16xf32, #tpu.memory_space<vmem>>, vector<1x16xf32>,
      %swap3A_75 = vector.shape_cast %swap3A_74 : vector<1x16xf32> to vector<16xf32>
      %swap3A_76 = vector.shape_cast %broadcast_in_dim3A_5 : vector<16xf32> to vector<1x16xf32>
      tpu.vector_store %arg9[%swap3A, %swap3A_73], %swap3A_76 {strides = array<i32>} : memref<632x16xf32, #tpu.memory_space<vmem>>, vector<1x16xf32>,
    }
    %scan3A_10 = arith.constant 632 : i32
    %mul3A_11 = arith.constant 632 : i32
    %mul3A_12 = arith.muli %arg1, %mul3A_11 : i32
    "tpu.region"() ({
      %run_scoped3A_40 = tpu.sem_alloc : memref<!tpu.dma_semaphore, #tpu.memory_space<semaphore_mem>>
      %dma_start3A_41 = arith.constant 0 : i32
      %dma_start3A_42 = tpu.memref_slice %arg10[%mul3A_12, %dma_start3A_41] : memref<10112x16xf32, #tpu.memory_space<vmem_shared>> -> memref<632x16xf32, #tpu.memory_space<vmem_shared>>
      %dma_start3A_43 = arith.constant 0 : i32
      %dma_start3A_44 = tpu.memref_slice %arg10[%mul3A_12, %dma_start3A_43] : memref<10112x16xf32, #tpu.memory_space<vmem_shared>> -> memref<632x16xf32, #tpu.memory_space<vmem_shared>>
      tpu.enqueue_dma source(%arg9 : memref<632x16xf32, #tpu.memory_space<vmem>>) target(%dma_start3A_44 : memref<632x16xf32, #tpu.memory_space<vmem_shared>>) target_semaphore(%run_scoped3A_40 : memref<!tpu.dma_semaphore, #tpu.memory_space<semaphore_mem>>)
      %dma_wait3A = arith.constant 0 : i32
      %dma_wait3A_45 = tpu.memref_slice %arg10[%mul3A_12, %dma_wait3A] : memref<10112x16xf32, #tpu.memory_space<vmem_shared>> -> memref<632x16xf32, #tpu.memory_space<vmem_shared>>
      %dma_wait3A_46 = arith.constant 0 : i32
      %dma_wait3A_47 = tpu.memref_slice %arg10[%mul3A_12, %dma_wait3A_46] : memref<10112x16xf32, #tpu.memory_space<vmem_shared>> -> memref<632x16xf32, #tpu.memory_space<vmem_shared>>
      tpu.wait_dma2 semaphore(%run_scoped3A_40 : memref<!tpu.dma_semaphore, #tpu.memory_space<semaphore_mem>>) src(%arg9 : memref<632x16xf32, #tpu.memory_space<vmem>>) dst(%dma_wait3A_47 : memref<632x16xf32, #tpu.memory_space<vmem_shared>>)
      tpu.yield
    }) : () -> ()
    %barrier3A = arith.constant 0 : index
    tpu.barrier barrier_id(%barrier3A)
    %add3A_13 = arith.constant 0 : i32
    %add3A_14 = arith.addi %mul3A_4, %add3A_13 : i32
    %run_scoped3A = arith.constant 0 : i32
    "tpu.region"() ({
      %run_scoped3A_40 = tpu.sem_alloc : memref<!tpu.dma_semaphore, #tpu.memory_space<semaphore_mem>>
      %dma_start3A_41 = arith.constant 0 : i32
      %dma_start3A_42 = tpu.memref_slice %arg6[%run_scoped3A, %dma_start3A_41] : memref<2x128xi32, #tpu.memory_space<vmem>> -> memref<1x128xi32, #tpu.memory_space<vmem>>
      %dma_start3A_43 = tpu.memref_squeeze %dma_start3A_42 : memref<1x128xi32, #tpu.memory_space<vmem>> -> memref<128xi32, #tpu.memory_space<vmem>>
      %dma_start3A_44 = tpu.memref_slice %arg3[%add3A_14] : memref<323584xi32, #tpu.memory_space<hbm>> -> memref<128xi32, #tpu.memory_space<hbm>>
      %dma_start3A_45 = arith.constant 0 : i32
      %dma_start3A_46 = tpu.memref_slice %arg6[%run_scoped3A, %dma_start3A_45] : memref<2x128xi32, #tpu.memory_space<vmem>> -> memref<1x128xi32, #tpu.memory_space<vmem>>
      %dma_start3A_47 = tpu.memref_squeeze %dma_start3A_46 : memref<1x128xi32, #tpu.memory_space<vmem>> -> memref<128xi32, #tpu.memory_space<vmem>>
      %dma_start3A_48 = tpu.memref_slice %arg3[%add3A_14] : memref<323584xi32, #tpu.memory_space<hbm>> -> memref<128xi32, #tpu.memory_space<hbm>>
      tpu.enqueue_dma source(%dma_start3A_48 : memref<128xi32, #tpu.memory_space<hbm>>) target(%dma_start3A_47 : memref<128xi32, #tpu.memory_space<vmem>>) target_semaphore(%run_scoped3A_40 : memref<!tpu.dma_semaphore, #tpu.memory_space<semaphore_mem>>)
      %dma_wait3A = arith.constant 0 : i32
      %dma_wait3A_49 = tpu.memref_slice %arg6[%run_scoped3A, %dma_wait3A] : memref<2x128xi32, #tpu.memory_space<vmem>> -> memref<1x128xi32, #tpu.memory_space<vmem>>
      %dma_wait3A_50 = tpu.memref_squeeze %dma_wait3A_49 : memref<1x128xi32, #tpu.memory_space<vmem>> -> memref<128xi32, #tpu.memory_space<vmem>>
      %dma_wait3A_51 = tpu.memref_slice %arg3[%add3A_14] : memref<323584xi32, #tpu.memory_space<hbm>> -> memref<128xi32, #tpu.memory_space<hbm>>
      %dma_wait3A_52 = arith.constant 0 : i32
      %dma_wait3A_53 = tpu.memref_slice %arg6[%run_scoped3A, %dma_wait3A_52] : memref<2x128xi32, #tpu.memory_space<vmem>> -> memref<1x128xi32, #tpu.memory_space<vmem>>
      %dma_wait3A_54 = tpu.memref_squeeze %dma_wait3A_53 : memref<1x128xi32, #tpu.memory_space<vmem>> -> memref<128xi32, #tpu.memory_space<vmem>>
      %dma_wait3A_55 = tpu.memref_slice %arg3[%add3A_14] : memref<323584xi32, #tpu.memory_space<hbm>> -> memref<128xi32, #tpu.memory_space<hbm>>
      tpu.wait_dma2 semaphore(%run_scoped3A_40 : memref<!tpu.dma_semaphore, #tpu.memory_space<semaphore_mem>>) src(%dma_wait3A_55 : memref<128xi32, #tpu.memory_space<hbm>>) dst(%dma_wait3A_54 : memref<128xi32, #tpu.memory_space<vmem>>)
      tpu.yield
    }) : () -> ()
    %add3A_15 = arith.constant 0 : i32
    %add3A_16 = arith.addi %mul3A_4, %add3A_15 : i32
    %run_scoped3A_17 = arith.constant 0 : i32
    "tpu.region"() ({
      %run_scoped3A_40 = tpu.sem_alloc : memref<!tpu.dma_semaphore, #tpu.memory_space<semaphore_mem>>
      %dma_start3A_41 = arith.constant 0 : i32
      %dma_start3A_42 = tpu.memref_slice %arg7[%run_scoped3A_17, %dma_start3A_41] : memref<2x128xi32, #tpu.memory_space<vmem>> -> memref<1x128xi32, #tpu.memory_space<vmem>>
      %dma_start3A_43 = tpu.memref_squeeze %dma_start3A_42 : memref<1x128xi32, #tpu.memory_space<vmem>> -> memref<128xi32, #tpu.memory_space<vmem>>
      %dma_start3A_44 = tpu.memref_slice %arg4[%add3A_16] : memref<323584xi32, #tpu.memory_space<hbm>> -> memref<128xi32, #tpu.memory_space<hbm>>
      %dma_start3A_45 = arith.constant 0 : i32
      %dma_start3A_46 = tpu.memref_slice %arg7[%run_scoped3A_17, %dma_start3A_45] : memref<2x128xi32, #tpu.memory_space<vmem>> -> memref<1x128xi32, #tpu.memory_space<vmem>>
      %dma_start3A_47 = tpu.memref_squeeze %dma_start3A_46 : memref<1x128xi32, #tpu.memory_space<vmem>> -> memref<128xi32, #tpu.memory_space<vmem>>
      %dma_start3A_48 = tpu.memref_slice %arg4[%add3A_16] : memref<323584xi32, #tpu.memory_space<hbm>> -> memref<128xi32, #tpu.memory_space<hbm>>
      tpu.enqueue_dma source(%dma_start3A_48 : memref<128xi32, #tpu.memory_space<hbm>>) target(%dma_start3A_47 : memref<128xi32, #tpu.memory_space<vmem>>) target_semaphore(%run_scoped3A_40 : memref<!tpu.dma_semaphore, #tpu.memory_space<semaphore_mem>>)
      %dma_wait3A = arith.constant 0 : i32
      %dma_wait3A_49 = tpu.memref_slice %arg7[%run_scoped3A_17, %dma_wait3A] : memref<2x128xi32, #tpu.memory_space<vmem>> -> memref<1x128xi32, #tpu.memory_space<vmem>>
      %dma_wait3A_50 = tpu.memref_squeeze %dma_wait3A_49 : memref<1x128xi32, #tpu.memory_space<vmem>> -> memref<128xi32, #tpu.memory_space<vmem>>
      %dma_wait3A_51 = tpu.memref_slice %arg4[%add3A_16] : memref<323584xi32, #tpu.memory_space<hbm>> -> memref<128xi32, #tpu.memory_space<hbm>>
      %dma_wait3A_52 = arith.constant 0 : i32
      %dma_wait3A_53 = tpu.memref_slice %arg7[%run_scoped3A_17, %dma_wait3A_52] : memref<2x128xi32, #tpu.memory_space<vmem>> -> memref<1x128xi32, #tpu.memory_space<vmem>>
      %dma_wait3A_54 = tpu.memref_squeeze %dma_wait3A_53 : memref<1x128xi32, #tpu.memory_space<vmem>> -> memref<128xi32, #tpu.memory_space<vmem>>
      %dma_wait3A_55 = tpu.memref_slice %arg4[%add3A_16] : memref<323584xi32, #tpu.memory_space<hbm>> -> memref<128xi32, #tpu.memory_space<hbm>>
      tpu.wait_dma2 semaphore(%run_scoped3A_40 : memref<!tpu.dma_semaphore, #tpu.memory_space<semaphore_mem>>) src(%dma_wait3A_55 : memref<128xi32, #tpu.memory_space<hbm>>) dst(%dma_wait3A_54 : memref<128xi32, #tpu.memory_space<vmem>>)
      tpu.yield
    }) : () -> ()
    %dma_start3A = arith.constant 0 : i32
    %dma_start3A_18 = arith.constant 0 : i32
    %dma_start3A_19 = arith.constant 0 : i32
    %dma_start3A_20 = arith.constant 0 : i32
    %dma_start3A_21 = tpu.memref_slice %arg8[%dma_start3A_18, %dma_start3A_19, %dma_start3A_20] : memref<2x128x16xf32, #tpu.memory_space<vmem>> -> memref<1x128x16xf32, #tpu.memory_space<vmem>>
    %dma_start3A_22 = tpu.memref_squeeze %dma_start3A_21 : memref<1x128x16xf32, #tpu.memory_space<vmem>> -> memref<128x16xf32, #tpu.memory_space<vmem>>
    %dma_start3A_23 = arith.constant 0 : i32
    %dma_start3A_24 = tpu.memref_slice %arg6[%dma_start3A, %dma_start3A_23] : memref<2x128xi32, #tpu.memory_space<vmem>> -> memref<1x128xi32, #tpu.memory_space<vmem>>
    %dma_start3A_25 = tpu.memref_squeeze %dma_start3A_24 : memref<1x128xi32, #tpu.memory_space<vmem>> -> memref<128xi32, #tpu.memory_space<vmem>>
    %dma_start3A_26 = arith.constant 0 : i32
    %dma_start3A_27 = arith.constant 0 : i32
    %dma_start3A_28 = tpu.memref_slice %arg2[%dma_start3A_26, %dma_start3A_27] : memref<10112x16xf32, #tpu.memory_space<hbm>> -> memref<10112x16xf32, #tpu.memory_space<hbm>>
    tpu.enqueue_indirect_dma source(%dma_start3A_28 : memref<10112x16xf32, #tpu.memory_space<hbm>>) target(%dma_start3A_22 : memref<128x16xf32, #tpu.memory_space<vmem>>) offsets(%dma_start3A_25 : memref<128xi32, #tpu.memory_space<vmem>>) semaphore(%arg11 : memref<!tpu.dma_semaphore, #tpu.memory_space<semaphore_mem>>)
    %scan3A_29 = arith.constant 0 : i32
    %scan3A_30 = arith.constant 0 : i32
    %scan3A_31 = arith.constant 79 : i32
    %scan3A_32 = arith.addi %scan3A_30, %scan3A_31 : i32
    %scan3A_33 = arith.constant 1 : i32
    scf.for %scan3A_40 = %scan3A_30 to %scan3A_32 step %scan3A_33  : i32 {
      %jit3A = arith.constant 2 : i32
      %eq3A = arith.constant 0 : i32
      %eq3A_41 = arith.cmpi eq, %jit3A, %eq3A : i32
      %jit3A_42 = arith.constant 1 : i32
      %select_n3A = arith.select %eq3A_41, %jit3A_42, %jit3A : i32
      %rem3A = arith.remsi %scan3A_40, %select_n3A : i32
      %ne3A = arith.constant 0 : i32
      %ne3A_43 = arith.cmpi ne, %rem3A, %ne3A : i32
      %lt3A = arith.constant 0 : i32
      %lt3A_44 = arith.cmpi slt, %rem3A, %lt3A : i32
      %lt3A_45 = arith.constant 0 : i32
      %lt3A_46 = arith.cmpi slt, %select_n3A, %lt3A_45 : i32
      %ne3A_47 = arith.xori %lt3A_44, %lt3A_46 : i1
      %and3A = arith.andi %ne3A_47, %ne3A_43 : i1
      %add3A_48 = arith.addi %rem3A, %select_n3A : i32
      %select_n3A_49 = arith.select %and3A, %add3A_48, %rem3A : i32
      %add3A_50 = arith.constant 1 : i32
      %add3A_51 = arith.addi %scan3A_40, %add3A_50 : i32
      %lt3A_52 = arith.constant 79 : i32
      %lt3A_53 = arith.cmpi slt, %add3A_51, %lt3A_52 : i32
      %convert_element_type3A = arith.extui %lt3A_53 : i1 to i32
      %cond3A = arith.constant 0 : i32
      %cond3A_54 = arith.cmpi ne, %convert_element_type3A, %cond3A : i32
      scf.if %cond3A_54 {
        %add3A_64 = arith.constant 1 : i32
        %add3A_65 = arith.addi %scan3A_40, %add3A_64 : i32
        %jit3A_66 = arith.constant 2 : i32
        %eq3A_67 = arith.constant 0 : i32
        %eq3A_68 = arith.cmpi eq, %jit3A_66, %eq3A_67 : i32
        %jit3A_69 = arith.constant 1 : i32
        %select_n3A_70 = arith.select %eq3A_68, %jit3A_69, %jit3A_66 : i32
        %rem3A_71 = arith.remsi %add3A_65, %select_n3A_70 : i32
        %ne3A_72 = arith.constant 0 : i32
        %ne3A_73 = arith.cmpi ne, %rem3A_71, %ne3A_72 : i32
        %lt3A_74 = arith.constant 0 : i32
        %lt3A_75 = arith.cmpi slt, %rem3A_71, %lt3A_74 : i32
        %lt3A_76 = arith.constant 0 : i32
        %lt3A_77 = arith.cmpi slt, %select_n3A_70, %lt3A_76 : i32
        %ne3A_78 = arith.xori %lt3A_75, %lt3A_77 : i1
        %and3A_79 = arith.andi %ne3A_78, %ne3A_73 : i1
        %add3A_80 = arith.addi %rem3A_71, %select_n3A_70 : i32
        %select_n3A_81 = arith.select %and3A_79, %add3A_80, %rem3A_71 : i32
        %mul3A_82 = arith.constant 128 : i32
        %mul3A_83 = arith.muli %add3A_65, %mul3A_82 : i32
        %add3A_84 = arith.addi %mul3A_4, %mul3A_83 : i32
        "tpu.region"() ({
          %run_scoped3A_98 = tpu.sem_alloc : memref<!tpu.dma_semaphore, #tpu.memory_space<semaphore_mem>>
          %dma_start3A_99 = arith.constant 0 : i32
          %dma_start3A_100 = tpu.memref_slice %arg6[%select_n3A_81, %dma_start3A_99] : memref<2x128xi32, #tpu.memory_space<vmem>> -> memref<1x128xi32, #tpu.memory_space<vmem>>
          %dma_start3A_101 = tpu.memref_squeeze %dma_start3A_100 : memref<1x128xi32, #tpu.memory_space<vmem>> -> memref<128xi32, #tpu.memory_space<vmem>>
          %dma_start3A_102 = tpu.memref_slice %arg3[%add3A_84] : memref<323584xi32, #tpu.memory_space<hbm>> -> memref<128xi32, #tpu.memory_space<hbm>>
          %dma_start3A_103 = arith.constant 0 : i32
          %dma_start3A_104 = tpu.memref_slice %arg6[%select_n3A_81, %dma_start3A_103] : memref<2x128xi32, #tpu.memory_space<vmem>> -> memref<1x128xi32, #tpu.memory_space<vmem>>
          %dma_start3A_105 = tpu.memref_squeeze %dma_start3A_104 : memref<1x128xi32, #tpu.memory_space<vmem>> -> memref<128xi32, #tpu.memory_space<vmem>>
          %dma_start3A_106 = tpu.memref_slice %arg3[%add3A_84] : memref<323584xi32, #tpu.memory_space<hbm>> -> memref<128xi32, #tpu.memory_space<hbm>>
          tpu.enqueue_dma source(%dma_start3A_106 : memref<128xi32, #tpu.memory_space<hbm>>) target(%dma_start3A_105 : memref<128xi32, #tpu.memory_space<vmem>>) target_semaphore(%run_scoped3A_98 : memref<!tpu.dma_semaphore, #tpu.memory_space<semaphore_mem>>)
          %dma_wait3A_107 = arith.constant 0 : i32
          %dma_wait3A_108 = tpu.memref_slice %arg6[%select_n3A_81, %dma_wait3A_107] : memref<2x128xi32, #tpu.memory_space<vmem>> -> memref<1x128xi32, #tpu.memory_space<vmem>>
          %dma_wait3A_109 = tpu.memref_squeeze %dma_wait3A_108 : memref<1x128xi32, #tpu.memory_space<vmem>> -> memref<128xi32, #tpu.memory_space<vmem>>
          %dma_wait3A_110 = tpu.memref_slice %arg3[%add3A_84] : memref<323584xi32, #tpu.memory_space<hbm>> -> memref<128xi32, #tpu.memory_space<hbm>>
          %dma_wait3A_111 = arith.constant 0 : i32
          %dma_wait3A_112 = tpu.memref_slice %arg6[%select_n3A_81, %dma_wait3A_111] : memref<2x128xi32, #tpu.memory_space<vmem>> -> memref<1x128xi32, #tpu.memory_space<vmem>>
          %dma_wait3A_113 = tpu.memref_squeeze %dma_wait3A_112 : memref<1x128xi32, #tpu.memory_space<vmem>> -> memref<128xi32, #tpu.memory_space<vmem>>
          %dma_wait3A_114 = tpu.memref_slice %arg3[%add3A_84] : memref<323584xi32, #tpu.memory_space<hbm>> -> memref<128xi32, #tpu.memory_space<hbm>>
          tpu.wait_dma2 semaphore(%run_scoped3A_98 : memref<!tpu.dma_semaphore, #tpu.memory_space<semaphore_mem>>) src(%dma_wait3A_114 : memref<128xi32, #tpu.memory_space<hbm>>) dst(%dma_wait3A_113 : memref<128xi32, #tpu.memory_space<vmem>>)
          tpu.yield
        }) : () -> ()
        %mul3A_85 = arith.constant 128 : i32
        %mul3A_86 = arith.muli %add3A_65, %mul3A_85 : i32
        %add3A_87 = arith.addi %mul3A_4, %mul3A_86 : i32
        "tpu.region"() ({
          %run_scoped3A_98 = tpu.sem_alloc : memref<!tpu.dma_semaphore, #tpu.memory_space<semaphore_mem>>
          %dma_start3A_99 = arith.constant 0 : i32
          %dma_start3A_100 = tpu.memref_slice %arg7[%select_n3A_81, %dma_start3A_99] : memref<2x128xi32, #tpu.memory_space<vmem>> -> memref<1x128xi32, #tpu.memory_space<vmem>>
          %dma_start3A_101 = tpu.memref_squeeze %dma_start3A_100 : memref<1x128xi32, #tpu.memory_space<vmem>> -> memref<128xi32, #tpu.memory_space<vmem>>
          %dma_start3A_102 = tpu.memref_slice %arg4[%add3A_87] : memref<323584xi32, #tpu.memory_space<hbm>> -> memref<128xi32, #tpu.memory_space<hbm>>
          %dma_start3A_103 = arith.constant 0 : i32
          %dma_start3A_104 = tpu.memref_slice %arg7[%select_n3A_81, %dma_start3A_103] : memref<2x128xi32, #tpu.memory_space<vmem>> -> memref<1x128xi32, #tpu.memory_space<vmem>>
          %dma_start3A_105 = tpu.memref_squeeze %dma_start3A_104 : memref<1x128xi32, #tpu.memory_space<vmem>> -> memref<128xi32, #tpu.memory_space<vmem>>
          %dma_start3A_106 = tpu.memref_slice %arg4[%add3A_87] : memref<323584xi32, #tpu.memory_space<hbm>> -> memref<128xi32, #tpu.memory_space<hbm>>
          tpu.enqueue_dma source(%dma_start3A_106 : memref<128xi32, #tpu.memory_space<hbm>>) target(%dma_start3A_105 : memref<128xi32, #tpu.memory_space<vmem>>) target_semaphore(%run_scoped3A_98 : memref<!tpu.dma_semaphore, #tpu.memory_space<semaphore_mem>>)
          %dma_wait3A_107 = arith.constant 0 : i32
          %dma_wait3A_108 = tpu.memref_slice %arg7[%select_n3A_81, %dma_wait3A_107] : memref<2x128xi32, #tpu.memory_space<vmem>> -> memref<1x128xi32, #tpu.memory_space<vmem>>
          %dma_wait3A_109 = tpu.memref_squeeze %dma_wait3A_108 : memref<1x128xi32, #tpu.memory_space<vmem>> -> memref<128xi32, #tpu.memory_space<vmem>>
          %dma_wait3A_110 = tpu.memref_slice %arg4[%add3A_87] : memref<323584xi32, #tpu.memory_space<hbm>> -> memref<128xi32, #tpu.memory_space<hbm>>
          %dma_wait3A_111 = arith.constant 0 : i32
          %dma_wait3A_112 = tpu.memref_slice %arg7[%select_n3A_81, %dma_wait3A_111] : memref<2x128xi32, #tpu.memory_space<vmem>> -> memref<1x128xi32, #tpu.memory_space<vmem>>
          %dma_wait3A_113 = tpu.memref_squeeze %dma_wait3A_112 : memref<1x128xi32, #tpu.memory_space<vmem>> -> memref<128xi32, #tpu.memory_space<vmem>>
          %dma_wait3A_114 = tpu.memref_slice %arg4[%add3A_87] : memref<323584xi32, #tpu.memory_space<hbm>> -> memref<128xi32, #tpu.memory_space<hbm>>
          tpu.wait_dma2 semaphore(%run_scoped3A_98 : memref<!tpu.dma_semaphore, #tpu.memory_space<semaphore_mem>>) src(%dma_wait3A_114 : memref<128xi32, #tpu.memory_space<hbm>>) dst(%dma_wait3A_113 : memref<128xi32, #tpu.memory_space<vmem>>)
          tpu.yield
        }) : () -> ()
        %dma_start3A_88 = arith.constant 0 : i32
        %dma_start3A_89 = arith.constant 0 : i32
        %dma_start3A_90 = tpu.memref_slice %arg8[%select_n3A_81, %dma_start3A_88, %dma_start3A_89] : memref<2x128x16xf32, #tpu.memory_space<vmem>> -> memref<1x128x16xf32, #tpu.memory_space<vmem>>
        %dma_start3A_91 = tpu.memref_squeeze %dma_start3A_90 : memref<1x128x16xf32, #tpu.memory_space<vmem>> -> memref<128x16xf32, #tpu.memory_space<vmem>>
        %dma_start3A_92 = arith.constant 0 : i32
        %dma_start3A_93 = tpu.memref_slice %arg6[%select_n3A_81, %dma_start3A_92] : memref<2x128xi32, #tpu.memory_space<vmem>> -> memref<1x128xi32, #tpu.memory_space<vmem>>
        %dma_start3A_94 = tpu.memref_squeeze %dma_start3A_93 : memref<1x128xi32, #tpu.memory_space<vmem>> -> memref<128xi32, #tpu.memory_space<vmem>>
        %dma_start3A_95 = arith.constant 0 : i32
        %dma_start3A_96 = arith.constant 0 : i32
        %dma_start3A_97 = tpu.memref_slice %arg2[%dma_start3A_95, %dma_start3A_96] : memref<10112x16xf32, #tpu.memory_space<hbm>> -> memref<10112x16xf32, #tpu.memory_space<hbm>>
        tpu.enqueue_indirect_dma source(%dma_start3A_97 : memref<10112x16xf32, #tpu.memory_space<hbm>>) target(%dma_start3A_91 : memref<128x16xf32, #tpu.memory_space<vmem>>) offsets(%dma_start3A_94 : memref<128xi32, #tpu.memory_space<vmem>>) semaphore(%arg11 : memref<!tpu.dma_semaphore, #tpu.memory_space<semaphore_mem>>)
      } else {
      }
      %dma_wait3A = arith.constant 0 : i32
      %dma_wait3A_55 = arith.constant 0 : i32
      %dma_wait3A_56 = tpu.memref_slice %arg8[%select_n3A_49, %dma_wait3A, %dma_wait3A_55] : memref<2x128x16xf32, #tpu.memory_space<vmem>> -> memref<1x128x16xf32, #tpu.memory_space<vmem>>
      %dma_wait3A_57 = tpu.memref_squeeze %dma_wait3A_56 : memref<1x128x16xf32, #tpu.memory_space<vmem>> -> memref<128x16xf32, #tpu.memory_space<vmem>>
      %dma_wait3A_58 = arith.constant 0 : i32
      %dma_wait3A_59 = tpu.memref_slice %arg6[%select_n3A_49, %dma_wait3A_58] : memref<2x128xi32, #tpu.memory_space<vmem>> -> memref<1x128xi32, #tpu.memory_space<vmem>>
      %dma_wait3A_60 = tpu.memref_squeeze %dma_wait3A_59 : memref<1x128xi32, #tpu.memory_space<vmem>> -> memref<128xi32, #tpu.memory_space<vmem>>
      %dma_wait3A_61 = arith.constant 0 : i32
      %dma_wait3A_62 = arith.constant 0 : i32
      %dma_wait3A_63 = tpu.memref_slice %arg2[%dma_wait3A_61, %dma_wait3A_62] : memref<10112x16xf32, #tpu.memory_space<hbm>> -> memref<10112x16xf32, #tpu.memory_space<hbm>>
      tpu.wait_indirect_dma semaphore(%arg11 : memref<!tpu.dma_semaphore, #tpu.memory_space<semaphore_mem>>) src(%dma_wait3A_63 : memref<10112x16xf32, #tpu.memory_space<hbm>>) dst(%dma_wait3A_57 : memref<128x16xf32, #tpu.memory_space<vmem>>)
      "tpu.region"() ({
        %run_scoped3A_64 = tpu.sem_alloc : memref<!tpu.dma_semaphore, #tpu.memory_space<semaphore_mem>>
        %dma_start3A_65 = arith.constant 0 : i32
        %dma_start3A_66 = arith.constant 0 : i32
        %dma_start3A_67 = tpu.memref_slice %arg8[%select_n3A_49, %dma_start3A_65, %dma_start3A_66] : memref<2x128x16xf32, #tpu.memory_space<vmem>> -> memref<1x128x16xf32, #tpu.memory_space<vmem>>
        %dma_start3A_68 = tpu.memref_squeeze %dma_start3A_67 : memref<1x128x16xf32, #tpu.memory_space<vmem>> -> memref<128x16xf32, #tpu.memory_space<vmem>>
        %dma_start3A_69 = arith.constant 0 : i32
        %dma_start3A_70 = tpu.memref_slice %arg7[%select_n3A_49, %dma_start3A_69] : memref<2x128xi32, #tpu.memory_space<vmem>> -> memref<1x128xi32, #tpu.memory_space<vmem>>
        %dma_start3A_71 = tpu.memref_squeeze %dma_start3A_70 : memref<1x128xi32, #tpu.memory_space<vmem>> -> memref<128xi32, #tpu.memory_space<vmem>>
        %dma_start3A_72 = arith.constant 0 : i32
        %dma_start3A_73 = arith.constant 0 : i32
        %dma_start3A_74 = tpu.memref_slice %arg10[%dma_start3A_72, %dma_start3A_73] : memref<10112x16xf32, #tpu.memory_space<vmem_shared>> -> memref<10112x16xf32, #tpu.memory_space<vmem_shared>>
        tpu.enqueue_indirect_dma source(%dma_start3A_68 : memref<128x16xf32, #tpu.memory_space<vmem>>) target(%dma_start3A_74 : memref<10112x16xf32, #tpu.memory_space<vmem_shared>>) offsets(%dma_start3A_71 : memref<128xi32, #tpu.memory_space<vmem>>) semaphore(%run_scoped3A_64 : memref<!tpu.dma_semaphore, #tpu.memory_space<semaphore_mem>>) {add = true}
        %dma_wait3A_75 = arith.constant 0 : i32
        %dma_wait3A_76 = arith.constant 0 : i32
        %dma_wait3A_77 = tpu.memref_slice %arg8[%select_n3A_49, %dma_wait3A_75, %dma_wait3A_76] : memref<2x128x16xf32, #tpu.memory_space<vmem>> -> memref<1x128x16xf32, #tpu.memory_space<vmem>>
        %dma_wait3A_78 = tpu.memref_squeeze %dma_wait3A_77 : memref<1x128x16xf32, #tpu.memory_space<vmem>> -> memref<128x16xf32, #tpu.memory_space<vmem>>
        %dma_wait3A_79 = arith.constant 0 : i32
        %dma_wait3A_80 = tpu.memref_slice %arg7[%select_n3A_49, %dma_wait3A_79] : memref<2x128xi32, #tpu.memory_space<vmem>> -> memref<1x128xi32, #tpu.memory_space<vmem>>
        %dma_wait3A_81 = tpu.memref_squeeze %dma_wait3A_80 : memref<1x128xi32, #tpu.memory_space<vmem>> -> memref<128xi32, #tpu.memory_space<vmem>>
        %dma_wait3A_82 = arith.constant 0 : i32
        %dma_wait3A_83 = arith.constant 0 : i32
        %dma_wait3A_84 = tpu.memref_slice %arg10[%dma_wait3A_82, %dma_wait3A_83] : memref<10112x16xf32, #tpu.memory_space<vmem_shared>> -> memref<10112x16xf32, #tpu.memory_space<vmem_shared>>
        tpu.wait_indirect_dma semaphore(%run_scoped3A_64 : memref<!tpu.dma_semaphore, #tpu.memory_space<semaphore_mem>>) src(%dma_wait3A_78 : memref<128x16xf32, #tpu.memory_space<vmem>>) dst(%dma_wait3A_84 : memref<10112x16xf32, #tpu.memory_space<vmem_shared>>)
        tpu.yield
      }) : () -> ()
    }
    %scan3A_34 = arith.constant 79 : i32
    %barrier3A_35 = arith.constant 0 : index
    tpu.barrier barrier_id(%barrier3A_35)
    %mul3A_36 = arith.constant 632 : i32
    %mul3A_37 = arith.muli %arg1, %mul3A_36 : i32
    %mul3A_38 = arith.constant 632 : i32
    %mul3A_39 = arith.muli %arg1, %mul3A_38 : i32
    "tpu.region"() ({
      %run_scoped3A_40 = tpu.sem_alloc : memref<!tpu.dma_semaphore, #tpu.memory_space<semaphore_mem>>
      %dma_start3A_41 = arith.constant 0 : i32
      %dma_start3A_42 = tpu.memref_slice %arg5[%arg0, %mul3A_39, %dma_start3A_41] : memref<2x10112x16xf32, #tpu.memory_space<hbm>> -> memref<1x632x16xf32, #tpu.memory_space<hbm>>
      %dma_start3A_43 = tpu.memref_squeeze %dma_start3A_42 : memref<1x632x16xf32, #tpu.memory_space<hbm>> -> memref<632x16xf32, #tpu.memory_space<hbm>>
      %dma_start3A_44 = arith.constant 0 : i32
      %dma_start3A_45 = tpu.memref_slice %arg10[%mul3A_37, %dma_start3A_44] : memref<10112x16xf32, #tpu.memory_space<vmem_shared>> -> memref<632x16xf32, #tpu.memory_space<vmem_shared>>
      tpu.enqueue_dma source(%dma_start3A_45 : memref<632x16xf32, #tpu.memory_space<vmem_shared>>) target(%dma_start3A_43 : memref<632x16xf32, #tpu.memory_space<hbm>>) target_semaphore(%run_scoped3A_40 : memref<!tpu.dma_semaphore, #tpu.memory_space<semaphore_mem>>)
      %dma_wait3A = arith.constant 0 : i32
      %dma_wait3A_46 = tpu.memref_slice %arg5[%arg0, %mul3A_39, %dma_wait3A] : memref<2x10112x16xf32, #tpu.memory_space<hbm>> -> memref<1x632x16xf32, #tpu.memory_space<hbm>>
      %dma_wait3A_47 = tpu.memref_squeeze %dma_wait3A_46 : memref<1x632x16xf32, #tpu.memory_space<hbm>> -> memref<632x16xf32, #tpu.memory_space<hbm>>
      %dma_wait3A_48 = arith.constant 0 : i32
      %dma_wait3A_49 = tpu.memref_slice %arg10[%mul3A_37, %dma_wait3A_48] : memref<10112x16xf32, #tpu.memory_space<vmem_shared>> -> memref<632x16xf32, #tpu.memory_space<vmem_shared>>
      tpu.wait_dma2 semaphore(%run_scoped3A_40 : memref<!tpu.dma_semaphore, #tpu.memory_space<semaphore_mem>>) src(%dma_wait3A_49 : memref<632x16xf32, #tpu.memory_space<vmem_shared>>) dst(%dma_wait3A_47 : memref<632x16xf32, #tpu.memory_space<hbm>>)
      tpu.yield
    }) : () -> ()
    return
  }
}

#map = affine_map<(d0, d1) -> (0, 0)>
#map1 = affine_map<(d0, d1) -> (0)>
#map2 = affine_map<(d0, d1) -> (0, 0, 0)>
module attributes {stable_mosaic.version = 14 : i64} {
  func.func @segsum(%arg0: i32, %arg1: i32, %arg2: memref<10112x64xf32, #tpu.memory_space<hbm>>, %arg3: memref<323584xi32, #tpu.memory_space<hbm>>, %arg4: memref<323584xi32, #tpu.memory_space<hbm>>, %arg5: memref<2x10112x64xf32, #tpu.memory_space<hbm>>, %arg6: memref<2x128xi32, #tpu.memory_space<vmem>>, %arg7: memref<2x128xi32, #tpu.memory_space<vmem>>, %arg8: memref<2x128x64xf32, #tpu.memory_space<vmem>>, %arg9: memref<632x64xf32, #tpu.memory_space<vmem>>, %arg10: memref<10112x64xf32, #tpu.memory_space<vmem_shared>>, %arg11: memref<!tpu.dma_semaphore, #tpu.memory_space<semaphore_mem>>) attributes {dimension_semantics = [#tpu.dimension_semantics<core_parallel>, #tpu.dimension_semantics<subcore_parallel>], iteration_bounds = array<i64: 2, 16>, scalar_prefetch = 0 : i64, scratch_operands = 6 : i64, tpu.core_type = #tpu.core_type<sc_vector_subcore>, window_params = [{transform_indices = #map}, {transform_indices = #map1}, {transform_indices = #map1}, {transform_indices = #map2}]} {
    %mul3A = arith.constant 2 : i32
    %mul3A_0 = arith.muli %arg1, %mul3A : i32
    %add3A = arith.addi %mul3A_0, %arg0 : i32
    %mul3A_1 = arith.constant 79 : i32
    %mul3A_2 = arith.muli %add3A, %mul3A_1 : i32
    %mul3A_3 = arith.constant 128 : i32
    %mul3A_4 = arith.muli %mul3A_2, %mul3A_3 : i32
    %broadcast_in_dim3A = arith.constant 0.000000e+00 : f32
    %broadcast_in_dim3A_5 = vector.broadcast %broadcast_in_dim3A : f32 to vector<16xf32>
    %scan3A = arith.constant 0 : i32
    %scan3A_6 = arith.constant 0 : i32
    %scan3A_7 = arith.constant 2528 : i32
    %scan3A_8 = arith.addi %scan3A_6, %scan3A_7 : i32
    %scan3A_9 = arith.constant 1 : i32
    scf.for %scan3A_40 = %scan3A_6 to %scan3A_8 step %scan3A_9  : i32 {
      %jit3A = arith.constant 4 : i32
      %div3A = arith.divsi %scan3A_40, %jit3A : i32
      %sign3A = arith.constant 0 : i32
      %sign3A_41 = arith.cmpi sgt, %scan3A_40, %sign3A : i32
      %sign3A_42 = arith.extui %sign3A_41 : i1 to i32
      %sign3A_43 = arith.constant 0 : i32
      %sign3A_44 = arith.cmpi slt, %scan3A_40, %sign3A_43 : i32
      %sign3A_45 = arith.extui %sign3A_44 : i1 to i32
      %sign3A_46 = arith.subi %sign3A_42, %sign3A_45 : i32
      %sign3A_47 = arith.constant 0 : i32
      %sign3A_48 = arith.cmpi sgt, %jit3A, %sign3A_47 : i32
      %sign3A_49 = arith.extui %sign3A_48 : i1 to i32
      %sign3A_50 = arith.constant 0 : i32
      %sign3A_51 = arith.cmpi slt, %jit3A, %sign3A_50 : i32
      %sign3A_52 = arith.extui %sign3A_51 : i1 to i32
      %sign3A_53 = arith.subi %sign3A_49, %sign3A_52 : i32
      %ne3A = arith.cmpi ne, %sign3A_46, %sign3A_53 : i32
      %rem3A = arith.remsi %scan3A_40, %jit3A : i32
      %ne3A_54 = arith.constant 0 : i32
      %ne3A_55 = arith.cmpi ne, %rem3A, %ne3A_54 : i32
      %and3A = arith.andi %ne3A, %ne3A_55 : i1
      %sub3A = arith.constant 1 : i32
      %sub3A_56 = arith.subi %div3A, %sub3A : i32
      %select_n3A = arith.select %and3A, %sub3A_56, %div3A : i32
      %jit3A_57 = arith.constant 4 : i32
      %eq3A = arith.constant 0 : i32
      %eq3A_58 = arith.cmpi eq, %jit3A_57, %eq3A : i32
      %jit3A_59 = arith.constant 1 : i32
      %select_n3A_60 = arith.select %eq3A_58, %jit3A_59, %jit3A_57 : i32
      %rem3A_61 = arith.remsi %scan3A_40, %select_n3A_60 : i32
      %ne3A_62 = arith.constant 0 : i32
      %ne3A_63 = arith.cmpi ne, %rem3A_61, %ne3A_62 : i32
      %lt3A = arith.constant 0 : i32
      %lt3A_64 = arith.cmpi slt, %rem3A_61, %lt3A : i32
      %lt3A_65 = arith.constant 0 : i32
      %lt3A_66 = arith.cmpi slt, %select_n3A_60, %lt3A_65 : i32
      %ne3A_67 = arith.xori %lt3A_64, %lt3A_66 : i1
      %and3A_68 = arith.andi %ne3A_67, %ne3A_63 : i1
      %add3A_69 = arith.addi %rem3A_61, %select_n3A_60 : i32
      %select_n3A_70 = arith.select %and3A_68, %add3A_69, %rem3A_61 : i32
      %mul3A_71 = arith.constant 16 : i32
      %mul3A_72 = arith.muli %select_n3A_70, %mul3A_71 : i32
      %swap3A = arith.index_cast %select_n3A : i32 to index
      %swap3A_73 = arith.index_cast %mul3A_72 : i32 to index
      %swap3A_74 = tpu.vector_load %arg9[%swap3A, %swap3A_73] {strides = array<i32>} : memref<632x64xf32, #tpu.memory_space<vmem>>, vector<1x16xf32>,
      %swap3A_75 = vector.shape_cast %swap3A_74 : vector<1x16xf32> to vector<16xf32>
      %swap3A_76 = vector.shape_cast %broadcast_in_dim3A_5 : vector<16xf32> to vector<1x16xf32>
      tpu.vector_store %arg9[%swap3A, %swap3A_73], %swap3A_76 {strides = array<i32>} : memref<632x64xf32, #tpu.memory_space<vmem>>, vector<1x16xf32>,
    }
    %scan3A_10 = arith.constant 2528 : i32
    %mul3A_11 = arith.constant 632 : i32
    %mul3A_12 = arith.muli %arg1, %mul3A_11 : i32
    "tpu.region"() ({
      %run_scoped3A_40 = tpu.sem_alloc : memref<!tpu.dma_semaphore, #tpu.memory_space<semaphore_mem>>
      %dma_start3A_41 = arith.constant 0 : i32
      %dma_start3A_42 = tpu.memref_slice %arg10[%mul3A_12, %dma_start3A_41] : memref<10112x64xf32, #tpu.memory_space<vmem_shared>> -> memref<632x64xf32, #tpu.memory_space<vmem_shared>>
      %dma_start3A_43 = arith.constant 0 : i32
      %dma_start3A_44 = tpu.memref_slice %arg10[%mul3A_12, %dma_start3A_43] : memref<10112x64xf32, #tpu.memory_space<vmem_shared>> -> memref<632x64xf32, #tpu.memory_space<vmem_shared>>
      tpu.enqueue_dma source(%arg9 : memref<632x64xf32, #tpu.memory_space<vmem>>) target(%dma_start3A_44 : memref<632x64xf32, #tpu.memory_space<vmem_shared>>) target_semaphore(%run_scoped3A_40 : memref<!tpu.dma_semaphore, #tpu.memory_space<semaphore_mem>>)
      %dma_wait3A = arith.constant 0 : i32
      %dma_wait3A_45 = tpu.memref_slice %arg10[%mul3A_12, %dma_wait3A] : memref<10112x64xf32, #tpu.memory_space<vmem_shared>> -> memref<632x64xf32, #tpu.memory_space<vmem_shared>>
      %dma_wait3A_46 = arith.constant 0 : i32
      %dma_wait3A_47 = tpu.memref_slice %arg10[%mul3A_12, %dma_wait3A_46] : memref<10112x64xf32, #tpu.memory_space<vmem_shared>> -> memref<632x64xf32, #tpu.memory_space<vmem_shared>>
      tpu.wait_dma2 semaphore(%run_scoped3A_40 : memref<!tpu.dma_semaphore, #tpu.memory_space<semaphore_mem>>) src(%arg9 : memref<632x64xf32, #tpu.memory_space<vmem>>) dst(%dma_wait3A_47 : memref<632x64xf32, #tpu.memory_space<vmem_shared>>)
      tpu.yield
    }) : () -> ()
    %barrier3A = arith.constant 0 : index
    tpu.barrier barrier_id(%barrier3A)
    %add3A_13 = arith.constant 0 : i32
    %add3A_14 = arith.addi %mul3A_4, %add3A_13 : i32
    %run_scoped3A = arith.constant 0 : i32
    "tpu.region"() ({
      %run_scoped3A_40 = tpu.sem_alloc : memref<!tpu.dma_semaphore, #tpu.memory_space<semaphore_mem>>
      %dma_start3A_41 = arith.constant 0 : i32
      %dma_start3A_42 = tpu.memref_slice %arg6[%run_scoped3A, %dma_start3A_41] : memref<2x128xi32, #tpu.memory_space<vmem>> -> memref<1x128xi32, #tpu.memory_space<vmem>>
      %dma_start3A_43 = tpu.memref_squeeze %dma_start3A_42 : memref<1x128xi32, #tpu.memory_space<vmem>> -> memref<128xi32, #tpu.memory_space<vmem>>
      %dma_start3A_44 = tpu.memref_slice %arg3[%add3A_14] : memref<323584xi32, #tpu.memory_space<hbm>> -> memref<128xi32, #tpu.memory_space<hbm>>
      %dma_start3A_45 = arith.constant 0 : i32
      %dma_start3A_46 = tpu.memref_slice %arg6[%run_scoped3A, %dma_start3A_45] : memref<2x128xi32, #tpu.memory_space<vmem>> -> memref<1x128xi32, #tpu.memory_space<vmem>>
      %dma_start3A_47 = tpu.memref_squeeze %dma_start3A_46 : memref<1x128xi32, #tpu.memory_space<vmem>> -> memref<128xi32, #tpu.memory_space<vmem>>
      %dma_start3A_48 = tpu.memref_slice %arg3[%add3A_14] : memref<323584xi32, #tpu.memory_space<hbm>> -> memref<128xi32, #tpu.memory_space<hbm>>
      tpu.enqueue_dma source(%dma_start3A_48 : memref<128xi32, #tpu.memory_space<hbm>>) target(%dma_start3A_47 : memref<128xi32, #tpu.memory_space<vmem>>) target_semaphore(%run_scoped3A_40 : memref<!tpu.dma_semaphore, #tpu.memory_space<semaphore_mem>>)
      %dma_wait3A = arith.constant 0 : i32
      %dma_wait3A_49 = tpu.memref_slice %arg6[%run_scoped3A, %dma_wait3A] : memref<2x128xi32, #tpu.memory_space<vmem>> -> memref<1x128xi32, #tpu.memory_space<vmem>>
      %dma_wait3A_50 = tpu.memref_squeeze %dma_wait3A_49 : memref<1x128xi32, #tpu.memory_space<vmem>> -> memref<128xi32, #tpu.memory_space<vmem>>
      %dma_wait3A_51 = tpu.memref_slice %arg3[%add3A_14] : memref<323584xi32, #tpu.memory_space<hbm>> -> memref<128xi32, #tpu.memory_space<hbm>>
      %dma_wait3A_52 = arith.constant 0 : i32
      %dma_wait3A_53 = tpu.memref_slice %arg6[%run_scoped3A, %dma_wait3A_52] : memref<2x128xi32, #tpu.memory_space<vmem>> -> memref<1x128xi32, #tpu.memory_space<vmem>>
      %dma_wait3A_54 = tpu.memref_squeeze %dma_wait3A_53 : memref<1x128xi32, #tpu.memory_space<vmem>> -> memref<128xi32, #tpu.memory_space<vmem>>
      %dma_wait3A_55 = tpu.memref_slice %arg3[%add3A_14] : memref<323584xi32, #tpu.memory_space<hbm>> -> memref<128xi32, #tpu.memory_space<hbm>>
      tpu.wait_dma2 semaphore(%run_scoped3A_40 : memref<!tpu.dma_semaphore, #tpu.memory_space<semaphore_mem>>) src(%dma_wait3A_55 : memref<128xi32, #tpu.memory_space<hbm>>) dst(%dma_wait3A_54 : memref<128xi32, #tpu.memory_space<vmem>>)
      tpu.yield
    }) : () -> ()
    %add3A_15 = arith.constant 0 : i32
    %add3A_16 = arith.addi %mul3A_4, %add3A_15 : i32
    %run_scoped3A_17 = arith.constant 0 : i32
    "tpu.region"() ({
      %run_scoped3A_40 = tpu.sem_alloc : memref<!tpu.dma_semaphore, #tpu.memory_space<semaphore_mem>>
      %dma_start3A_41 = arith.constant 0 : i32
      %dma_start3A_42 = tpu.memref_slice %arg7[%run_scoped3A_17, %dma_start3A_41] : memref<2x128xi32, #tpu.memory_space<vmem>> -> memref<1x128xi32, #tpu.memory_space<vmem>>
      %dma_start3A_43 = tpu.memref_squeeze %dma_start3A_42 : memref<1x128xi32, #tpu.memory_space<vmem>> -> memref<128xi32, #tpu.memory_space<vmem>>
      %dma_start3A_44 = tpu.memref_slice %arg4[%add3A_16] : memref<323584xi32, #tpu.memory_space<hbm>> -> memref<128xi32, #tpu.memory_space<hbm>>
      %dma_start3A_45 = arith.constant 0 : i32
      %dma_start3A_46 = tpu.memref_slice %arg7[%run_scoped3A_17, %dma_start3A_45] : memref<2x128xi32, #tpu.memory_space<vmem>> -> memref<1x128xi32, #tpu.memory_space<vmem>>
      %dma_start3A_47 = tpu.memref_squeeze %dma_start3A_46 : memref<1x128xi32, #tpu.memory_space<vmem>> -> memref<128xi32, #tpu.memory_space<vmem>>
      %dma_start3A_48 = tpu.memref_slice %arg4[%add3A_16] : memref<323584xi32, #tpu.memory_space<hbm>> -> memref<128xi32, #tpu.memory_space<hbm>>
      tpu.enqueue_dma source(%dma_start3A_48 : memref<128xi32, #tpu.memory_space<hbm>>) target(%dma_start3A_47 : memref<128xi32, #tpu.memory_space<vmem>>) target_semaphore(%run_scoped3A_40 : memref<!tpu.dma_semaphore, #tpu.memory_space<semaphore_mem>>)
      %dma_wait3A = arith.constant 0 : i32
      %dma_wait3A_49 = tpu.memref_slice %arg7[%run_scoped3A_17, %dma_wait3A] : memref<2x128xi32, #tpu.memory_space<vmem>> -> memref<1x128xi32, #tpu.memory_space<vmem>>
      %dma_wait3A_50 = tpu.memref_squeeze %dma_wait3A_49 : memref<1x128xi32, #tpu.memory_space<vmem>> -> memref<128xi32, #tpu.memory_space<vmem>>
      %dma_wait3A_51 = tpu.memref_slice %arg4[%add3A_16] : memref<323584xi32, #tpu.memory_space<hbm>> -> memref<128xi32, #tpu.memory_space<hbm>>
      %dma_wait3A_52 = arith.constant 0 : i32
      %dma_wait3A_53 = tpu.memref_slice %arg7[%run_scoped3A_17, %dma_wait3A_52] : memref<2x128xi32, #tpu.memory_space<vmem>> -> memref<1x128xi32, #tpu.memory_space<vmem>>
      %dma_wait3A_54 = tpu.memref_squeeze %dma_wait3A_53 : memref<1x128xi32, #tpu.memory_space<vmem>> -> memref<128xi32, #tpu.memory_space<vmem>>
      %dma_wait3A_55 = tpu.memref_slice %arg4[%add3A_16] : memref<323584xi32, #tpu.memory_space<hbm>> -> memref<128xi32, #tpu.memory_space<hbm>>
      tpu.wait_dma2 semaphore(%run_scoped3A_40 : memref<!tpu.dma_semaphore, #tpu.memory_space<semaphore_mem>>) src(%dma_wait3A_55 : memref<128xi32, #tpu.memory_space<hbm>>) dst(%dma_wait3A_54 : memref<128xi32, #tpu.memory_space<vmem>>)
      tpu.yield
    }) : () -> ()
    %dma_start3A = arith.constant 0 : i32
    %dma_start3A_18 = arith.constant 0 : i32
    %dma_start3A_19 = arith.constant 0 : i32
    %dma_start3A_20 = arith.constant 0 : i32
    %dma_start3A_21 = tpu.memref_slice %arg8[%dma_start3A_18, %dma_start3A_19, %dma_start3A_20] : memref<2x128x64xf32, #tpu.memory_space<vmem>> -> memref<1x128x64xf32, #tpu.memory_space<vmem>>
    %dma_start3A_22 = tpu.memref_squeeze %dma_start3A_21 : memref<1x128x64xf32, #tpu.memory_space<vmem>> -> memref<128x64xf32, #tpu.memory_space<vmem>>
    %dma_start3A_23 = arith.constant 0 : i32
    %dma_start3A_24 = tpu.memref_slice %arg6[%dma_start3A, %dma_start3A_23] : memref<2x128xi32, #tpu.memory_space<vmem>> -> memref<1x128xi32, #tpu.memory_space<vmem>>
    %dma_start3A_25 = tpu.memref_squeeze %dma_start3A_24 : memref<1x128xi32, #tpu.memory_space<vmem>> -> memref<128xi32, #tpu.memory_space<vmem>>
    %dma_start3A_26 = arith.constant 0 : i32
    %dma_start3A_27 = arith.constant 0 : i32
    %dma_start3A_28 = tpu.memref_slice %arg2[%dma_start3A_26, %dma_start3A_27] : memref<10112x64xf32, #tpu.memory_space<hbm>> -> memref<10112x64xf32, #tpu.memory_space<hbm>>
    tpu.enqueue_indirect_dma source(%dma_start3A_28 : memref<10112x64xf32, #tpu.memory_space<hbm>>) target(%dma_start3A_22 : memref<128x64xf32, #tpu.memory_space<vmem>>) offsets(%dma_start3A_25 : memref<128xi32, #tpu.memory_space<vmem>>) semaphore(%arg11 : memref<!tpu.dma_semaphore, #tpu.memory_space<semaphore_mem>>)
    %scan3A_29 = arith.constant 0 : i32
    %scan3A_30 = arith.constant 0 : i32
    %scan3A_31 = arith.constant 79 : i32
    %scan3A_32 = arith.addi %scan3A_30, %scan3A_31 : i32
    %scan3A_33 = arith.constant 1 : i32
    scf.for %scan3A_40 = %scan3A_30 to %scan3A_32 step %scan3A_33  : i32 {
      %jit3A = arith.constant 2 : i32
      %eq3A = arith.constant 0 : i32
      %eq3A_41 = arith.cmpi eq, %jit3A, %eq3A : i32
      %jit3A_42 = arith.constant 1 : i32
      %select_n3A = arith.select %eq3A_41, %jit3A_42, %jit3A : i32
      %rem3A = arith.remsi %scan3A_40, %select_n3A : i32
      %ne3A = arith.constant 0 : i32
      %ne3A_43 = arith.cmpi ne, %rem3A, %ne3A : i32
      %lt3A = arith.constant 0 : i32
      %lt3A_44 = arith.cmpi slt, %rem3A, %lt3A : i32
      %lt3A_45 = arith.constant 0 : i32
      %lt3A_46 = arith.cmpi slt, %select_n3A, %lt3A_45 : i32
      %ne3A_47 = arith.xori %lt3A_44, %lt3A_46 : i1
      %and3A = arith.andi %ne3A_47, %ne3A_43 : i1
      %add3A_48 = arith.addi %rem3A, %select_n3A : i32
      %select_n3A_49 = arith.select %and3A, %add3A_48, %rem3A : i32
      %add3A_50 = arith.constant 1 : i32
      %add3A_51 = arith.addi %scan3A_40, %add3A_50 : i32
      %lt3A_52 = arith.constant 79 : i32
      %lt3A_53 = arith.cmpi slt, %add3A_51, %lt3A_52 : i32
      %convert_element_type3A = arith.extui %lt3A_53 : i1 to i32
      %cond3A = arith.constant 0 : i32
      %cond3A_54 = arith.cmpi ne, %convert_element_type3A, %cond3A : i32
      scf.if %cond3A_54 {
        %add3A_64 = arith.constant 1 : i32
        %add3A_65 = arith.addi %scan3A_40, %add3A_64 : i32
        %jit3A_66 = arith.constant 2 : i32
        %eq3A_67 = arith.constant 0 : i32
        %eq3A_68 = arith.cmpi eq, %jit3A_66, %eq3A_67 : i32
        %jit3A_69 = arith.constant 1 : i32
        %select_n3A_70 = arith.select %eq3A_68, %jit3A_69, %jit3A_66 : i32
        %rem3A_71 = arith.remsi %add3A_65, %select_n3A_70 : i32
        %ne3A_72 = arith.constant 0 : i32
        %ne3A_73 = arith.cmpi ne, %rem3A_71, %ne3A_72 : i32
        %lt3A_74 = arith.constant 0 : i32
        %lt3A_75 = arith.cmpi slt, %rem3A_71, %lt3A_74 : i32
        %lt3A_76 = arith.constant 0 : i32
        %lt3A_77 = arith.cmpi slt, %select_n3A_70, %lt3A_76 : i32
        %ne3A_78 = arith.xori %lt3A_75, %lt3A_77 : i1
        %and3A_79 = arith.andi %ne3A_78, %ne3A_73 : i1
        %add3A_80 = arith.addi %rem3A_71, %select_n3A_70 : i32
        %select_n3A_81 = arith.select %and3A_79, %add3A_80, %rem3A_71 : i32
        %mul3A_82 = arith.constant 128 : i32
        %mul3A_83 = arith.muli %add3A_65, %mul3A_82 : i32
        %add3A_84 = arith.addi %mul3A_4, %mul3A_83 : i32
        "tpu.region"() ({
          %run_scoped3A_98 = tpu.sem_alloc : memref<!tpu.dma_semaphore, #tpu.memory_space<semaphore_mem>>
          %dma_start3A_99 = arith.constant 0 : i32
          %dma_start3A_100 = tpu.memref_slice %arg6[%select_n3A_81, %dma_start3A_99] : memref<2x128xi32, #tpu.memory_space<vmem>> -> memref<1x128xi32, #tpu.memory_space<vmem>>
          %dma_start3A_101 = tpu.memref_squeeze %dma_start3A_100 : memref<1x128xi32, #tpu.memory_space<vmem>> -> memref<128xi32, #tpu.memory_space<vmem>>
          %dma_start3A_102 = tpu.memref_slice %arg3[%add3A_84] : memref<323584xi32, #tpu.memory_space<hbm>> -> memref<128xi32, #tpu.memory_space<hbm>>
          %dma_start3A_103 = arith.constant 0 : i32
          %dma_start3A_104 = tpu.memref_slice %arg6[%select_n3A_81, %dma_start3A_103] : memref<2x128xi32, #tpu.memory_space<vmem>> -> memref<1x128xi32, #tpu.memory_space<vmem>>
          %dma_start3A_105 = tpu.memref_squeeze %dma_start3A_104 : memref<1x128xi32, #tpu.memory_space<vmem>> -> memref<128xi32, #tpu.memory_space<vmem>>
          %dma_start3A_106 = tpu.memref_slice %arg3[%add3A_84] : memref<323584xi32, #tpu.memory_space<hbm>> -> memref<128xi32, #tpu.memory_space<hbm>>
          tpu.enqueue_dma source(%dma_start3A_106 : memref<128xi32, #tpu.memory_space<hbm>>) target(%dma_start3A_105 : memref<128xi32, #tpu.memory_space<vmem>>) target_semaphore(%run_scoped3A_98 : memref<!tpu.dma_semaphore, #tpu.memory_space<semaphore_mem>>)
          %dma_wait3A_107 = arith.constant 0 : i32
          %dma_wait3A_108 = tpu.memref_slice %arg6[%select_n3A_81, %dma_wait3A_107] : memref<2x128xi32, #tpu.memory_space<vmem>> -> memref<1x128xi32, #tpu.memory_space<vmem>>
          %dma_wait3A_109 = tpu.memref_squeeze %dma_wait3A_108 : memref<1x128xi32, #tpu.memory_space<vmem>> -> memref<128xi32, #tpu.memory_space<vmem>>
          %dma_wait3A_110 = tpu.memref_slice %arg3[%add3A_84] : memref<323584xi32, #tpu.memory_space<hbm>> -> memref<128xi32, #tpu.memory_space<hbm>>
          %dma_wait3A_111 = arith.constant 0 : i32
          %dma_wait3A_112 = tpu.memref_slice %arg6[%select_n3A_81, %dma_wait3A_111] : memref<2x128xi32, #tpu.memory_space<vmem>> -> memref<1x128xi32, #tpu.memory_space<vmem>>
          %dma_wait3A_113 = tpu.memref_squeeze %dma_wait3A_112 : memref<1x128xi32, #tpu.memory_space<vmem>> -> memref<128xi32, #tpu.memory_space<vmem>>
          %dma_wait3A_114 = tpu.memref_slice %arg3[%add3A_84] : memref<323584xi32, #tpu.memory_space<hbm>> -> memref<128xi32, #tpu.memory_space<hbm>>
          tpu.wait_dma2 semaphore(%run_scoped3A_98 : memref<!tpu.dma_semaphore, #tpu.memory_space<semaphore_mem>>) src(%dma_wait3A_114 : memref<128xi32, #tpu.memory_space<hbm>>) dst(%dma_wait3A_113 : memref<128xi32, #tpu.memory_space<vmem>>)
          tpu.yield
        }) : () -> ()
        %mul3A_85 = arith.constant 128 : i32
        %mul3A_86 = arith.muli %add3A_65, %mul3A_85 : i32
        %add3A_87 = arith.addi %mul3A_4, %mul3A_86 : i32
        "tpu.region"() ({
          %run_scoped3A_98 = tpu.sem_alloc : memref<!tpu.dma_semaphore, #tpu.memory_space<semaphore_mem>>
          %dma_start3A_99 = arith.constant 0 : i32
          %dma_start3A_100 = tpu.memref_slice %arg7[%select_n3A_81, %dma_start3A_99] : memref<2x128xi32, #tpu.memory_space<vmem>> -> memref<1x128xi32, #tpu.memory_space<vmem>>
          %dma_start3A_101 = tpu.memref_squeeze %dma_start3A_100 : memref<1x128xi32, #tpu.memory_space<vmem>> -> memref<128xi32, #tpu.memory_space<vmem>>
          %dma_start3A_102 = tpu.memref_slice %arg4[%add3A_87] : memref<323584xi32, #tpu.memory_space<hbm>> -> memref<128xi32, #tpu.memory_space<hbm>>
          %dma_start3A_103 = arith.constant 0 : i32
          %dma_start3A_104 = tpu.memref_slice %arg7[%select_n3A_81, %dma_start3A_103] : memref<2x128xi32, #tpu.memory_space<vmem>> -> memref<1x128xi32, #tpu.memory_space<vmem>>
          %dma_start3A_105 = tpu.memref_squeeze %dma_start3A_104 : memref<1x128xi32, #tpu.memory_space<vmem>> -> memref<128xi32, #tpu.memory_space<vmem>>
          %dma_start3A_106 = tpu.memref_slice %arg4[%add3A_87] : memref<323584xi32, #tpu.memory_space<hbm>> -> memref<128xi32, #tpu.memory_space<hbm>>
          tpu.enqueue_dma source(%dma_start3A_106 : memref<128xi32, #tpu.memory_space<hbm>>) target(%dma_start3A_105 : memref<128xi32, #tpu.memory_space<vmem>>) target_semaphore(%run_scoped3A_98 : memref<!tpu.dma_semaphore, #tpu.memory_space<semaphore_mem>>)
          %dma_wait3A_107 = arith.constant 0 : i32
          %dma_wait3A_108 = tpu.memref_slice %arg7[%select_n3A_81, %dma_wait3A_107] : memref<2x128xi32, #tpu.memory_space<vmem>> -> memref<1x128xi32, #tpu.memory_space<vmem>>
          %dma_wait3A_109 = tpu.memref_squeeze %dma_wait3A_108 : memref<1x128xi32, #tpu.memory_space<vmem>> -> memref<128xi32, #tpu.memory_space<vmem>>
          %dma_wait3A_110 = tpu.memref_slice %arg4[%add3A_87] : memref<323584xi32, #tpu.memory_space<hbm>> -> memref<128xi32, #tpu.memory_space<hbm>>
          %dma_wait3A_111 = arith.constant 0 : i32
          %dma_wait3A_112 = tpu.memref_slice %arg7[%select_n3A_81, %dma_wait3A_111] : memref<2x128xi32, #tpu.memory_space<vmem>> -> memref<1x128xi32, #tpu.memory_space<vmem>>
          %dma_wait3A_113 = tpu.memref_squeeze %dma_wait3A_112 : memref<1x128xi32, #tpu.memory_space<vmem>> -> memref<128xi32, #tpu.memory_space<vmem>>
          %dma_wait3A_114 = tpu.memref_slice %arg4[%add3A_87] : memref<323584xi32, #tpu.memory_space<hbm>> -> memref<128xi32, #tpu.memory_space<hbm>>
          tpu.wait_dma2 semaphore(%run_scoped3A_98 : memref<!tpu.dma_semaphore, #tpu.memory_space<semaphore_mem>>) src(%dma_wait3A_114 : memref<128xi32, #tpu.memory_space<hbm>>) dst(%dma_wait3A_113 : memref<128xi32, #tpu.memory_space<vmem>>)
          tpu.yield
        }) : () -> ()
        %dma_start3A_88 = arith.constant 0 : i32
        %dma_start3A_89 = arith.constant 0 : i32
        %dma_start3A_90 = tpu.memref_slice %arg8[%select_n3A_81, %dma_start3A_88, %dma_start3A_89] : memref<2x128x64xf32, #tpu.memory_space<vmem>> -> memref<1x128x64xf32, #tpu.memory_space<vmem>>
        %dma_start3A_91 = tpu.memref_squeeze %dma_start3A_90 : memref<1x128x64xf32, #tpu.memory_space<vmem>> -> memref<128x64xf32, #tpu.memory_space<vmem>>
        %dma_start3A_92 = arith.constant 0 : i32
        %dma_start3A_93 = tpu.memref_slice %arg6[%select_n3A_81, %dma_start3A_92] : memref<2x128xi32, #tpu.memory_space<vmem>> -> memref<1x128xi32, #tpu.memory_space<vmem>>
        %dma_start3A_94 = tpu.memref_squeeze %dma_start3A_93 : memref<1x128xi32, #tpu.memory_space<vmem>> -> memref<128xi32, #tpu.memory_space<vmem>>
        %dma_start3A_95 = arith.constant 0 : i32
        %dma_start3A_96 = arith.constant 0 : i32
        %dma_start3A_97 = tpu.memref_slice %arg2[%dma_start3A_95, %dma_start3A_96] : memref<10112x64xf32, #tpu.memory_space<hbm>> -> memref<10112x64xf32, #tpu.memory_space<hbm>>
        tpu.enqueue_indirect_dma source(%dma_start3A_97 : memref<10112x64xf32, #tpu.memory_space<hbm>>) target(%dma_start3A_91 : memref<128x64xf32, #tpu.memory_space<vmem>>) offsets(%dma_start3A_94 : memref<128xi32, #tpu.memory_space<vmem>>) semaphore(%arg11 : memref<!tpu.dma_semaphore, #tpu.memory_space<semaphore_mem>>)
      } else {
      }
      %dma_wait3A = arith.constant 0 : i32
      %dma_wait3A_55 = arith.constant 0 : i32
      %dma_wait3A_56 = tpu.memref_slice %arg8[%select_n3A_49, %dma_wait3A, %dma_wait3A_55] : memref<2x128x64xf32, #tpu.memory_space<vmem>> -> memref<1x128x64xf32, #tpu.memory_space<vmem>>
      %dma_wait3A_57 = tpu.memref_squeeze %dma_wait3A_56 : memref<1x128x64xf32, #tpu.memory_space<vmem>> -> memref<128x64xf32, #tpu.memory_space<vmem>>
      %dma_wait3A_58 = arith.constant 0 : i32
      %dma_wait3A_59 = tpu.memref_slice %arg6[%select_n3A_49, %dma_wait3A_58] : memref<2x128xi32, #tpu.memory_space<vmem>> -> memref<1x128xi32, #tpu.memory_space<vmem>>
      %dma_wait3A_60 = tpu.memref_squeeze %dma_wait3A_59 : memref<1x128xi32, #tpu.memory_space<vmem>> -> memref<128xi32, #tpu.memory_space<vmem>>
      %dma_wait3A_61 = arith.constant 0 : i32
      %dma_wait3A_62 = arith.constant 0 : i32
      %dma_wait3A_63 = tpu.memref_slice %arg2[%dma_wait3A_61, %dma_wait3A_62] : memref<10112x64xf32, #tpu.memory_space<hbm>> -> memref<10112x64xf32, #tpu.memory_space<hbm>>
      tpu.wait_indirect_dma semaphore(%arg11 : memref<!tpu.dma_semaphore, #tpu.memory_space<semaphore_mem>>) src(%dma_wait3A_63 : memref<10112x64xf32, #tpu.memory_space<hbm>>) dst(%dma_wait3A_57 : memref<128x64xf32, #tpu.memory_space<vmem>>)
      "tpu.region"() ({
        %run_scoped3A_64 = tpu.sem_alloc : memref<!tpu.dma_semaphore, #tpu.memory_space<semaphore_mem>>
        %dma_start3A_65 = arith.constant 0 : i32
        %dma_start3A_66 = arith.constant 0 : i32
        %dma_start3A_67 = tpu.memref_slice %arg8[%select_n3A_49, %dma_start3A_65, %dma_start3A_66] : memref<2x128x64xf32, #tpu.memory_space<vmem>> -> memref<1x128x64xf32, #tpu.memory_space<vmem>>
        %dma_start3A_68 = tpu.memref_squeeze %dma_start3A_67 : memref<1x128x64xf32, #tpu.memory_space<vmem>> -> memref<128x64xf32, #tpu.memory_space<vmem>>
        %dma_start3A_69 = arith.constant 0 : i32
        %dma_start3A_70 = tpu.memref_slice %arg7[%select_n3A_49, %dma_start3A_69] : memref<2x128xi32, #tpu.memory_space<vmem>> -> memref<1x128xi32, #tpu.memory_space<vmem>>
        %dma_start3A_71 = tpu.memref_squeeze %dma_start3A_70 : memref<1x128xi32, #tpu.memory_space<vmem>> -> memref<128xi32, #tpu.memory_space<vmem>>
        %dma_start3A_72 = arith.constant 0 : i32
        %dma_start3A_73 = arith.constant 0 : i32
        %dma_start3A_74 = tpu.memref_slice %arg10[%dma_start3A_72, %dma_start3A_73] : memref<10112x64xf32, #tpu.memory_space<vmem_shared>> -> memref<10112x64xf32, #tpu.memory_space<vmem_shared>>
        tpu.enqueue_indirect_dma source(%dma_start3A_68 : memref<128x64xf32, #tpu.memory_space<vmem>>) target(%dma_start3A_74 : memref<10112x64xf32, #tpu.memory_space<vmem_shared>>) offsets(%dma_start3A_71 : memref<128xi32, #tpu.memory_space<vmem>>) semaphore(%run_scoped3A_64 : memref<!tpu.dma_semaphore, #tpu.memory_space<semaphore_mem>>) {add = true}
        %dma_wait3A_75 = arith.constant 0 : i32
        %dma_wait3A_76 = arith.constant 0 : i32
        %dma_wait3A_77 = tpu.memref_slice %arg8[%select_n3A_49, %dma_wait3A_75, %dma_wait3A_76] : memref<2x128x64xf32, #tpu.memory_space<vmem>> -> memref<1x128x64xf32, #tpu.memory_space<vmem>>
        %dma_wait3A_78 = tpu.memref_squeeze %dma_wait3A_77 : memref<1x128x64xf32, #tpu.memory_space<vmem>> -> memref<128x64xf32, #tpu.memory_space<vmem>>
        %dma_wait3A_79 = arith.constant 0 : i32
        %dma_wait3A_80 = tpu.memref_slice %arg7[%select_n3A_49, %dma_wait3A_79] : memref<2x128xi32, #tpu.memory_space<vmem>> -> memref<1x128xi32, #tpu.memory_space<vmem>>
        %dma_wait3A_81 = tpu.memref_squeeze %dma_wait3A_80 : memref<1x128xi32, #tpu.memory_space<vmem>> -> memref<128xi32, #tpu.memory_space<vmem>>
        %dma_wait3A_82 = arith.constant 0 : i32
        %dma_wait3A_83 = arith.constant 0 : i32
        %dma_wait3A_84 = tpu.memref_slice %arg10[%dma_wait3A_82, %dma_wait3A_83] : memref<10112x64xf32, #tpu.memory_space<vmem_shared>> -> memref<10112x64xf32, #tpu.memory_space<vmem_shared>>
        tpu.wait_indirect_dma semaphore(%run_scoped3A_64 : memref<!tpu.dma_semaphore, #tpu.memory_space<semaphore_mem>>) src(%dma_wait3A_78 : memref<128x64xf32, #tpu.memory_space<vmem>>) dst(%dma_wait3A_84 : memref<10112x64xf32, #tpu.memory_space<vmem_shared>>)
        tpu.yield
      }) : () -> ()
    }
    %scan3A_34 = arith.constant 79 : i32
    %barrier3A_35 = arith.constant 0 : index
    tpu.barrier barrier_id(%barrier3A_35)
    %mul3A_36 = arith.constant 632 : i32
    %mul3A_37 = arith.muli %arg1, %mul3A_36 : i32
    %mul3A_38 = arith.constant 632 : i32
    %mul3A_39 = arith.muli %arg1, %mul3A_38 : i32
    "tpu.region"() ({
      %run_scoped3A_40 = tpu.sem_alloc : memref<!tpu.dma_semaphore, #tpu.memory_space<semaphore_mem>>
      %dma_start3A_41 = arith.constant 0 : i32
      %dma_start3A_42 = tpu.memref_slice %arg5[%arg0, %mul3A_39, %dma_start3A_41] : memref<2x10112x64xf32, #tpu.memory_space<hbm>> -> memref<1x632x64xf32, #tpu.memory_space<hbm>>
      %dma_start3A_43 = tpu.memref_squeeze %dma_start3A_42 : memref<1x632x64xf32, #tpu.memory_space<hbm>> -> memref<632x64xf32, #tpu.memory_space<hbm>>
      %dma_start3A_44 = arith.constant 0 : i32
      %dma_start3A_45 = tpu.memref_slice %arg10[%mul3A_37, %dma_start3A_44] : memref<10112x64xf32, #tpu.memory_space<vmem_shared>> -> memref<632x64xf32, #tpu.memory_space<vmem_shared>>
      tpu.enqueue_dma source(%dma_start3A_45 : memref<632x64xf32, #tpu.memory_space<vmem_shared>>) target(%dma_start3A_43 : memref<632x64xf32, #tpu.memory_space<hbm>>) target_semaphore(%run_scoped3A_40 : memref<!tpu.dma_semaphore, #tpu.memory_space<semaphore_mem>>)
      %dma_wait3A = arith.constant 0 : i32
      %dma_wait3A_46 = tpu.memref_slice %arg5[%arg0, %mul3A_39, %dma_wait3A] : memref<2x10112x64xf32, #tpu.memory_space<hbm>> -> memref<1x632x64xf32, #tpu.memory_space<hbm>>
      %dma_wait3A_47 = tpu.memref_squeeze %dma_wait3A_46 : memref<1x632x64xf32, #tpu.memory_space<hbm>> -> memref<632x64xf32, #tpu.memory_space<hbm>>
      %dma_wait3A_48 = arith.constant 0 : i32
      %dma_wait3A_49 = tpu.memref_slice %arg10[%mul3A_37, %dma_wait3A_48] : memref<10112x64xf32, #tpu.memory_space<vmem_shared>> -> memref<632x64xf32, #tpu.memory_space<vmem_shared>>
      tpu.wait_dma2 semaphore(%run_scoped3A_40 : memref<!tpu.dma_semaphore, #tpu.memory_space<semaphore_mem>>) src(%dma_wait3A_49 : memref<632x64xf32, #tpu.memory_space<vmem_shared>>) dst(%dma_wait3A_47 : memref<632x64xf32, #tpu.memory_space<hbm>>)
      tpu.yield
    }) : () -> ()
    return
  }
}

#map = affine_map<(d0, d1) -> (0, 0)>
#map1 = affine_map<(d0, d1) -> (0)>
#map2 = affine_map<(d0, d1) -> (0, 0, 0)>
module attributes {stable_mosaic.version = 14 : i64} {
  func.func @segsum(%arg0: i32, %arg1: i32, %arg2: memref<10112x64xf32, #tpu.memory_space<hbm>>, %arg3: memref<323584xi32, #tpu.memory_space<hbm>>, %arg4: memref<323584xi32, #tpu.memory_space<hbm>>, %arg5: memref<2x10112x64xf32, #tpu.memory_space<hbm>>, %arg6: memref<2x128xi32, #tpu.memory_space<vmem>>, %arg7: memref<2x128xi32, #tpu.memory_space<vmem>>, %arg8: memref<2x128x64xf32, #tpu.memory_space<vmem>>, %arg9: memref<632x64xf32, #tpu.memory_space<vmem>>, %arg10: memref<10112x64xf32, #tpu.memory_space<vmem_shared>>, %arg11: memref<!tpu.dma_semaphore, #tpu.memory_space<semaphore_mem>>) attributes {dimension_semantics = [#tpu.dimension_semantics<core_parallel>, #tpu.dimension_semantics<subcore_parallel>], iteration_bounds = array<i64: 2, 16>, scalar_prefetch = 0 : i64, scratch_operands = 6 : i64, tpu.core_type = #tpu.core_type<sc_vector_subcore>, window_params = [{transform_indices = #map}, {transform_indices = #map1}, {transform_indices = #map1}, {transform_indices = #map2}]} {
    %mul3A = arith.constant 2 : i32
    %mul3A_0 = arith.muli %arg1, %mul3A : i32
    %add3A = arith.addi %mul3A_0, %arg0 : i32
    %mul3A_1 = arith.constant 79 : i32
    %mul3A_2 = arith.muli %add3A, %mul3A_1 : i32
    %mul3A_3 = arith.constant 128 : i32
    %mul3A_4 = arith.muli %mul3A_2, %mul3A_3 : i32
    %broadcast_in_dim3A = arith.constant 0.000000e+00 : f32
    %broadcast_in_dim3A_5 = vector.broadcast %broadcast_in_dim3A : f32 to vector<16xf32>
    %scan3A = arith.constant 0 : i32
    %scan3A_6 = arith.constant 0 : i32
    %scan3A_7 = arith.constant 2528 : i32
    %scan3A_8 = arith.addi %scan3A_6, %scan3A_7 : i32
    %scan3A_9 = arith.constant 1 : i32
    scf.for %scan3A_40 = %scan3A_6 to %scan3A_8 step %scan3A_9  : i32 {
      %jit3A = arith.constant 4 : i32
      %div3A = arith.divsi %scan3A_40, %jit3A : i32
      %sign3A = arith.constant 0 : i32
      %sign3A_41 = arith.cmpi sgt, %scan3A_40, %sign3A : i32
      %sign3A_42 = arith.extui %sign3A_41 : i1 to i32
      %sign3A_43 = arith.constant 0 : i32
      %sign3A_44 = arith.cmpi slt, %scan3A_40, %sign3A_43 : i32
      %sign3A_45 = arith.extui %sign3A_44 : i1 to i32
      %sign3A_46 = arith.subi %sign3A_42, %sign3A_45 : i32
      %sign3A_47 = arith.constant 0 : i32
      %sign3A_48 = arith.cmpi sgt, %jit3A, %sign3A_47 : i32
      %sign3A_49 = arith.extui %sign3A_48 : i1 to i32
      %sign3A_50 = arith.constant 0 : i32
      %sign3A_51 = arith.cmpi slt, %jit3A, %sign3A_50 : i32
      %sign3A_52 = arith.extui %sign3A_51 : i1 to i32
      %sign3A_53 = arith.subi %sign3A_49, %sign3A_52 : i32
      %ne3A = arith.cmpi ne, %sign3A_46, %sign3A_53 : i32
      %rem3A = arith.remsi %scan3A_40, %jit3A : i32
      %ne3A_54 = arith.constant 0 : i32
      %ne3A_55 = arith.cmpi ne, %rem3A, %ne3A_54 : i32
      %and3A = arith.andi %ne3A, %ne3A_55 : i1
      %sub3A = arith.constant 1 : i32
      %sub3A_56 = arith.subi %div3A, %sub3A : i32
      %select_n3A = arith.select %and3A, %sub3A_56, %div3A : i32
      %jit3A_57 = arith.constant 4 : i32
      %eq3A = arith.constant 0 : i32
      %eq3A_58 = arith.cmpi eq, %jit3A_57, %eq3A : i32
      %jit3A_59 = arith.constant 1 : i32
      %select_n3A_60 = arith.select %eq3A_58, %jit3A_59, %jit3A_57 : i32
      %rem3A_61 = arith.remsi %scan3A_40, %select_n3A_60 : i32
      %ne3A_62 = arith.constant 0 : i32
      %ne3A_63 = arith.cmpi ne, %rem3A_61, %ne3A_62 : i32
      %lt3A = arith.constant 0 : i32
      %lt3A_64 = arith.cmpi slt, %rem3A_61, %lt3A : i32
      %lt3A_65 = arith.constant 0 : i32
      %lt3A_66 = arith.cmpi slt, %select_n3A_60, %lt3A_65 : i32
      %ne3A_67 = arith.xori %lt3A_64, %lt3A_66 : i1
      %and3A_68 = arith.andi %ne3A_67, %ne3A_63 : i1
      %add3A_69 = arith.addi %rem3A_61, %select_n3A_60 : i32
      %select_n3A_70 = arith.select %and3A_68, %add3A_69, %rem3A_61 : i32
      %mul3A_71 = arith.constant 16 : i32
      %mul3A_72 = arith.muli %select_n3A_70, %mul3A_71 : i32
      %swap3A = arith.index_cast %select_n3A : i32 to index
      %swap3A_73 = arith.index_cast %mul3A_72 : i32 to index
      %swap3A_74 = tpu.vector_load %arg9[%swap3A, %swap3A_73] {strides = array<i32>} : memref<632x64xf32, #tpu.memory_space<vmem>>, vector<1x16xf32>,
      %swap3A_75 = vector.shape_cast %swap3A_74 : vector<1x16xf32> to vector<16xf32>
      %swap3A_76 = vector.shape_cast %broadcast_in_dim3A_5 : vector<16xf32> to vector<1x16xf32>
      tpu.vector_store %arg9[%swap3A, %swap3A_73], %swap3A_76 {strides = array<i32>} : memref<632x64xf32, #tpu.memory_space<vmem>>, vector<1x16xf32>,
    }
    %scan3A_10 = arith.constant 2528 : i32
    %mul3A_11 = arith.constant 632 : i32
    %mul3A_12 = arith.muli %arg1, %mul3A_11 : i32
    "tpu.region"() ({
      %run_scoped3A_40 = tpu.sem_alloc : memref<!tpu.dma_semaphore, #tpu.memory_space<semaphore_mem>>
      %dma_start3A_41 = arith.constant 0 : i32
      %dma_start3A_42 = tpu.memref_slice %arg10[%mul3A_12, %dma_start3A_41] : memref<10112x64xf32, #tpu.memory_space<vmem_shared>> -> memref<632x64xf32, #tpu.memory_space<vmem_shared>>
      %dma_start3A_43 = arith.constant 0 : i32
      %dma_start3A_44 = tpu.memref_slice %arg10[%mul3A_12, %dma_start3A_43] : memref<10112x64xf32, #tpu.memory_space<vmem_shared>> -> memref<632x64xf32, #tpu.memory_space<vmem_shared>>
      tpu.enqueue_dma source(%arg9 : memref<632x64xf32, #tpu.memory_space<vmem>>) target(%dma_start3A_44 : memref<632x64xf32, #tpu.memory_space<vmem_shared>>) target_semaphore(%run_scoped3A_40 : memref<!tpu.dma_semaphore, #tpu.memory_space<semaphore_mem>>)
      %dma_wait3A = arith.constant 0 : i32
      %dma_wait3A_45 = tpu.memref_slice %arg10[%mul3A_12, %dma_wait3A] : memref<10112x64xf32, #tpu.memory_space<vmem_shared>> -> memref<632x64xf32, #tpu.memory_space<vmem_shared>>
      %dma_wait3A_46 = arith.constant 0 : i32
      %dma_wait3A_47 = tpu.memref_slice %arg10[%mul3A_12, %dma_wait3A_46] : memref<10112x64xf32, #tpu.memory_space<vmem_shared>> -> memref<632x64xf32, #tpu.memory_space<vmem_shared>>
      tpu.wait_dma2 semaphore(%run_scoped3A_40 : memref<!tpu.dma_semaphore, #tpu.memory_space<semaphore_mem>>) src(%arg9 : memref<632x64xf32, #tpu.memory_space<vmem>>) dst(%dma_wait3A_47 : memref<632x64xf32, #tpu.memory_space<vmem_shared>>)
      tpu.yield
    }) : () -> ()
    %barrier3A = arith.constant 0 : index
    tpu.barrier barrier_id(%barrier3A)
    %add3A_13 = arith.constant 0 : i32
    %add3A_14 = arith.addi %mul3A_4, %add3A_13 : i32
    %run_scoped3A = arith.constant 0 : i32
    "tpu.region"() ({
      %run_scoped3A_40 = tpu.sem_alloc : memref<!tpu.dma_semaphore, #tpu.memory_space<semaphore_mem>>
      %dma_start3A_41 = arith.constant 0 : i32
      %dma_start3A_42 = tpu.memref_slice %arg6[%run_scoped3A, %dma_start3A_41] : memref<2x128xi32, #tpu.memory_space<vmem>> -> memref<1x128xi32, #tpu.memory_space<vmem>>
      %dma_start3A_43 = tpu.memref_squeeze %dma_start3A_42 : memref<1x128xi32, #tpu.memory_space<vmem>> -> memref<128xi32, #tpu.memory_space<vmem>>
      %dma_start3A_44 = tpu.memref_slice %arg3[%add3A_14] : memref<323584xi32, #tpu.memory_space<hbm>> -> memref<128xi32, #tpu.memory_space<hbm>>
      %dma_start3A_45 = arith.constant 0 : i32
      %dma_start3A_46 = tpu.memref_slice %arg6[%run_scoped3A, %dma_start3A_45] : memref<2x128xi32, #tpu.memory_space<vmem>> -> memref<1x128xi32, #tpu.memory_space<vmem>>
      %dma_start3A_47 = tpu.memref_squeeze %dma_start3A_46 : memref<1x128xi32, #tpu.memory_space<vmem>> -> memref<128xi32, #tpu.memory_space<vmem>>
      %dma_start3A_48 = tpu.memref_slice %arg3[%add3A_14] : memref<323584xi32, #tpu.memory_space<hbm>> -> memref<128xi32, #tpu.memory_space<hbm>>
      tpu.enqueue_dma source(%dma_start3A_48 : memref<128xi32, #tpu.memory_space<hbm>>) target(%dma_start3A_47 : memref<128xi32, #tpu.memory_space<vmem>>) target_semaphore(%run_scoped3A_40 : memref<!tpu.dma_semaphore, #tpu.memory_space<semaphore_mem>>)
      %dma_wait3A = arith.constant 0 : i32
      %dma_wait3A_49 = tpu.memref_slice %arg6[%run_scoped3A, %dma_wait3A] : memref<2x128xi32, #tpu.memory_space<vmem>> -> memref<1x128xi32, #tpu.memory_space<vmem>>
      %dma_wait3A_50 = tpu.memref_squeeze %dma_wait3A_49 : memref<1x128xi32, #tpu.memory_space<vmem>> -> memref<128xi32, #tpu.memory_space<vmem>>
      %dma_wait3A_51 = tpu.memref_slice %arg3[%add3A_14] : memref<323584xi32, #tpu.memory_space<hbm>> -> memref<128xi32, #tpu.memory_space<hbm>>
      %dma_wait3A_52 = arith.constant 0 : i32
      %dma_wait3A_53 = tpu.memref_slice %arg6[%run_scoped3A, %dma_wait3A_52] : memref<2x128xi32, #tpu.memory_space<vmem>> -> memref<1x128xi32, #tpu.memory_space<vmem>>
      %dma_wait3A_54 = tpu.memref_squeeze %dma_wait3A_53 : memref<1x128xi32, #tpu.memory_space<vmem>> -> memref<128xi32, #tpu.memory_space<vmem>>
      %dma_wait3A_55 = tpu.memref_slice %arg3[%add3A_14] : memref<323584xi32, #tpu.memory_space<hbm>> -> memref<128xi32, #tpu.memory_space<hbm>>
      tpu.wait_dma2 semaphore(%run_scoped3A_40 : memref<!tpu.dma_semaphore, #tpu.memory_space<semaphore_mem>>) src(%dma_wait3A_55 : memref<128xi32, #tpu.memory_space<hbm>>) dst(%dma_wait3A_54 : memref<128xi32, #tpu.memory_space<vmem>>)
      tpu.yield
    }) : () -> ()
    %add3A_15 = arith.constant 0 : i32
    %add3A_16 = arith.addi %mul3A_4, %add3A_15 : i32
    %run_scoped3A_17 = arith.constant 0 : i32
    "tpu.region"() ({
      %run_scoped3A_40 = tpu.sem_alloc : memref<!tpu.dma_semaphore, #tpu.memory_space<semaphore_mem>>
      %dma_start3A_41 = arith.constant 0 : i32
      %dma_start3A_42 = tpu.memref_slice %arg7[%run_scoped3A_17, %dma_start3A_41] : memref<2x128xi32, #tpu.memory_space<vmem>> -> memref<1x128xi32, #tpu.memory_space<vmem>>
      %dma_start3A_43 = tpu.memref_squeeze %dma_start3A_42 : memref<1x128xi32, #tpu.memory_space<vmem>> -> memref<128xi32, #tpu.memory_space<vmem>>
      %dma_start3A_44 = tpu.memref_slice %arg4[%add3A_16] : memref<323584xi32, #tpu.memory_space<hbm>> -> memref<128xi32, #tpu.memory_space<hbm>>
      %dma_start3A_45 = arith.constant 0 : i32
      %dma_start3A_46 = tpu.memref_slice %arg7[%run_scoped3A_17, %dma_start3A_45] : memref<2x128xi32, #tpu.memory_space<vmem>> -> memref<1x128xi32, #tpu.memory_space<vmem>>
      %dma_start3A_47 = tpu.memref_squeeze %dma_start3A_46 : memref<1x128xi32, #tpu.memory_space<vmem>> -> memref<128xi32, #tpu.memory_space<vmem>>
      %dma_start3A_48 = tpu.memref_slice %arg4[%add3A_16] : memref<323584xi32, #tpu.memory_space<hbm>> -> memref<128xi32, #tpu.memory_space<hbm>>
      tpu.enqueue_dma source(%dma_start3A_48 : memref<128xi32, #tpu.memory_space<hbm>>) target(%dma_start3A_47 : memref<128xi32, #tpu.memory_space<vmem>>) target_semaphore(%run_scoped3A_40 : memref<!tpu.dma_semaphore, #tpu.memory_space<semaphore_mem>>)
      %dma_wait3A = arith.constant 0 : i32
      %dma_wait3A_49 = tpu.memref_slice %arg7[%run_scoped3A_17, %dma_wait3A] : memref<2x128xi32, #tpu.memory_space<vmem>> -> memref<1x128xi32, #tpu.memory_space<vmem>>
      %dma_wait3A_50 = tpu.memref_squeeze %dma_wait3A_49 : memref<1x128xi32, #tpu.memory_space<vmem>> -> memref<128xi32, #tpu.memory_space<vmem>>
      %dma_wait3A_51 = tpu.memref_slice %arg4[%add3A_16] : memref<323584xi32, #tpu.memory_space<hbm>> -> memref<128xi32, #tpu.memory_space<hbm>>
      %dma_wait3A_52 = arith.constant 0 : i32
      %dma_wait3A_53 = tpu.memref_slice %arg7[%run_scoped3A_17, %dma_wait3A_52] : memref<2x128xi32, #tpu.memory_space<vmem>> -> memref<1x128xi32, #tpu.memory_space<vmem>>
      %dma_wait3A_54 = tpu.memref_squeeze %dma_wait3A_53 : memref<1x128xi32, #tpu.memory_space<vmem>> -> memref<128xi32, #tpu.memory_space<vmem>>
      %dma_wait3A_55 = tpu.memref_slice %arg4[%add3A_16] : memref<323584xi32, #tpu.memory_space<hbm>> -> memref<128xi32, #tpu.memory_space<hbm>>
      tpu.wait_dma2 semaphore(%run_scoped3A_40 : memref<!tpu.dma_semaphore, #tpu.memory_space<semaphore_mem>>) src(%dma_wait3A_55 : memref<128xi32, #tpu.memory_space<hbm>>) dst(%dma_wait3A_54 : memref<128xi32, #tpu.memory_space<vmem>>)
      tpu.yield
    }) : () -> ()
    %dma_start3A = arith.constant 0 : i32
    %dma_start3A_18 = arith.constant 0 : i32
    %dma_start3A_19 = arith.constant 0 : i32
    %dma_start3A_20 = arith.constant 0 : i32
    %dma_start3A_21 = tpu.memref_slice %arg8[%dma_start3A_18, %dma_start3A_19, %dma_start3A_20] : memref<2x128x64xf32, #tpu.memory_space<vmem>> -> memref<1x128x64xf32, #tpu.memory_space<vmem>>
    %dma_start3A_22 = tpu.memref_squeeze %dma_start3A_21 : memref<1x128x64xf32, #tpu.memory_space<vmem>> -> memref<128x64xf32, #tpu.memory_space<vmem>>
    %dma_start3A_23 = arith.constant 0 : i32
    %dma_start3A_24 = tpu.memref_slice %arg6[%dma_start3A, %dma_start3A_23] : memref<2x128xi32, #tpu.memory_space<vmem>> -> memref<1x128xi32, #tpu.memory_space<vmem>>
    %dma_start3A_25 = tpu.memref_squeeze %dma_start3A_24 : memref<1x128xi32, #tpu.memory_space<vmem>> -> memref<128xi32, #tpu.memory_space<vmem>>
    %dma_start3A_26 = arith.constant 0 : i32
    %dma_start3A_27 = arith.constant 0 : i32
    %dma_start3A_28 = tpu.memref_slice %arg2[%dma_start3A_26, %dma_start3A_27] : memref<10112x64xf32, #tpu.memory_space<hbm>> -> memref<10112x64xf32, #tpu.memory_space<hbm>>
    tpu.enqueue_indirect_dma source(%dma_start3A_28 : memref<10112x64xf32, #tpu.memory_space<hbm>>) target(%dma_start3A_22 : memref<128x64xf32, #tpu.memory_space<vmem>>) offsets(%dma_start3A_25 : memref<128xi32, #tpu.memory_space<vmem>>) semaphore(%arg11 : memref<!tpu.dma_semaphore, #tpu.memory_space<semaphore_mem>>)
    %scan3A_29 = arith.constant 0 : i32
    %scan3A_30 = arith.constant 0 : i32
    %scan3A_31 = arith.constant 79 : i32
    %scan3A_32 = arith.addi %scan3A_30, %scan3A_31 : i32
    %scan3A_33 = arith.constant 1 : i32
    scf.for %scan3A_40 = %scan3A_30 to %scan3A_32 step %scan3A_33  : i32 {
      %jit3A = arith.constant 2 : i32
      %eq3A = arith.constant 0 : i32
      %eq3A_41 = arith.cmpi eq, %jit3A, %eq3A : i32
      %jit3A_42 = arith.constant 1 : i32
      %select_n3A = arith.select %eq3A_41, %jit3A_42, %jit3A : i32
      %rem3A = arith.remsi %scan3A_40, %select_n3A : i32
      %ne3A = arith.constant 0 : i32
      %ne3A_43 = arith.cmpi ne, %rem3A, %ne3A : i32
      %lt3A = arith.constant 0 : i32
      %lt3A_44 = arith.cmpi slt, %rem3A, %lt3A : i32
      %lt3A_45 = arith.constant 0 : i32
      %lt3A_46 = arith.cmpi slt, %select_n3A, %lt3A_45 : i32
      %ne3A_47 = arith.xori %lt3A_44, %lt3A_46 : i1
      %and3A = arith.andi %ne3A_47, %ne3A_43 : i1
      %add3A_48 = arith.addi %rem3A, %select_n3A : i32
      %select_n3A_49 = arith.select %and3A, %add3A_48, %rem3A : i32
      %add3A_50 = arith.constant 1 : i32
      %add3A_51 = arith.addi %scan3A_40, %add3A_50 : i32
      %lt3A_52 = arith.constant 79 : i32
      %lt3A_53 = arith.cmpi slt, %add3A_51, %lt3A_52 : i32
      %convert_element_type3A = arith.extui %lt3A_53 : i1 to i32
      %cond3A = arith.constant 0 : i32
      %cond3A_54 = arith.cmpi ne, %convert_element_type3A, %cond3A : i32
      scf.if %cond3A_54 {
        %add3A_64 = arith.constant 1 : i32
        %add3A_65 = arith.addi %scan3A_40, %add3A_64 : i32
        %jit3A_66 = arith.constant 2 : i32
        %eq3A_67 = arith.constant 0 : i32
        %eq3A_68 = arith.cmpi eq, %jit3A_66, %eq3A_67 : i32
        %jit3A_69 = arith.constant 1 : i32
        %select_n3A_70 = arith.select %eq3A_68, %jit3A_69, %jit3A_66 : i32
        %rem3A_71 = arith.remsi %add3A_65, %select_n3A_70 : i32
        %ne3A_72 = arith.constant 0 : i32
        %ne3A_73 = arith.cmpi ne, %rem3A_71, %ne3A_72 : i32
        %lt3A_74 = arith.constant 0 : i32
        %lt3A_75 = arith.cmpi slt, %rem3A_71, %lt3A_74 : i32
        %lt3A_76 = arith.constant 0 : i32
        %lt3A_77 = arith.cmpi slt, %select_n3A_70, %lt3A_76 : i32
        %ne3A_78 = arith.xori %lt3A_75, %lt3A_77 : i1
        %and3A_79 = arith.andi %ne3A_78, %ne3A_73 : i1
        %add3A_80 = arith.addi %rem3A_71, %select_n3A_70 : i32
        %select_n3A_81 = arith.select %and3A_79, %add3A_80, %rem3A_71 : i32
        %mul3A_82 = arith.constant 128 : i32
        %mul3A_83 = arith.muli %add3A_65, %mul3A_82 : i32
        %add3A_84 = arith.addi %mul3A_4, %mul3A_83 : i32
        "tpu.region"() ({
          %run_scoped3A_98 = tpu.sem_alloc : memref<!tpu.dma_semaphore, #tpu.memory_space<semaphore_mem>>
          %dma_start3A_99 = arith.constant 0 : i32
          %dma_start3A_100 = tpu.memref_slice %arg6[%select_n3A_81, %dma_start3A_99] : memref<2x128xi32, #tpu.memory_space<vmem>> -> memref<1x128xi32, #tpu.memory_space<vmem>>
          %dma_start3A_101 = tpu.memref_squeeze %dma_start3A_100 : memref<1x128xi32, #tpu.memory_space<vmem>> -> memref<128xi32, #tpu.memory_space<vmem>>
          %dma_start3A_102 = tpu.memref_slice %arg3[%add3A_84] : memref<323584xi32, #tpu.memory_space<hbm>> -> memref<128xi32, #tpu.memory_space<hbm>>
          %dma_start3A_103 = arith.constant 0 : i32
          %dma_start3A_104 = tpu.memref_slice %arg6[%select_n3A_81, %dma_start3A_103] : memref<2x128xi32, #tpu.memory_space<vmem>> -> memref<1x128xi32, #tpu.memory_space<vmem>>
          %dma_start3A_105 = tpu.memref_squeeze %dma_start3A_104 : memref<1x128xi32, #tpu.memory_space<vmem>> -> memref<128xi32, #tpu.memory_space<vmem>>
          %dma_start3A_106 = tpu.memref_slice %arg3[%add3A_84] : memref<323584xi32, #tpu.memory_space<hbm>> -> memref<128xi32, #tpu.memory_space<hbm>>
          tpu.enqueue_dma source(%dma_start3A_106 : memref<128xi32, #tpu.memory_space<hbm>>) target(%dma_start3A_105 : memref<128xi32, #tpu.memory_space<vmem>>) target_semaphore(%run_scoped3A_98 : memref<!tpu.dma_semaphore, #tpu.memory_space<semaphore_mem>>)
          %dma_wait3A_107 = arith.constant 0 : i32
          %dma_wait3A_108 = tpu.memref_slice %arg6[%select_n3A_81, %dma_wait3A_107] : memref<2x128xi32, #tpu.memory_space<vmem>> -> memref<1x128xi32, #tpu.memory_space<vmem>>
          %dma_wait3A_109 = tpu.memref_squeeze %dma_wait3A_108 : memref<1x128xi32, #tpu.memory_space<vmem>> -> memref<128xi32, #tpu.memory_space<vmem>>
          %dma_wait3A_110 = tpu.memref_slice %arg3[%add3A_84] : memref<323584xi32, #tpu.memory_space<hbm>> -> memref<128xi32, #tpu.memory_space<hbm>>
          %dma_wait3A_111 = arith.constant 0 : i32
          %dma_wait3A_112 = tpu.memref_slice %arg6[%select_n3A_81, %dma_wait3A_111] : memref<2x128xi32, #tpu.memory_space<vmem>> -> memref<1x128xi32, #tpu.memory_space<vmem>>
          %dma_wait3A_113 = tpu.memref_squeeze %dma_wait3A_112 : memref<1x128xi32, #tpu.memory_space<vmem>> -> memref<128xi32, #tpu.memory_space<vmem>>
          %dma_wait3A_114 = tpu.memref_slice %arg3[%add3A_84] : memref<323584xi32, #tpu.memory_space<hbm>> -> memref<128xi32, #tpu.memory_space<hbm>>
          tpu.wait_dma2 semaphore(%run_scoped3A_98 : memref<!tpu.dma_semaphore, #tpu.memory_space<semaphore_mem>>) src(%dma_wait3A_114 : memref<128xi32, #tpu.memory_space<hbm>>) dst(%dma_wait3A_113 : memref<128xi32, #tpu.memory_space<vmem>>)
          tpu.yield
        }) : () -> ()
        %mul3A_85 = arith.constant 128 : i32
        %mul3A_86 = arith.muli %add3A_65, %mul3A_85 : i32
        %add3A_87 = arith.addi %mul3A_4, %mul3A_86 : i32
        "tpu.region"() ({
          %run_scoped3A_98 = tpu.sem_alloc : memref<!tpu.dma_semaphore, #tpu.memory_space<semaphore_mem>>
          %dma_start3A_99 = arith.constant 0 : i32
          %dma_start3A_100 = tpu.memref_slice %arg7[%select_n3A_81, %dma_start3A_99] : memref<2x128xi32, #tpu.memory_space<vmem>> -> memref<1x128xi32, #tpu.memory_space<vmem>>
          %dma_start3A_101 = tpu.memref_squeeze %dma_start3A_100 : memref<1x128xi32, #tpu.memory_space<vmem>> -> memref<128xi32, #tpu.memory_space<vmem>>
          %dma_start3A_102 = tpu.memref_slice %arg4[%add3A_87] : memref<323584xi32, #tpu.memory_space<hbm>> -> memref<128xi32, #tpu.memory_space<hbm>>
          %dma_start3A_103 = arith.constant 0 : i32
          %dma_start3A_104 = tpu.memref_slice %arg7[%select_n3A_81, %dma_start3A_103] : memref<2x128xi32, #tpu.memory_space<vmem>> -> memref<1x128xi32, #tpu.memory_space<vmem>>
          %dma_start3A_105 = tpu.memref_squeeze %dma_start3A_104 : memref<1x128xi32, #tpu.memory_space<vmem>> -> memref<128xi32, #tpu.memory_space<vmem>>
          %dma_start3A_106 = tpu.memref_slice %arg4[%add3A_87] : memref<323584xi32, #tpu.memory_space<hbm>> -> memref<128xi32, #tpu.memory_space<hbm>>
          tpu.enqueue_dma source(%dma_start3A_106 : memref<128xi32, #tpu.memory_space<hbm>>) target(%dma_start3A_105 : memref<128xi32, #tpu.memory_space<vmem>>) target_semaphore(%run_scoped3A_98 : memref<!tpu.dma_semaphore, #tpu.memory_space<semaphore_mem>>)
          %dma_wait3A_107 = arith.constant 0 : i32
          %dma_wait3A_108 = tpu.memref_slice %arg7[%select_n3A_81, %dma_wait3A_107] : memref<2x128xi32, #tpu.memory_space<vmem>> -> memref<1x128xi32, #tpu.memory_space<vmem>>
          %dma_wait3A_109 = tpu.memref_squeeze %dma_wait3A_108 : memref<1x128xi32, #tpu.memory_space<vmem>> -> memref<128xi32, #tpu.memory_space<vmem>>
          %dma_wait3A_110 = tpu.memref_slice %arg4[%add3A_87] : memref<323584xi32, #tpu.memory_space<hbm>> -> memref<128xi32, #tpu.memory_space<hbm>>
          %dma_wait3A_111 = arith.constant 0 : i32
          %dma_wait3A_112 = tpu.memref_slice %arg7[%select_n3A_81, %dma_wait3A_111] : memref<2x128xi32, #tpu.memory_space<vmem>> -> memref<1x128xi32, #tpu.memory_space<vmem>>
          %dma_wait3A_113 = tpu.memref_squeeze %dma_wait3A_112 : memref<1x128xi32, #tpu.memory_space<vmem>> -> memref<128xi32, #tpu.memory_space<vmem>>
          %dma_wait3A_114 = tpu.memref_slice %arg4[%add3A_87] : memref<323584xi32, #tpu.memory_space<hbm>> -> memref<128xi32, #tpu.memory_space<hbm>>
          tpu.wait_dma2 semaphore(%run_scoped3A_98 : memref<!tpu.dma_semaphore, #tpu.memory_space<semaphore_mem>>) src(%dma_wait3A_114 : memref<128xi32, #tpu.memory_space<hbm>>) dst(%dma_wait3A_113 : memref<128xi32, #tpu.memory_space<vmem>>)
          tpu.yield
        }) : () -> ()
        %dma_start3A_88 = arith.constant 0 : i32
        %dma_start3A_89 = arith.constant 0 : i32
        %dma_start3A_90 = tpu.memref_slice %arg8[%select_n3A_81, %dma_start3A_88, %dma_start3A_89] : memref<2x128x64xf32, #tpu.memory_space<vmem>> -> memref<1x128x64xf32, #tpu.memory_space<vmem>>
        %dma_start3A_91 = tpu.memref_squeeze %dma_start3A_90 : memref<1x128x64xf32, #tpu.memory_space<vmem>> -> memref<128x64xf32, #tpu.memory_space<vmem>>
        %dma_start3A_92 = arith.constant 0 : i32
        %dma_start3A_93 = tpu.memref_slice %arg6[%select_n3A_81, %dma_start3A_92] : memref<2x128xi32, #tpu.memory_space<vmem>> -> memref<1x128xi32, #tpu.memory_space<vmem>>
        %dma_start3A_94 = tpu.memref_squeeze %dma_start3A_93 : memref<1x128xi32, #tpu.memory_space<vmem>> -> memref<128xi32, #tpu.memory_space<vmem>>
        %dma_start3A_95 = arith.constant 0 : i32
        %dma_start3A_96 = arith.constant 0 : i32
        %dma_start3A_97 = tpu.memref_slice %arg2[%dma_start3A_95, %dma_start3A_96] : memref<10112x64xf32, #tpu.memory_space<hbm>> -> memref<10112x64xf32, #tpu.memory_space<hbm>>
        tpu.enqueue_indirect_dma source(%dma_start3A_97 : memref<10112x64xf32, #tpu.memory_space<hbm>>) target(%dma_start3A_91 : memref<128x64xf32, #tpu.memory_space<vmem>>) offsets(%dma_start3A_94 : memref<128xi32, #tpu.memory_space<vmem>>) semaphore(%arg11 : memref<!tpu.dma_semaphore, #tpu.memory_space<semaphore_mem>>)
      } else {
      }
      %dma_wait3A = arith.constant 0 : i32
      %dma_wait3A_55 = arith.constant 0 : i32
      %dma_wait3A_56 = tpu.memref_slice %arg8[%select_n3A_49, %dma_wait3A, %dma_wait3A_55] : memref<2x128x64xf32, #tpu.memory_space<vmem>> -> memref<1x128x64xf32, #tpu.memory_space<vmem>>
      %dma_wait3A_57 = tpu.memref_squeeze %dma_wait3A_56 : memref<1x128x64xf32, #tpu.memory_space<vmem>> -> memref<128x64xf32, #tpu.memory_space<vmem>>
      %dma_wait3A_58 = arith.constant 0 : i32
      %dma_wait3A_59 = tpu.memref_slice %arg6[%select_n3A_49, %dma_wait3A_58] : memref<2x128xi32, #tpu.memory_space<vmem>> -> memref<1x128xi32, #tpu.memory_space<vmem>>
      %dma_wait3A_60 = tpu.memref_squeeze %dma_wait3A_59 : memref<1x128xi32, #tpu.memory_space<vmem>> -> memref<128xi32, #tpu.memory_space<vmem>>
      %dma_wait3A_61 = arith.constant 0 : i32
      %dma_wait3A_62 = arith.constant 0 : i32
      %dma_wait3A_63 = tpu.memref_slice %arg2[%dma_wait3A_61, %dma_wait3A_62] : memref<10112x64xf32, #tpu.memory_space<hbm>> -> memref<10112x64xf32, #tpu.memory_space<hbm>>
      tpu.wait_indirect_dma semaphore(%arg11 : memref<!tpu.dma_semaphore, #tpu.memory_space<semaphore_mem>>) src(%dma_wait3A_63 : memref<10112x64xf32, #tpu.memory_space<hbm>>) dst(%dma_wait3A_57 : memref<128x64xf32, #tpu.memory_space<vmem>>)
      "tpu.region"() ({
        %run_scoped3A_64 = tpu.sem_alloc : memref<!tpu.dma_semaphore, #tpu.memory_space<semaphore_mem>>
        %dma_start3A_65 = arith.constant 0 : i32
        %dma_start3A_66 = arith.constant 0 : i32
        %dma_start3A_67 = tpu.memref_slice %arg8[%select_n3A_49, %dma_start3A_65, %dma_start3A_66] : memref<2x128x64xf32, #tpu.memory_space<vmem>> -> memref<1x128x64xf32, #tpu.memory_space<vmem>>
        %dma_start3A_68 = tpu.memref_squeeze %dma_start3A_67 : memref<1x128x64xf32, #tpu.memory_space<vmem>> -> memref<128x64xf32, #tpu.memory_space<vmem>>
        %dma_start3A_69 = arith.constant 0 : i32
        %dma_start3A_70 = tpu.memref_slice %arg7[%select_n3A_49, %dma_start3A_69] : memref<2x128xi32, #tpu.memory_space<vmem>> -> memref<1x128xi32, #tpu.memory_space<vmem>>
        %dma_start3A_71 = tpu.memref_squeeze %dma_start3A_70 : memref<1x128xi32, #tpu.memory_space<vmem>> -> memref<128xi32, #tpu.memory_space<vmem>>
        %dma_start3A_72 = arith.constant 0 : i32
        %dma_start3A_73 = arith.constant 0 : i32
        %dma_start3A_74 = tpu.memref_slice %arg10[%dma_start3A_72, %dma_start3A_73] : memref<10112x64xf32, #tpu.memory_space<vmem_shared>> -> memref<10112x64xf32, #tpu.memory_space<vmem_shared>>
        tpu.enqueue_indirect_dma source(%dma_start3A_68 : memref<128x64xf32, #tpu.memory_space<vmem>>) target(%dma_start3A_74 : memref<10112x64xf32, #tpu.memory_space<vmem_shared>>) offsets(%dma_start3A_71 : memref<128xi32, #tpu.memory_space<vmem>>) semaphore(%run_scoped3A_64 : memref<!tpu.dma_semaphore, #tpu.memory_space<semaphore_mem>>) {add = true}
        %dma_wait3A_75 = arith.constant 0 : i32
        %dma_wait3A_76 = arith.constant 0 : i32
        %dma_wait3A_77 = tpu.memref_slice %arg8[%select_n3A_49, %dma_wait3A_75, %dma_wait3A_76] : memref<2x128x64xf32, #tpu.memory_space<vmem>> -> memref<1x128x64xf32, #tpu.memory_space<vmem>>
        %dma_wait3A_78 = tpu.memref_squeeze %dma_wait3A_77 : memref<1x128x64xf32, #tpu.memory_space<vmem>> -> memref<128x64xf32, #tpu.memory_space<vmem>>
        %dma_wait3A_79 = arith.constant 0 : i32
        %dma_wait3A_80 = tpu.memref_slice %arg7[%select_n3A_49, %dma_wait3A_79] : memref<2x128xi32, #tpu.memory_space<vmem>> -> memref<1x128xi32, #tpu.memory_space<vmem>>
        %dma_wait3A_81 = tpu.memref_squeeze %dma_wait3A_80 : memref<1x128xi32, #tpu.memory_space<vmem>> -> memref<128xi32, #tpu.memory_space<vmem>>
        %dma_wait3A_82 = arith.constant 0 : i32
        %dma_wait3A_83 = arith.constant 0 : i32
        %dma_wait3A_84 = tpu.memref_slice %arg10[%dma_wait3A_82, %dma_wait3A_83] : memref<10112x64xf32, #tpu.memory_space<vmem_shared>> -> memref<10112x64xf32, #tpu.memory_space<vmem_shared>>
        tpu.wait_indirect_dma semaphore(%run_scoped3A_64 : memref<!tpu.dma_semaphore, #tpu.memory_space<semaphore_mem>>) src(%dma_wait3A_78 : memref<128x64xf32, #tpu.memory_space<vmem>>) dst(%dma_wait3A_84 : memref<10112x64xf32, #tpu.memory_space<vmem_shared>>)
        tpu.yield
      }) : () -> ()
    }
    %scan3A_34 = arith.constant 79 : i32
    %barrier3A_35 = arith.constant 0 : index
    tpu.barrier barrier_id(%barrier3A_35)
    %mul3A_36 = arith.constant 632 : i32
    %mul3A_37 = arith.muli %arg1, %mul3A_36 : i32
    %mul3A_38 = arith.constant 632 : i32
    %mul3A_39 = arith.muli %arg1, %mul3A_38 : i32
    "tpu.region"() ({
      %run_scoped3A_40 = tpu.sem_alloc : memref<!tpu.dma_semaphore, #tpu.memory_space<semaphore_mem>>
      %dma_start3A_41 = arith.constant 0 : i32
      %dma_start3A_42 = tpu.memref_slice %arg5[%arg0, %mul3A_39, %dma_start3A_41] : memref<2x10112x64xf32, #tpu.memory_space<hbm>> -> memref<1x632x64xf32, #tpu.memory_space<hbm>>
      %dma_start3A_43 = tpu.memref_squeeze %dma_start3A_42 : memref<1x632x64xf32, #tpu.memory_space<hbm>> -> memref<632x64xf32, #tpu.memory_space<hbm>>
      %dma_start3A_44 = arith.constant 0 : i32
      %dma_start3A_45 = tpu.memref_slice %arg10[%mul3A_37, %dma_start3A_44] : memref<10112x64xf32, #tpu.memory_space<vmem_shared>> -> memref<632x64xf32, #tpu.memory_space<vmem_shared>>
      tpu.enqueue_dma source(%dma_start3A_45 : memref<632x64xf32, #tpu.memory_space<vmem_shared>>) target(%dma_start3A_43 : memref<632x64xf32, #tpu.memory_space<hbm>>) target_semaphore(%run_scoped3A_40 : memref<!tpu.dma_semaphore, #tpu.memory_space<semaphore_mem>>)
      %dma_wait3A = arith.constant 0 : i32
      %dma_wait3A_46 = tpu.memref_slice %arg5[%arg0, %mul3A_39, %dma_wait3A] : memref<2x10112x64xf32, #tpu.memory_space<hbm>> -> memref<1x632x64xf32, #tpu.memory_space<hbm>>
      %dma_wait3A_47 = tpu.memref_squeeze %dma_wait3A_46 : memref<1x632x64xf32, #tpu.memory_space<hbm>> -> memref<632x64xf32, #tpu.memory_space<hbm>>
      %dma_wait3A_48 = arith.constant 0 : i32
      %dma_wait3A_49 = tpu.memref_slice %arg10[%mul3A_37, %dma_wait3A_48] : memref<10112x64xf32, #tpu.memory_space<vmem_shared>> -> memref<632x64xf32, #tpu.memory_space<vmem_shared>>
      tpu.wait_dma2 semaphore(%run_scoped3A_40 : memref<!tpu.dma_semaphore, #tpu.memory_space<semaphore_mem>>) src(%dma_wait3A_49 : memref<632x64xf32, #tpu.memory_space<vmem_shared>>) dst(%dma_wait3A_47 : memref<632x64xf32, #tpu.memory_space<hbm>>)
      tpu.yield
    }) : () -> ()
    return
  }
}

module attributes {stable_mosaic.version = 14 : i64} {
  func.func @_mlp_relu_body(%arg0: memref<10000x128xf32, #tpu.memory_space<vmem>>, %arg1: memref<2x10000x128xf32, #tpu.memory_space<vmem>>, %arg2: memref<128x16xf32, #tpu.memory_space<vmem>>, %arg3: memref<1x16xf32, #tpu.memory_space<vmem>>, %arg4: memref<1x16xf32, #tpu.memory_space<vmem>>, %arg5: memref<1x16xf32, #tpu.memory_space<vmem>>, %arg6: memref<16x16xf32, #tpu.memory_space<vmem>>, %arg7: memref<1x16xf32, #tpu.memory_space<vmem>>, %arg8: memref<1x16xf32, #tpu.memory_space<vmem>>, %arg9: memref<1x16xf32, #tpu.memory_space<vmem>>, %arg10: memref<16x16xf32, #tpu.memory_space<vmem>>, %arg11: memref<1x16xf32, #tpu.memory_space<vmem>>, %arg12: memref<10000x16xf32, #tpu.memory_space<vmem>>) attributes {dimension_semantics = [], scalar_prefetch = 0 : i64, scratch_operands = 0 : i64, tpu.core_type = #tpu.core_type<tc>} {
    %get3A = arith.constant 0 : index
    %get3A_0 = arith.constant 0 : index
    %get3A_1 = vector.load %arg0[%get3A, %get3A_0] : memref<10000x128xf32, #tpu.memory_space<vmem>>, vector<10000x128xf32>
    %get3A_2 = arith.constant 0 : index
    %get3A_3 = arith.constant 0 : index
    %get3A_4 = arith.constant 0 : index
    %get3A_5 = vector.load %arg1[%get3A_2, %get3A_3, %get3A_4] : memref<2x10000x128xf32, #tpu.memory_space<vmem>>, vector<1x10000x128xf32>
    %get3A_6 = vector.shape_cast %get3A_5 : vector<1x10000x128xf32> to vector<10000x128xf32>
    %add3A = arith.addf %get3A_1, %get3A_6 : vector<10000x128xf32>
    %get3A_7 = arith.constant 1 : index
    %get3A_8 = arith.constant 0 : index
    %get3A_9 = arith.constant 0 : index
    %get3A_10 = vector.load %arg1[%get3A_7, %get3A_8, %get3A_9] : memref<2x10000x128xf32, #tpu.memory_space<vmem>>, vector<1x10000x128xf32>
    %get3A_11 = vector.shape_cast %get3A_10 : vector<1x10000x128xf32> to vector<10000x128xf32>
    %add3A_12 = arith.addf %add3A, %get3A_11 : vector<10000x128xf32>
    %get3A_13 = arith.constant 0 : index
    %get3A_14 = arith.constant 0 : index
    %get3A_15 = vector.load %arg2[%get3A_13, %get3A_14] : memref<128x16xf32, #tpu.memory_space<vmem>>, vector<128x16xf32>
    %convert_element_type3A = arith.truncf %add3A_12 : vector<10000x128xf32> to vector<10000x128xbf16>
    %convert_element_type3A_16 = arith.truncf %get3A_15 : vector<128x16xf32> to vector<128x16xbf16>
    %dot_general3A = arith.constant dense<0.000000e+00> : vector<10000x16xf32>
    %dot_general3A_17 = tpu.matmul %convert_element_type3A, %convert_element_type3A_16, %dot_general3A {dimension_numbers = #tpu.dot_dimension_numbers<[1], [0], [0], [1], [0, 0, 1, 1], [], []>, transpose_lhs_hint = false} : vector<10000x128xbf16>, vector<128x16xbf16>, vector<10000x16xf32> -> vector<10000x16xf32>
    %get3A_18 = arith.constant 0 : index
    %get3A_19 = arith.constant 0 : index
    %get3A_20 = vector.load %arg3[%get3A_18, %get3A_19] : memref<1x16xf32, #tpu.memory_space<vmem>>, vector<1x16xf32>
    %add3A_21 = vector.broadcast %get3A_20 : vector<1x16xf32> to vector<10000x16xf32>
    %add3A_22 = arith.addf %dot_general3A_17, %add3A_21 : vector<10000x16xf32>
    %get3A_23 = arith.constant 0 : index
    %get3A_24 = arith.constant 0 : index
    %get3A_25 = vector.load %arg4[%get3A_23, %get3A_24] : memref<1x16xf32, #tpu.memory_space<vmem>>, vector<1x16xf32>
    %get3A_26 = arith.constant 0 : index
    %get3A_27 = arith.constant 0 : index
    %get3A_28 = vector.load %arg5[%get3A_26, %get3A_27] : memref<1x16xf32, #tpu.memory_space<vmem>>, vector<1x16xf32>
    %reduce_sum3A = arith.constant dense<0.000000e+00> : vector<16xf32>
    %reduce_sum3A_29 = vector.multi_reduction <add>, %add3A_22, %reduce_sum3A [0] : vector<10000x16xf32> to vector<16xf32>
    %broadcast_in_dim3A = vector.shape_cast %reduce_sum3A_29 : vector<16xf32> to vector<1x16xf32>
    %div3A = arith.constant 1.000000e+04 : f32
    %div3A_30 = vector.broadcast %div3A : f32 to vector<1x16xf32>
    %div3A_31 = arith.divf %broadcast_in_dim3A, %div3A_30 : vector<1x16xf32>
    %sub3A = vector.broadcast %div3A_31 : vector<1x16xf32> to vector<10000x16xf32>
    %sub3A_32 = arith.subf %add3A_22, %sub3A : vector<10000x16xf32>
    %integer_pow3A = arith.mulf %sub3A_32, %sub3A_32 : vector<10000x16xf32>
    %reduce_sum3A_33 = arith.constant dense<0.000000e+00> : vector<16xf32>
    %reduce_sum3A_34 = vector.multi_reduction <add>, %integer_pow3A, %reduce_sum3A_33 [0] : vector<10000x16xf32> to vector<16xf32>
    %broadcast_in_dim3A_35 = vector.shape_cast %reduce_sum3A_34 : vector<16xf32> to vector<1x16xf32>
    %div3A_36 = arith.constant 1.000000e+04 : f32
    %div3A_37 = vector.broadcast %div3A_36 : f32 to vector<1x16xf32>
    %div3A_38 = arith.divf %broadcast_in_dim3A_35, %div3A_37 : vector<1x16xf32>
    %sub3A_39 = vector.broadcast %div3A_31 : vector<1x16xf32> to vector<10000x16xf32>
    %sub3A_40 = arith.subf %add3A_22, %sub3A_39 : vector<10000x16xf32>
    %add3A_41 = arith.constant 9.99999974E-6 : f32
    %add3A_42 = vector.broadcast %add3A_41 : f32 to vector<1x16xf32>
    %add3A_43 = arith.addf %div3A_38, %add3A_42 : vector<1x16xf32>
    %sqrt3A = math.sqrt %add3A_43 : vector<1x16xf32>
    %div3A_44 = vector.broadcast %sqrt3A : vector<1x16xf32> to vector<10000x16xf32>
    %div3A_45 = arith.divf %sub3A_40, %div3A_44 : vector<10000x16xf32>
    %mul3A = vector.broadcast %get3A_25 : vector<1x16xf32> to vector<10000x16xf32>
    %mul3A_46 = arith.mulf %div3A_45, %mul3A : vector<10000x16xf32>
    %add3A_47 = vector.broadcast %get3A_28 : vector<1x16xf32> to vector<10000x16xf32>
    %add3A_48 = arith.addf %mul3A_46, %add3A_47 : vector<10000x16xf32>
    %max3A = arith.constant 0.000000e+00 : f32
    %max3A_49 = vector.broadcast %max3A : f32 to vector<10000x16xf32>
    %max3A_50 = arith.maximumf %add3A_48, %max3A_49 : vector<10000x16xf32>
    %get3A_51 = arith.constant 0 : index
    %get3A_52 = arith.constant 0 : index
    %get3A_53 = vector.load %arg6[%get3A_51, %get3A_52] : memref<16x16xf32, #tpu.memory_space<vmem>>, vector<16x16xf32>
    %convert_element_type3A_54 = arith.truncf %max3A_50 : vector<10000x16xf32> to vector<10000x16xbf16>
    %convert_element_type3A_55 = arith.truncf %get3A_53 : vector<16x16xf32> to vector<16x16xbf16>
    %dot_general3A_56 = arith.constant dense<0.000000e+00> : vector<10000x16xf32>
    %dot_general3A_57 = tpu.matmul %convert_element_type3A_54, %convert_element_type3A_55, %dot_general3A_56 {dimension_numbers = #tpu.dot_dimension_numbers<[1], [0], [0], [1], [0, 0, 1, 1], [], []>, transpose_lhs_hint = false} : vector<10000x16xbf16>, vector<16x16xbf16>, vector<10000x16xf32> -> vector<10000x16xf32>
    %get3A_58 = arith.constant 0 : index
    %get3A_59 = arith.constant 0 : index
    %get3A_60 = vector.load %arg7[%get3A_58, %get3A_59] : memref<1x16xf32, #tpu.memory_space<vmem>>, vector<1x16xf32>
    %add3A_61 = vector.broadcast %get3A_60 : vector<1x16xf32> to vector<10000x16xf32>
    %add3A_62 = arith.addf %dot_general3A_57, %add3A_61 : vector<10000x16xf32>
    %get3A_63 = arith.constant 0 : index
    %get3A_64 = arith.constant 0 : index
    %get3A_65 = vector.load %arg8[%get3A_63, %get3A_64] : memref<1x16xf32, #tpu.memory_space<vmem>>, vector<1x16xf32>
    %get3A_66 = arith.constant 0 : index
    %get3A_67 = arith.constant 0 : index
    %get3A_68 = vector.load %arg9[%get3A_66, %get3A_67] : memref<1x16xf32, #tpu.memory_space<vmem>>, vector<1x16xf32>
    %reduce_sum3A_69 = arith.constant dense<0.000000e+00> : vector<16xf32>
    %reduce_sum3A_70 = vector.multi_reduction <add>, %add3A_62, %reduce_sum3A_69 [0] : vector<10000x16xf32> to vector<16xf32>
    %broadcast_in_dim3A_71 = vector.shape_cast %reduce_sum3A_70 : vector<16xf32> to vector<1x16xf32>
    %div3A_72 = arith.constant 1.000000e+04 : f32
    %div3A_73 = vector.broadcast %div3A_72 : f32 to vector<1x16xf32>
    %div3A_74 = arith.divf %broadcast_in_dim3A_71, %div3A_73 : vector<1x16xf32>
    %sub3A_75 = vector.broadcast %div3A_74 : vector<1x16xf32> to vector<10000x16xf32>
    %sub3A_76 = arith.subf %add3A_62, %sub3A_75 : vector<10000x16xf32>
    %integer_pow3A_77 = arith.mulf %sub3A_76, %sub3A_76 : vector<10000x16xf32>
    %reduce_sum3A_78 = arith.constant dense<0.000000e+00> : vector<16xf32>
    %reduce_sum3A_79 = vector.multi_reduction <add>, %integer_pow3A_77, %reduce_sum3A_78 [0] : vector<10000x16xf32> to vector<16xf32>
    %broadcast_in_dim3A_80 = vector.shape_cast %reduce_sum3A_79 : vector<16xf32> to vector<1x16xf32>
    %div3A_81 = arith.constant 1.000000e+04 : f32
    %div3A_82 = vector.broadcast %div3A_81 : f32 to vector<1x16xf32>
    %div3A_83 = arith.divf %broadcast_in_dim3A_80, %div3A_82 : vector<1x16xf32>
    %sub3A_84 = vector.broadcast %div3A_74 : vector<1x16xf32> to vector<10000x16xf32>
    %sub3A_85 = arith.subf %add3A_62, %sub3A_84 : vector<10000x16xf32>
    %add3A_86 = arith.constant 9.99999974E-6 : f32
    %add3A_87 = vector.broadcast %add3A_86 : f32 to vector<1x16xf32>
    %add3A_88 = arith.addf %div3A_83, %add3A_87 : vector<1x16xf32>
    %sqrt3A_89 = math.sqrt %add3A_88 : vector<1x16xf32>
    %div3A_90 = vector.broadcast %sqrt3A_89 : vector<1x16xf32> to vector<10000x16xf32>
    %div3A_91 = arith.divf %sub3A_85, %div3A_90 : vector<10000x16xf32>
    %mul3A_92 = vector.broadcast %get3A_65 : vector<1x16xf32> to vector<10000x16xf32>
    %mul3A_93 = arith.mulf %div3A_91, %mul3A_92 : vector<10000x16xf32>
    %add3A_94 = vector.broadcast %get3A_68 : vector<1x16xf32> to vector<10000x16xf32>
    %add3A_95 = arith.addf %mul3A_93, %add3A_94 : vector<10000x16xf32>
    %max3A_96 = arith.constant 0.000000e+00 : f32
    %max3A_97 = vector.broadcast %max3A_96 : f32 to vector<10000x16xf32>
    %max3A_98 = arith.maximumf %add3A_95, %max3A_97 : vector<10000x16xf32>
    %get3A_99 = arith.constant 0 : index
    %get3A_100 = arith.constant 0 : index
    %get3A_101 = vector.load %arg10[%get3A_99, %get3A_100] : memref<16x16xf32, #tpu.memory_space<vmem>>, vector<16x16xf32>
    %convert_element_type3A_102 = arith.truncf %max3A_98 : vector<10000x16xf32> to vector<10000x16xbf16>
    %convert_element_type3A_103 = arith.truncf %get3A_101 : vector<16x16xf32> to vector<16x16xbf16>
    %dot_general3A_104 = arith.constant dense<0.000000e+00> : vector<10000x16xf32>
    %dot_general3A_105 = tpu.matmul %convert_element_type3A_102, %convert_element_type3A_103, %dot_general3A_104 {dimension_numbers = #tpu.dot_dimension_numbers<[1], [0], [0], [1], [0, 0, 1, 1], [], []>, transpose_lhs_hint = false} : vector<10000x16xbf16>, vector<16x16xbf16>, vector<10000x16xf32> -> vector<10000x16xf32>
    %get3A_106 = arith.constant 0 : index
    %get3A_107 = arith.constant 0 : index
    %get3A_108 = vector.load %arg11[%get3A_106, %get3A_107] : memref<1x16xf32, #tpu.memory_space<vmem>>, vector<1x16xf32>
    %add3A_109 = vector.broadcast %get3A_108 : vector<1x16xf32> to vector<10000x16xf32>
    %add3A_110 = arith.addf %dot_general3A_105, %add3A_109 : vector<10000x16xf32>
    %max3A_111 = arith.constant 0.000000e+00 : f32
    %max3A_112 = vector.broadcast %max3A_111 : f32 to vector<10000x16xf32>
    %max3A_113 = arith.maximumf %add3A_110, %max3A_112 : vector<10000x16xf32>
    %swap3A = arith.constant 0 : index
    %swap3A_114 = arith.constant 0 : index
    %swap3A_115 = vector.load %arg12[%swap3A, %swap3A_114] : memref<10000x16xf32, #tpu.memory_space<vmem>>, vector<10000x16xf32>
    tpu.vector_store %arg12[%swap3A, %swap3A_114], %max3A_113 {strides = array<i32>} : memref<10000x16xf32, #tpu.memory_space<vmem>>, vector<10000x16xf32>,
    return
  }
}

module attributes {stable_mosaic.version = 14 : i64} {
  func.func @_mlp_relu_body(%arg0: memref<10000x16xf32, #tpu.memory_space<vmem>>, %arg1: memref<2x10000x16xf32, #tpu.memory_space<vmem>>, %arg2: memref<16x16xf32, #tpu.memory_space<vmem>>, %arg3: memref<1x16xf32, #tpu.memory_space<vmem>>, %arg4: memref<1x16xf32, #tpu.memory_space<vmem>>, %arg5: memref<1x16xf32, #tpu.memory_space<vmem>>, %arg6: memref<16x16xf32, #tpu.memory_space<vmem>>, %arg7: memref<1x16xf32, #tpu.memory_space<vmem>>, %arg8: memref<1x16xf32, #tpu.memory_space<vmem>>, %arg9: memref<1x16xf32, #tpu.memory_space<vmem>>, %arg10: memref<16x16xf32, #tpu.memory_space<vmem>>, %arg11: memref<1x16xf32, #tpu.memory_space<vmem>>, %arg12: memref<10000x16xf32, #tpu.memory_space<vmem>>) attributes {dimension_semantics = [], scalar_prefetch = 0 : i64, scratch_operands = 0 : i64, tpu.core_type = #tpu.core_type<tc>} {
    %get3A = arith.constant 0 : index
    %get3A_0 = arith.constant 0 : index
    %get3A_1 = vector.load %arg0[%get3A, %get3A_0] : memref<10000x16xf32, #tpu.memory_space<vmem>>, vector<10000x16xf32>
    %get3A_2 = arith.constant 0 : index
    %get3A_3 = arith.constant 0 : index
    %get3A_4 = arith.constant 0 : index
    %get3A_5 = vector.load %arg1[%get3A_2, %get3A_3, %get3A_4] : memref<2x10000x16xf32, #tpu.memory_space<vmem>>, vector<1x10000x16xf32>
    %get3A_6 = vector.shape_cast %get3A_5 : vector<1x10000x16xf32> to vector<10000x16xf32>
    %add3A = arith.addf %get3A_1, %get3A_6 : vector<10000x16xf32>
    %get3A_7 = arith.constant 1 : index
    %get3A_8 = arith.constant 0 : index
    %get3A_9 = arith.constant 0 : index
    %get3A_10 = vector.load %arg1[%get3A_7, %get3A_8, %get3A_9] : memref<2x10000x16xf32, #tpu.memory_space<vmem>>, vector<1x10000x16xf32>
    %get3A_11 = vector.shape_cast %get3A_10 : vector<1x10000x16xf32> to vector<10000x16xf32>
    %add3A_12 = arith.addf %add3A, %get3A_11 : vector<10000x16xf32>
    %get3A_13 = arith.constant 0 : index
    %get3A_14 = arith.constant 0 : index
    %get3A_15 = vector.load %arg2[%get3A_13, %get3A_14] : memref<16x16xf32, #tpu.memory_space<vmem>>, vector<16x16xf32>
    %convert_element_type3A = arith.truncf %add3A_12 : vector<10000x16xf32> to vector<10000x16xbf16>
    %convert_element_type3A_16 = arith.truncf %get3A_15 : vector<16x16xf32> to vector<16x16xbf16>
    %dot_general3A = arith.constant dense<0.000000e+00> : vector<10000x16xf32>
    %dot_general3A_17 = tpu.matmul %convert_element_type3A, %convert_element_type3A_16, %dot_general3A {dimension_numbers = #tpu.dot_dimension_numbers<[1], [0], [0], [1], [0, 0, 1, 1], [], []>, transpose_lhs_hint = false} : vector<10000x16xbf16>, vector<16x16xbf16>, vector<10000x16xf32> -> vector<10000x16xf32>
    %get3A_18 = arith.constant 0 : index
    %get3A_19 = arith.constant 0 : index
    %get3A_20 = vector.load %arg3[%get3A_18, %get3A_19] : memref<1x16xf32, #tpu.memory_space<vmem>>, vector<1x16xf32>
    %add3A_21 = vector.broadcast %get3A_20 : vector<1x16xf32> to vector<10000x16xf32>
    %add3A_22 = arith.addf %dot_general3A_17, %add3A_21 : vector<10000x16xf32>
    %get3A_23 = arith.constant 0 : index
    %get3A_24 = arith.constant 0 : index
    %get3A_25 = vector.load %arg4[%get3A_23, %get3A_24] : memref<1x16xf32, #tpu.memory_space<vmem>>, vector<1x16xf32>
    %get3A_26 = arith.constant 0 : index
    %get3A_27 = arith.constant 0 : index
    %get3A_28 = vector.load %arg5[%get3A_26, %get3A_27] : memref<1x16xf32, #tpu.memory_space<vmem>>, vector<1x16xf32>
    %reduce_sum3A = arith.constant dense<0.000000e+00> : vector<16xf32>
    %reduce_sum3A_29 = vector.multi_reduction <add>, %add3A_22, %reduce_sum3A [0] : vector<10000x16xf32> to vector<16xf32>
    %broadcast_in_dim3A = vector.shape_cast %reduce_sum3A_29 : vector<16xf32> to vector<1x16xf32>
    %div3A = arith.constant 1.000000e+04 : f32
    %div3A_30 = vector.broadcast %div3A : f32 to vector<1x16xf32>
    %div3A_31 = arith.divf %broadcast_in_dim3A, %div3A_30 : vector<1x16xf32>
    %sub3A = vector.broadcast %div3A_31 : vector<1x16xf32> to vector<10000x16xf32>
    %sub3A_32 = arith.subf %add3A_22, %sub3A : vector<10000x16xf32>
    %integer_pow3A = arith.mulf %sub3A_32, %sub3A_32 : vector<10000x16xf32>
    %reduce_sum3A_33 = arith.constant dense<0.000000e+00> : vector<16xf32>
    %reduce_sum3A_34 = vector.multi_reduction <add>, %integer_pow3A, %reduce_sum3A_33 [0] : vector<10000x16xf32> to vector<16xf32>
    %broadcast_in_dim3A_35 = vector.shape_cast %reduce_sum3A_34 : vector<16xf32> to vector<1x16xf32>
    %div3A_36 = arith.constant 1.000000e+04 : f32
    %div3A_37 = vector.broadcast %div3A_36 : f32 to vector<1x16xf32>
    %div3A_38 = arith.divf %broadcast_in_dim3A_35, %div3A_37 : vector<1x16xf32>
    %sub3A_39 = vector.broadcast %div3A_31 : vector<1x16xf32> to vector<10000x16xf32>
    %sub3A_40 = arith.subf %add3A_22, %sub3A_39 : vector<10000x16xf32>
    %add3A_41 = arith.constant 9.99999974E-6 : f32
    %add3A_42 = vector.broadcast %add3A_41 : f32 to vector<1x16xf32>
    %add3A_43 = arith.addf %div3A_38, %add3A_42 : vector<1x16xf32>
    %sqrt3A = math.sqrt %add3A_43 : vector<1x16xf32>
    %div3A_44 = vector.broadcast %sqrt3A : vector<1x16xf32> to vector<10000x16xf32>
    %div3A_45 = arith.divf %sub3A_40, %div3A_44 : vector<10000x16xf32>
    %mul3A = vector.broadcast %get3A_25 : vector<1x16xf32> to vector<10000x16xf32>
    %mul3A_46 = arith.mulf %div3A_45, %mul3A : vector<10000x16xf32>
    %add3A_47 = vector.broadcast %get3A_28 : vector<1x16xf32> to vector<10000x16xf32>
    %add3A_48 = arith.addf %mul3A_46, %add3A_47 : vector<10000x16xf32>
    %max3A = arith.constant 0.000000e+00 : f32
    %max3A_49 = vector.broadcast %max3A : f32 to vector<10000x16xf32>
    %max3A_50 = arith.maximumf %add3A_48, %max3A_49 : vector<10000x16xf32>
    %get3A_51 = arith.constant 0 : index
    %get3A_52 = arith.constant 0 : index
    %get3A_53 = vector.load %arg6[%get3A_51, %get3A_52] : memref<16x16xf32, #tpu.memory_space<vmem>>, vector<16x16xf32>
    %convert_element_type3A_54 = arith.truncf %max3A_50 : vector<10000x16xf32> to vector<10000x16xbf16>
    %convert_element_type3A_55 = arith.truncf %get3A_53 : vector<16x16xf32> to vector<16x16xbf16>
    %dot_general3A_56 = arith.constant dense<0.000000e+00> : vector<10000x16xf32>
    %dot_general3A_57 = tpu.matmul %convert_element_type3A_54, %convert_element_type3A_55, %dot_general3A_56 {dimension_numbers = #tpu.dot_dimension_numbers<[1], [0], [0], [1], [0, 0, 1, 1], [], []>, transpose_lhs_hint = false} : vector<10000x16xbf16>, vector<16x16xbf16>, vector<10000x16xf32> -> vector<10000x16xf32>
    %get3A_58 = arith.constant 0 : index
    %get3A_59 = arith.constant 0 : index
    %get3A_60 = vector.load %arg7[%get3A_58, %get3A_59] : memref<1x16xf32, #tpu.memory_space<vmem>>, vector<1x16xf32>
    %add3A_61 = vector.broadcast %get3A_60 : vector<1x16xf32> to vector<10000x16xf32>
    %add3A_62 = arith.addf %dot_general3A_57, %add3A_61 : vector<10000x16xf32>
    %get3A_63 = arith.constant 0 : index
    %get3A_64 = arith.constant 0 : index
    %get3A_65 = vector.load %arg8[%get3A_63, %get3A_64] : memref<1x16xf32, #tpu.memory_space<vmem>>, vector<1x16xf32>
    %get3A_66 = arith.constant 0 : index
    %get3A_67 = arith.constant 0 : index
    %get3A_68 = vector.load %arg9[%get3A_66, %get3A_67] : memref<1x16xf32, #tpu.memory_space<vmem>>, vector<1x16xf32>
    %reduce_sum3A_69 = arith.constant dense<0.000000e+00> : vector<16xf32>
    %reduce_sum3A_70 = vector.multi_reduction <add>, %add3A_62, %reduce_sum3A_69 [0] : vector<10000x16xf32> to vector<16xf32>
    %broadcast_in_dim3A_71 = vector.shape_cast %reduce_sum3A_70 : vector<16xf32> to vector<1x16xf32>
    %div3A_72 = arith.constant 1.000000e+04 : f32
    %div3A_73 = vector.broadcast %div3A_72 : f32 to vector<1x16xf32>
    %div3A_74 = arith.divf %broadcast_in_dim3A_71, %div3A_73 : vector<1x16xf32>
    %sub3A_75 = vector.broadcast %div3A_74 : vector<1x16xf32> to vector<10000x16xf32>
    %sub3A_76 = arith.subf %add3A_62, %sub3A_75 : vector<10000x16xf32>
    %integer_pow3A_77 = arith.mulf %sub3A_76, %sub3A_76 : vector<10000x16xf32>
    %reduce_sum3A_78 = arith.constant dense<0.000000e+00> : vector<16xf32>
    %reduce_sum3A_79 = vector.multi_reduction <add>, %integer_pow3A_77, %reduce_sum3A_78 [0] : vector<10000x16xf32> to vector<16xf32>
    %broadcast_in_dim3A_80 = vector.shape_cast %reduce_sum3A_79 : vector<16xf32> to vector<1x16xf32>
    %div3A_81 = arith.constant 1.000000e+04 : f32
    %div3A_82 = vector.broadcast %div3A_81 : f32 to vector<1x16xf32>
    %div3A_83 = arith.divf %broadcast_in_dim3A_80, %div3A_82 : vector<1x16xf32>
    %sub3A_84 = vector.broadcast %div3A_74 : vector<1x16xf32> to vector<10000x16xf32>
    %sub3A_85 = arith.subf %add3A_62, %sub3A_84 : vector<10000x16xf32>
    %add3A_86 = arith.constant 9.99999974E-6 : f32
    %add3A_87 = vector.broadcast %add3A_86 : f32 to vector<1x16xf32>
    %add3A_88 = arith.addf %div3A_83, %add3A_87 : vector<1x16xf32>
    %sqrt3A_89 = math.sqrt %add3A_88 : vector<1x16xf32>
    %div3A_90 = vector.broadcast %sqrt3A_89 : vector<1x16xf32> to vector<10000x16xf32>
    %div3A_91 = arith.divf %sub3A_85, %div3A_90 : vector<10000x16xf32>
    %mul3A_92 = vector.broadcast %get3A_65 : vector<1x16xf32> to vector<10000x16xf32>
    %mul3A_93 = arith.mulf %div3A_91, %mul3A_92 : vector<10000x16xf32>
    %add3A_94 = vector.broadcast %get3A_68 : vector<1x16xf32> to vector<10000x16xf32>
    %add3A_95 = arith.addf %mul3A_93, %add3A_94 : vector<10000x16xf32>
    %max3A_96 = arith.constant 0.000000e+00 : f32
    %max3A_97 = vector.broadcast %max3A_96 : f32 to vector<10000x16xf32>
    %max3A_98 = arith.maximumf %add3A_95, %max3A_97 : vector<10000x16xf32>
    %get3A_99 = arith.constant 0 : index
    %get3A_100 = arith.constant 0 : index
    %get3A_101 = vector.load %arg10[%get3A_99, %get3A_100] : memref<16x16xf32, #tpu.memory_space<vmem>>, vector<16x16xf32>
    %convert_element_type3A_102 = arith.truncf %max3A_98 : vector<10000x16xf32> to vector<10000x16xbf16>
    %convert_element_type3A_103 = arith.truncf %get3A_101 : vector<16x16xf32> to vector<16x16xbf16>
    %dot_general3A_104 = arith.constant dense<0.000000e+00> : vector<10000x16xf32>
    %dot_general3A_105 = tpu.matmul %convert_element_type3A_102, %convert_element_type3A_103, %dot_general3A_104 {dimension_numbers = #tpu.dot_dimension_numbers<[1], [0], [0], [1], [0, 0, 1, 1], [], []>, transpose_lhs_hint = false} : vector<10000x16xbf16>, vector<16x16xbf16>, vector<10000x16xf32> -> vector<10000x16xf32>
    %get3A_106 = arith.constant 0 : index
    %get3A_107 = arith.constant 0 : index
    %get3A_108 = vector.load %arg11[%get3A_106, %get3A_107] : memref<1x16xf32, #tpu.memory_space<vmem>>, vector<1x16xf32>
    %add3A_109 = vector.broadcast %get3A_108 : vector<1x16xf32> to vector<10000x16xf32>
    %add3A_110 = arith.addf %dot_general3A_105, %add3A_109 : vector<10000x16xf32>
    %max3A_111 = arith.constant 0.000000e+00 : f32
    %max3A_112 = vector.broadcast %max3A_111 : f32 to vector<10000x16xf32>
    %max3A_113 = arith.maximumf %add3A_110, %max3A_112 : vector<10000x16xf32>
    %swap3A = arith.constant 0 : index
    %swap3A_114 = arith.constant 0 : index
    %swap3A_115 = vector.load %arg12[%swap3A, %swap3A_114] : memref<10000x16xf32, #tpu.memory_space<vmem>>, vector<10000x16xf32>
    tpu.vector_store %arg12[%swap3A, %swap3A_114], %max3A_113 {strides = array<i32>} : memref<10000x16xf32, #tpu.memory_space<vmem>>, vector<10000x16xf32>,
    return
  }
}

module attributes {stable_mosaic.version = 14 : i64} {
  func.func @_mlp_last_body(%arg0: memref<10000x16xf32, #tpu.memory_space<vmem>>, %arg1: memref<2x10000x16xf32, #tpu.memory_space<vmem>>, %arg2: memref<16x16xf32, #tpu.memory_space<vmem>>, %arg3: memref<1x16xf32, #tpu.memory_space<vmem>>, %arg4: memref<1x16xf32, #tpu.memory_space<vmem>>, %arg5: memref<1x16xf32, #tpu.memory_space<vmem>>, %arg6: memref<16x16xf32, #tpu.memory_space<vmem>>, %arg7: memref<1x16xf32, #tpu.memory_space<vmem>>, %arg8: memref<1x16xf32, #tpu.memory_space<vmem>>, %arg9: memref<1x16xf32, #tpu.memory_space<vmem>>, %arg10: memref<16x16xf32, #tpu.memory_space<vmem>>, %arg11: memref<1x16xf32, #tpu.memory_space<vmem>>, %arg12: memref<16x1xf32, #tpu.memory_space<vmem>>, %arg13: memref<1x1xf32, #tpu.memory_space<vmem>>, %arg14: memref<10000x1xf32, #tpu.memory_space<vmem>>) attributes {dimension_semantics = [], scalar_prefetch = 0 : i64, scratch_operands = 0 : i64, tpu.core_type = #tpu.core_type<tc>} {
    %get3A = arith.constant 0 : index
    %get3A_0 = arith.constant 0 : index
    %get3A_1 = vector.load %arg0[%get3A, %get3A_0] : memref<10000x16xf32, #tpu.memory_space<vmem>>, vector<10000x16xf32>
    %get3A_2 = arith.constant 0 : index
    %get3A_3 = arith.constant 0 : index
    %get3A_4 = arith.constant 0 : index
    %get3A_5 = vector.load %arg1[%get3A_2, %get3A_3, %get3A_4] : memref<2x10000x16xf32, #tpu.memory_space<vmem>>, vector<1x10000x16xf32>
    %get3A_6 = vector.shape_cast %get3A_5 : vector<1x10000x16xf32> to vector<10000x16xf32>
    %add3A = arith.addf %get3A_1, %get3A_6 : vector<10000x16xf32>
    %get3A_7 = arith.constant 1 : index
    %get3A_8 = arith.constant 0 : index
    %get3A_9 = arith.constant 0 : index
    %get3A_10 = vector.load %arg1[%get3A_7, %get3A_8, %get3A_9] : memref<2x10000x16xf32, #tpu.memory_space<vmem>>, vector<1x10000x16xf32>
    %get3A_11 = vector.shape_cast %get3A_10 : vector<1x10000x16xf32> to vector<10000x16xf32>
    %add3A_12 = arith.addf %add3A, %get3A_11 : vector<10000x16xf32>
    %get3A_13 = arith.constant 0 : index
    %get3A_14 = arith.constant 0 : index
    %get3A_15 = vector.load %arg2[%get3A_13, %get3A_14] : memref<16x16xf32, #tpu.memory_space<vmem>>, vector<16x16xf32>
    %convert_element_type3A = arith.truncf %add3A_12 : vector<10000x16xf32> to vector<10000x16xbf16>
    %convert_element_type3A_16 = arith.truncf %get3A_15 : vector<16x16xf32> to vector<16x16xbf16>
    %dot_general3A = arith.constant dense<0.000000e+00> : vector<10000x16xf32>
    %dot_general3A_17 = tpu.matmul %convert_element_type3A, %convert_element_type3A_16, %dot_general3A {dimension_numbers = #tpu.dot_dimension_numbers<[1], [0], [0], [1], [0, 0, 1, 1], [], []>, transpose_lhs_hint = false} : vector<10000x16xbf16>, vector<16x16xbf16>, vector<10000x16xf32> -> vector<10000x16xf32>
    %get3A_18 = arith.constant 0 : index
    %get3A_19 = arith.constant 0 : index
    %get3A_20 = vector.load %arg3[%get3A_18, %get3A_19] : memref<1x16xf32, #tpu.memory_space<vmem>>, vector<1x16xf32>
    %add3A_21 = vector.broadcast %get3A_20 : vector<1x16xf32> to vector<10000x16xf32>
    %add3A_22 = arith.addf %dot_general3A_17, %add3A_21 : vector<10000x16xf32>
    %get3A_23 = arith.constant 0 : index
    %get3A_24 = arith.constant 0 : index
    %get3A_25 = vector.load %arg4[%get3A_23, %get3A_24] : memref<1x16xf32, #tpu.memory_space<vmem>>, vector<1x16xf32>
    %get3A_26 = arith.constant 0 : index
    %get3A_27 = arith.constant 0 : index
    %get3A_28 = vector.load %arg5[%get3A_26, %get3A_27] : memref<1x16xf32, #tpu.memory_space<vmem>>, vector<1x16xf32>
    %reduce_sum3A = arith.constant dense<0.000000e+00> : vector<16xf32>
    %reduce_sum3A_29 = vector.multi_reduction <add>, %add3A_22, %reduce_sum3A [0] : vector<10000x16xf32> to vector<16xf32>
    %broadcast_in_dim3A = vector.shape_cast %reduce_sum3A_29 : vector<16xf32> to vector<1x16xf32>
    %div3A = arith.constant 1.000000e+04 : f32
    %div3A_30 = vector.broadcast %div3A : f32 to vector<1x16xf32>
    %div3A_31 = arith.divf %broadcast_in_dim3A, %div3A_30 : vector<1x16xf32>
    %sub3A = vector.broadcast %div3A_31 : vector<1x16xf32> to vector<10000x16xf32>
    %sub3A_32 = arith.subf %add3A_22, %sub3A : vector<10000x16xf32>
    %integer_pow3A = arith.mulf %sub3A_32, %sub3A_32 : vector<10000x16xf32>
    %reduce_sum3A_33 = arith.constant dense<0.000000e+00> : vector<16xf32>
    %reduce_sum3A_34 = vector.multi_reduction <add>, %integer_pow3A, %reduce_sum3A_33 [0] : vector<10000x16xf32> to vector<16xf32>
    %broadcast_in_dim3A_35 = vector.shape_cast %reduce_sum3A_34 : vector<16xf32> to vector<1x16xf32>
    %div3A_36 = arith.constant 1.000000e+04 : f32
    %div3A_37 = vector.broadcast %div3A_36 : f32 to vector<1x16xf32>
    %div3A_38 = arith.divf %broadcast_in_dim3A_35, %div3A_37 : vector<1x16xf32>
    %sub3A_39 = vector.broadcast %div3A_31 : vector<1x16xf32> to vector<10000x16xf32>
    %sub3A_40 = arith.subf %add3A_22, %sub3A_39 : vector<10000x16xf32>
    %add3A_41 = arith.constant 9.99999974E-6 : f32
    %add3A_42 = vector.broadcast %add3A_41 : f32 to vector<1x16xf32>
    %add3A_43 = arith.addf %div3A_38, %add3A_42 : vector<1x16xf32>
    %sqrt3A = math.sqrt %add3A_43 : vector<1x16xf32>
    %div3A_44 = vector.broadcast %sqrt3A : vector<1x16xf32> to vector<10000x16xf32>
    %div3A_45 = arith.divf %sub3A_40, %div3A_44 : vector<10000x16xf32>
    %mul3A = vector.broadcast %get3A_25 : vector<1x16xf32> to vector<10000x16xf32>
    %mul3A_46 = arith.mulf %div3A_45, %mul3A : vector<10000x16xf32>
    %add3A_47 = vector.broadcast %get3A_28 : vector<1x16xf32> to vector<10000x16xf32>
    %add3A_48 = arith.addf %mul3A_46, %add3A_47 : vector<10000x16xf32>
    %max3A = arith.constant 0.000000e+00 : f32
    %max3A_49 = vector.broadcast %max3A : f32 to vector<10000x16xf32>
    %max3A_50 = arith.maximumf %add3A_48, %max3A_49 : vector<10000x16xf32>
    %get3A_51 = arith.constant 0 : index
    %get3A_52 = arith.constant 0 : index
    %get3A_53 = vector.load %arg6[%get3A_51, %get3A_52] : memref<16x16xf32, #tpu.memory_space<vmem>>, vector<16x16xf32>
    %convert_element_type3A_54 = arith.truncf %max3A_50 : vector<10000x16xf32> to vector<10000x16xbf16>
    %convert_element_type3A_55 = arith.truncf %get3A_53 : vector<16x16xf32> to vector<16x16xbf16>
    %dot_general3A_56 = arith.constant dense<0.000000e+00> : vector<10000x16xf32>
    %dot_general3A_57 = tpu.matmul %convert_element_type3A_54, %convert_element_type3A_55, %dot_general3A_56 {dimension_numbers = #tpu.dot_dimension_numbers<[1], [0], [0], [1], [0, 0, 1, 1], [], []>, transpose_lhs_hint = false} : vector<10000x16xbf16>, vector<16x16xbf16>, vector<10000x16xf32> -> vector<10000x16xf32>
    %get3A_58 = arith.constant 0 : index
    %get3A_59 = arith.constant 0 : index
    %get3A_60 = vector.load %arg7[%get3A_58, %get3A_59] : memref<1x16xf32, #tpu.memory_space<vmem>>, vector<1x16xf32>
    %add3A_61 = vector.broadcast %get3A_60 : vector<1x16xf32> to vector<10000x16xf32>
    %add3A_62 = arith.addf %dot_general3A_57, %add3A_61 : vector<10000x16xf32>
    %get3A_63 = arith.constant 0 : index
    %get3A_64 = arith.constant 0 : index
    %get3A_65 = vector.load %arg8[%get3A_63, %get3A_64] : memref<1x16xf32, #tpu.memory_space<vmem>>, vector<1x16xf32>
    %get3A_66 = arith.constant 0 : index
    %get3A_67 = arith.constant 0 : index
    %get3A_68 = vector.load %arg9[%get3A_66, %get3A_67] : memref<1x16xf32, #tpu.memory_space<vmem>>, vector<1x16xf32>
    %reduce_sum3A_69 = arith.constant dense<0.000000e+00> : vector<16xf32>
    %reduce_sum3A_70 = vector.multi_reduction <add>, %add3A_62, %reduce_sum3A_69 [0] : vector<10000x16xf32> to vector<16xf32>
    %broadcast_in_dim3A_71 = vector.shape_cast %reduce_sum3A_70 : vector<16xf32> to vector<1x16xf32>
    %div3A_72 = arith.constant 1.000000e+04 : f32
    %div3A_73 = vector.broadcast %div3A_72 : f32 to vector<1x16xf32>
    %div3A_74 = arith.divf %broadcast_in_dim3A_71, %div3A_73 : vector<1x16xf32>
    %sub3A_75 = vector.broadcast %div3A_74 : vector<1x16xf32> to vector<10000x16xf32>
    %sub3A_76 = arith.subf %add3A_62, %sub3A_75 : vector<10000x16xf32>
    %integer_pow3A_77 = arith.mulf %sub3A_76, %sub3A_76 : vector<10000x16xf32>
    %reduce_sum3A_78 = arith.constant dense<0.000000e+00> : vector<16xf32>
    %reduce_sum3A_79 = vector.multi_reduction <add>, %integer_pow3A_77, %reduce_sum3A_78 [0] : vector<10000x16xf32> to vector<16xf32>
    %broadcast_in_dim3A_80 = vector.shape_cast %reduce_sum3A_79 : vector<16xf32> to vector<1x16xf32>
    %div3A_81 = arith.constant 1.000000e+04 : f32
    %div3A_82 = vector.broadcast %div3A_81 : f32 to vector<1x16xf32>
    %div3A_83 = arith.divf %broadcast_in_dim3A_80, %div3A_82 : vector<1x16xf32>
    %sub3A_84 = vector.broadcast %div3A_74 : vector<1x16xf32> to vector<10000x16xf32>
    %sub3A_85 = arith.subf %add3A_62, %sub3A_84 : vector<10000x16xf32>
    %add3A_86 = arith.constant 9.99999974E-6 : f32
    %add3A_87 = vector.broadcast %add3A_86 : f32 to vector<1x16xf32>
    %add3A_88 = arith.addf %div3A_83, %add3A_87 : vector<1x16xf32>
    %sqrt3A_89 = math.sqrt %add3A_88 : vector<1x16xf32>
    %div3A_90 = vector.broadcast %sqrt3A_89 : vector<1x16xf32> to vector<10000x16xf32>
    %div3A_91 = arith.divf %sub3A_85, %div3A_90 : vector<10000x16xf32>
    %mul3A_92 = vector.broadcast %get3A_65 : vector<1x16xf32> to vector<10000x16xf32>
    %mul3A_93 = arith.mulf %div3A_91, %mul3A_92 : vector<10000x16xf32>
    %add3A_94 = vector.broadcast %get3A_68 : vector<1x16xf32> to vector<10000x16xf32>
    %add3A_95 = arith.addf %mul3A_93, %add3A_94 : vector<10000x16xf32>
    %max3A_96 = arith.constant 0.000000e+00 : f32
    %max3A_97 = vector.broadcast %max3A_96 : f32 to vector<10000x16xf32>
    %max3A_98 = arith.maximumf %add3A_95, %max3A_97 : vector<10000x16xf32>
    %get3A_99 = arith.constant 0 : index
    %get3A_100 = arith.constant 0 : index
    %get3A_101 = vector.load %arg10[%get3A_99, %get3A_100] : memref<16x16xf32, #tpu.memory_space<vmem>>, vector<16x16xf32>
    %convert_element_type3A_102 = arith.truncf %max3A_98 : vector<10000x16xf32> to vector<10000x16xbf16>
    %convert_element_type3A_103 = arith.truncf %get3A_101 : vector<16x16xf32> to vector<16x16xbf16>
    %dot_general3A_104 = arith.constant dense<0.000000e+00> : vector<10000x16xf32>
    %dot_general3A_105 = tpu.matmul %convert_element_type3A_102, %convert_element_type3A_103, %dot_general3A_104 {dimension_numbers = #tpu.dot_dimension_numbers<[1], [0], [0], [1], [0, 0, 1, 1], [], []>, transpose_lhs_hint = false} : vector<10000x16xbf16>, vector<16x16xbf16>, vector<10000x16xf32> -> vector<10000x16xf32>
    %get3A_106 = arith.constant 0 : index
    %get3A_107 = arith.constant 0 : index
    %get3A_108 = vector.load %arg11[%get3A_106, %get3A_107] : memref<1x16xf32, #tpu.memory_space<vmem>>, vector<1x16xf32>
    %add3A_109 = vector.broadcast %get3A_108 : vector<1x16xf32> to vector<10000x16xf32>
    %add3A_110 = arith.addf %dot_general3A_105, %add3A_109 : vector<10000x16xf32>
    %convert_element_type3A_111 = arith.truncf %add3A_110 : vector<10000x16xf32> to vector<10000x16xbf16>
    %convert_element_type3A_112 = arith.extf %convert_element_type3A_111 : vector<10000x16xbf16> to vector<10000x16xf32>
    %get3A_113 = arith.constant 0 : index
    %get3A_114 = arith.constant 0 : index
    %get3A_115 = vector.load %arg12[%get3A_113, %get3A_114] : memref<16x1xf32, #tpu.memory_space<vmem>>, vector<16x1xf32>
    %dot_general3A_116 = arith.constant dense<0.000000e+00> : vector<10000x1xf32>
    %dot_general3A_117 = tpu.matmul %convert_element_type3A_112, %get3A_115, %dot_general3A_116 {dimension_numbers = #tpu.dot_dimension_numbers<[1], [0], [0], [1], [0, 0, 1, 1], [], []>, precision = #tpu.contract_precision<fp32>, transpose_lhs_hint = false} : vector<10000x16xf32>, vector<16x1xf32>, vector<10000x1xf32> -> vector<10000x1xf32>
    %get3A_118 = arith.constant 0 : index
    %get3A_119 = arith.constant 0 : index
    %get3A_120 = vector.load %arg13[%get3A_118, %get3A_119] : memref<1x1xf32, #tpu.memory_space<vmem>>, vector<1x1xf32>
    %add3A_121 = vector.broadcast %get3A_120 : vector<1x1xf32> to vector<10000x1xf32>
    %add3A_122 = arith.addf %dot_general3A_117, %add3A_121 : vector<10000x1xf32>
    %swap3A = arith.constant 0 : index
    %swap3A_123 = arith.constant 0 : index
    %swap3A_124 = vector.load %arg14[%swap3A, %swap3A_123] : memref<10000x1xf32, #tpu.memory_space<vmem>>, vector<10000x1xf32>
    tpu.vector_store %arg14[%swap3A, %swap3A_123], %add3A_122 {strides = array<i32>} : memref<10000x1xf32, #tpu.memory_space<vmem>>, vector<10000x1xf32>,
    return
  }
}

</mosaic_0001>

<sc_bundles>
// kernel: kernel.12.cloned.1.call-start
scs
__scs_entry_jumppad:
0x0: {  	(pc) =	sbr.rel $0x88, $3  }
0x1: {  	(tag) =	ssettag $0x0;
	lr =	simm.s32 $0x1  }
0x2: {  	[smem:$0x3F7F] =	sst lr;
	_ =	strace $0xD0000000  }
0x3: {  	_ = 	snop  }
0x4: {  	_ = 	snop  }
0x5: {  	_ = 	snop  }
0x6: {  	_ = 	snop  }
0x7: {  	_ = 	snop  }
__scs_overlays_trampoline_lowered:
0x8: {  	[smem:$0x3F8E] =	sst s0  }
0x9: {  	[smem:$0x3F8F] =	sst s1  }
0xa: {  	[smem:$0x3F90] =	sst s2  }
0xb: {  	[smem:$0x3F91] =	sst s3  }
0xc: {  	[smem:$0x3F92] =	sst s4  }
0xd: {  	[smem:$0x3F93] =	sst s5  }
0xe: {  	[smem:$0x3F94] =	sst s6  }
0xf: {  	[smem:$0x3F95] =	sst s7  }
0x10: {  	[smem:$0x3F96] =	sst s8  }
0x11: {  	[smem:$0x3F97] =	sst s9;
	s0 =	simm.s32 @!p0 $0x0  }
0x12: {  	s1 =	sld [smem:$0x3F7D];
	s0 =	simm.s32 @p0 $0x1  }
0x13: {  	[smem:$0x3F98] =	sst s0;
	s0 =	simm.s32 @!p1 $0x0  }
0x14: {  	s2 =	sld [smem:$0x3F7C];
	s0 =	simm.s32 @p1 $0x1  }
0x15: {  	[smem:$0x3F99] =	sst s0;
	s0 =	simm.s32 @!p2 $0x0  }
0x16: {  	s3 =	sld [smem:$0x3FDB];
	s0 =	simm.s32 @p2 $0x1  }
0x17: {  	s4 =	simm.s32 $0x1BF5;
	[smem:$0x3F9B] =	sst s0  }
0x18: {  	s0 =	sld [smem:$0x3F7E];
	_ =	swait.ge [sflag:s4], $0x0  }
0x19: {  	s7 =	sld [smem:$0x3F7F]  }
0x1a: {  	s8 =	sadd.s32 $0xFFFFE003, lr  }
0x1b: {  	s9 =	sadd.s32 $0xFFFFFEF7, lr;
	s5 =	simm.s32 $0xFFFFFFFF;
	p2 =	slt.u32 s8, $0xFFFFF086  }
0x1c: {  	p1 =	slt.u32 s9, $0xF7A;
	s5 =	simm.s32 @!p2 $0x0  }
0x1d: {  	s5 =	simm.s32 @p1 $0x1;
	p0 =	seq.s32 s7, s2  }
0x1e: {  	s7 =	smul.u32 @!p0 $0xF7A, s2;
	p2 =	seq.s32 @!p0 s5, $0x0  }
0x1f: {  	s9 =	smul.u32 $0xF7A, s1;
	s8 =	simm.s32 @!p0 $0x1BF5;
	p2 =	por !p2, p0  }
0x20: {  	[sflag:s8] =	ssyncset.s32 @!p0 $0xFFFFF086;
	s6 =	sadd.s32 @!p0 s3, s7;
	s7 =	simm.s32 @!p0 $0x108  }
0x21: {  	s3 =	sadd.s32 s3, s9;
	s6 =	sadd.s32 @!p0 $0x88, s6;
	s7 =	simm.s32 @p2 $0x1082  }
0x22: {  	[simem:s7], [sflag:s8] =	dma.local @!p0 [hbm:s6], $0xF7A  }
0x23: {  	s9 =	sor.u32 $0xD0000000, s2;
	s6 =	simm.s32 $0x108;
	_ =	swait.ge @!p0 [sflag:s8], $0x0  }
0x24: {  	s3 =	sadd.s32 $0x88, s3;
	s6 =	simm.s32 @!p1 $0x1082;
	[sflag:s4] =	ssyncset.s32 $0xFFFFF086  }
0x25: {  	[simem:s6], [sflag:s4] =	dma.local [hbm:s3], $0xF7A  }
0x26: {  	[smem:$0x3F7F] =	sst s1;
	(tag) =	ssettag s2;
	_ =	strace s9  }
0x27: {  	s1 =	sld [smem:$0x3F8F]  }
0x28: {  	s2 =	sld [smem:$0x3F90]  }
0x29: {  	s4 =	sld [smem:$0x3F92]  }
0x2a: {  	p0 =	seq.s32 s5, $0x0;
	s5 =	sld [smem:$0x3F93]  }
0x2b: {  	s6 =	sld [smem:$0x3F94]  }
0x2c: {  	s7 =	sld [smem:$0x3F95]  }
0x2d: {  	s3 =	simm.s32 $0x108;
	s8 =	sld [smem:$0x3F96]  }
0x2e: {  	s3 =	simm.s32 @!p0 $0x1082;
	s9 =	sld [smem:$0x3F97]  }
0x2f: {  	lr =	sadd.s32 s0, s3;
	s0 =	sld [smem:$0x3F8E]  }
0x30: {  	s3 =	sld [smem:$0x3F91]  }
0x31: {  	[smem:$0x3F9A] =	sst s10  }
0x32: {  	s10 =	sld [smem:$0x3F98];
	_ =	sdelay $0x3  }
0x33: {  	p0 =	seq.s32 s10, $0x1;
	s10 =	sld [smem:$0x3F9A];
	_ =	sdelay $0x3  }
0x34: {  	[smem:$0x3F9A] =	sst s10  }
0x35: {  	s10 =	sld [smem:$0x3F99];
	_ =	sdelay $0x3  }
0x36: {  	p1 =	seq.s32 s10, $0x1;
	s10 =	sld [smem:$0x3F9A];
	_ =	sdelay $0x3  }
0x37: {  	[smem:$0x3F9A] =	sst s10  }
0x38: {  	s10 =	sld [smem:$0x3F9B]  }
0x39: {  	_ = 	snop;
	(pc) =	sbr.ind lr, $3  }
0x3a: {  	_ = 	snop  }
0x3b: {  	_ = 	snop  }
0x3c: {  	p2 =	seq.s32 s10, $0x1;
	s10 =	sld [smem:$0x3F9A]  }
0x3d: {  	_ =	shalt  }
0x3e: {  	_ =	shalt  }
0x3f: {  	_ =	shalt  }
0x40: {  	_ =	shalt  }
0x41: {  	_ =	shalt  }
0x42: {  	_ =	shalt  }
0x43: {  	_ =	shalt  }
0x44: {  	_ =	shalt  }
0x45: {  	_ =	shalt  }
0x46: {  	_ =	shalt  }
0x47: {  	_ =	shalt  }
0x48: {  	_ =	shalt  }
0x49: {  	_ =	shalt  }
0x4a: {  	_ =	shalt  }
0x4b: {  	_ =	shalt  }
0x4c: {  	_ =	shalt  }
0x4d: {  	_ =	shalt  }
0x4e: {  	_ =	shalt  }
0x4f: {  	_ =	shalt  }
0x50: {  	_ =	shalt  }
0x51: {  	_ =	shalt  }
0x52: {  	_ =	shalt  }
0x53: {  	_ =	shalt  }
0x54: {  	_ =	shalt  }
0x55: {  	_ =	shalt  }
0x56: {  	_ =	shalt  }
0x57: {  	_ =	shalt  }
0x58: {  	_ =	shalt  }
0x59: {  	_ =	shalt  }
0x5a: {  	_ =	shalt  }
0x5b: {  	_ =	shalt  }
0x5c: {  	_ =	shalt  }
0x5d: {  	_ =	shalt  }
0x5e: {  	_ =	shalt  }
0x5f: {  	_ =	shalt  }
0x60: {  	_ =	shalt  }
0x61: {  	_ =	shalt  }
0x62: {  	_ =	shalt  }
0x63: {  	_ =	shalt  }
0x64: {  	_ =	shalt  }
0x65: {  	_ =	shalt  }
0x66: {  	_ =	shalt  }
0x67: {  	_ =	shalt  }
0x68: {  	_ =	shalt  }
0x69: {  	_ =	shalt  }
0x6a: {  	_ =	shalt  }
0x6b: {  	_ =	shalt  }
0x6c: {  	_ =	shalt  }
0x6d: {  	_ =	shalt  }
0x6e: {  	_ =	shalt  }
0x6f: {  	_ =	shalt  }
0x70: {  	_ =	shalt  }
0x71: {  	_ =	shalt  }
0x72: {  	_ =	shalt  }
0x73: {  	_ =	shalt  }
0x74: {  	_ =	shalt  }
0x75: {  	_ =	shalt  }
0x76: {  	_ =	shalt  }
0x77: {  	_ =	shalt  }
0x78: {  	_ =	shalt  }
0x79: {  	_ =	shalt  }
0x7a: {  	_ =	shalt  }
0x7b: {  	_ =	shalt  }
0x7c: {  	_ =	shalt  }
0x7d: {  	_ =	shalt  }
0x7e: {  	_ =	shalt  }
0x7f: {  	_ =	shalt  }
0x80: {  	_ =	shalt  }
0x81: {  	_ =	shalt  }
0x82: {  	_ =	shalt  }
0x83: {  	_ =	shalt  }
0x84: {  	_ =	shalt  }
0x85: {  	_ =	shalt  }
0x86: {  	_ =	shalt  }
0x87: {  	_ =	shalt  }
.Lfunc_end0:
.L_simem_size_0:
called_computation.1_lowered:
.L_overlay_start_0:
0x88: {  	s2 =	sld [smem:$0x3FD9]  }
0x89: {  	s3 =	sld [smem:$0x3FFE];
	_ =	sdelay $0x1  }
0x8a: {  	s1 =	srdreg.scid  }
0x8b: {  	s0 =	sand.u32 $0x1, s1  }
0x8c: {  	s17 =	sshll.u32 s0, $0xA;
	s2 =	sadd.s32 s3, s2  }
0x8d: {  	s2 =	sadd.s32 s2, s17  }
0x8e: {  	[smem:$0x3FA6] =	sst s2  }
0x8f: {  	_ = 	snop  }
0x90: {  	(tm) =	ssettm $0x1  }
0x91: {  	s18 =	sld [smem:$0x3FFB];
	_ =	sdelay $0x3  }
0x92: {  	_ =	strace s18  }
0x93: {  	s2 =	sld [smem:$0x3FFC];
	_ =	sdelay $0x3  }
0x94: {  	_ =	strace s2  }
0x95: {  	s2 =	sld [smem:$0x3FFD];
	_ =	sdelay $0x3  }
0x96: {  	_ =	strace s2  }
0x97: {  	_ =	strace $0x8FFFFFFF  }
0x98: {  	s19 =	sld [smem:$0x3FDB];
	_ =	sdelay $0x1  }
0x99: {  	s20 =	simm.s32 $_scs_section_size  }
0x9a: {  	s4 =	simm.s32 $_size__tile_overlayer_lowered;
	s5 =	simm.s32 $_tile_overlayer_lowered  }
0x9b: {  	s6 =	simm.s32 $0x1BFF;
	s21 =	sshll.u32 s5, $0x1;
	s3 =	sadd.s32 s20, s19  }
0x9c: {  	s22 =	simm.s32 $0x0;
	s4 =	sshll.u32 s4, $0x1;
	s5 =	sadd.s32 s21, s3  }
0x9d: {  	[timem:s22], [sflag:s6] =	dma.local [hbm:s5], s4  }
0x9e: {  	_ =	swait.ge [sflag:s6], s4  }
0x9f: {  	s4 =	ssub.s32 $0x0, s4;
	[sflag:s6] =	ssyncset.done $0x0  }
0xa0: {  	[sflag:s6] =	ssyncadd.s32 s4;
	_ =	sdelay $0x1  }
0xa1: {  	s23 =	simm.s32 $0x1B8B  }
0xa2: {  	_ =	swait.ge [sflag:s23], $0x1  }
0xa3: {  	[sflag:s23] =	ssyncset.done $0x0  }
0xa4: {  	[sflag:s23] =	ssyncadd.s32 $0xFFFFFFFF  }
0xa5: {  	s4 =	sld [smem:$0x0]  }
0xa6: {  	s5 =	sand.u32 $0xFFFFFFFE, s1  }
0xa7: {  	p0 =	sne.s32 s1, s5  }
0xa8: {  	s5 =	sshll.u32 @p0 s5, $0xE  }
0xa9: {  	s5 =	sadd.s32 @p0 $0x11B8D, s5;
	s6 =	sshll.u32 @p0 s4, $0x11  }
0xaa: {  	s5 =	sor.u32 @p0 s6, s5  }
0xab: {  	[sflag:s5] =	ssyncadd.remote.s32 @p0 $0x1;
	_ =	sdelay $0x1  }
0xac: {  	s5 =	simm.s32 @p0 $0x1B8D  }
0xad: {  	_ =	swait.eq @p0 [sflag:s5], $0x1  }
0xae: {  	[sflag:s5] =	ssyncadd.s32 @p0 $0xFFFFFFFF  }
0xaf: {  	s6 =	sshll.u32 @!p0 s1, $0xE  }
0xb0: {  	s6 =	sor.u32 @!p0 $0x4000, s6;
	s5 =	simm.s32 @!p0 $0x1B8D  }
0xb1: {  	s4 =	sshll.u32 @!p0 s4, $0x11;
	s6 =	sadd.s32 @!p0 $0x11B8D, s6;
	_ =	swait.eq @!p0 [sflag:s5], $0x1  }
0xb2: {  	s4 =	sor.u32 @!p0 s4, s6;
	[sflag:s5] =	ssyncadd.s32 @!p0 $0xFFFFFFFF  }
0xb3: {  	s25 =	simm.s32 $0x1B8E;
	s24 =	sld [smem:$0x3FFE];
	[sflag:s4] =	ssyncadd.remote.s32 @!p0 $0x1  }
0xb4: {  	s26 =	simm.s32 $execute0_lowered;
	[smem:$0x3FD2] =	sst s25  }
0xb5: {  	s5 =	sshll.u32 s26, $0x1;
	_ =	strace $0x80000049;
	[dreg:$0x1] =	wrdreg $0xFFFFFFFF  }
0xb6: {  	s28 =	simm.s32 $_size_execute0_lowered;
	s3 =	sadd.s32 s3, s5;
	[dreg:$0x0] =	wrdreg $0x0  }
0xb7: {  	s5 =	sshll.u32 s28, $0x1;
	[dreg:$0x2] =	wrdreg s3  }
0xb8: {  	[dreg:$0x3] =	wrdreg s5  }
0xb9: {  	[dreg:$0x4] =	wrdreg $0xC0  }
0xba: {  	_ =	task [dreg:s22], $0x5FFFF  }
0xbb: {  	[dreg:$0x1] =	wrdreg $0xFFFFFFFF  }
0xbc: {  	[dreg:$0x0] =	wrdreg $0x60  }
0xbd: {  	[dreg:$0x2] =	wrdreg s24  }
0xbe: {  	[dreg:$0x3] =	wrdreg $0xE0000  }
0xbf: {  	[dreg:$0x4] =	wrdreg $0xA  }
0xc0: {  	_ =	task.clear_ibuf [dreg:s22], $0x5FFFF;
	_ =	strace $0x90000049  }
0xc1: {  	s29 =	simm.s32 $0xA;
	_ =	strace $0x8000004B  }
0xc2: {  	_ =	swait.ge [sflag:s29], $0x1  }
0xc3: {  	[sflag:s29] =	ssyncadd.s32 $0xFFFFFFFF  }
0xc4: {  	_ =	strace $0x9000004B  }
0xc5: {  	_ =	sfence  }
0xc6: {  	s30 =	sld [smem:$0x0];
	_ =	sdelay $0x2  }
0xc7: {  	s31 =	sshll.u32 s1, $0xD;
	s1 =	sshrl.u32 s1, $0x2  }
0xc8: {  	s4 =	sand.u32 $0x4000, s31;
	s1 =	sadd.s32 s1, s30  }
0xc9: {  	s0 =	sor.u32 s4, s0;
	s1 =	sshll.u32 s1, $0x11  }
0xca: {  	s0 =	sor.u32 s1, s0  }
0xcb: {  	s0 =	sadd.s32 $0x8F2B, s0  }
0xcc: {  	[sflag:s0] =	ssyncadd.remote.s32 $0x1  }
0xcd: {  	_ =	sfence.sel $0xFFFF  }
0xce: {  	[dreg:$0x0] =	wrdreg $0xFFFFFFFF;
	(pc) =	sbr.abs _section_cstart, $3  }
0xcf: {  	[dreg:$0x1] =	wrdreg $0xFFFFFFFF  }
0xd0: {  	_ =	task.clear_ibuf [dreg:s22], $0x2FFFF;
	_ =	strace $0x9FFFFFFF  }
0xd1: {  	(tm) =	ssettm $0x7FFFFFFF  }
tec
execute0_lowered:
.L_overlay_start_1:
0x0: {  	(tag) =	ssettag $0x1  }
0x1: {  	s7 =	rddreg [dreg:$0x0]  }
0x2: {  	s2 =	rddreg [dreg:$0x1]  }
0x3: {  	s0 =	rddreg [dreg:$0x2];
	s4 =	srdreg.scid  }
0x4: {  	s1 =	stileid.u32;
	s3 =	simm.s32 $0x0;
	s15 =	simm.s32 $0x100  }
0x5: {  	s16 =	simm.s32 $0x80;
	s17 =	simm.s32 $0x200;
	s18 =	simm.s32 $0x1  }
0x6: {  	s19 =	simm.s32 $0x0;
	s8 =	sand.u32 $0x1, s4;
	s9 =	smul.u32 $0x9E00, s1  }
0x7: {  	[smem:$0x7FF] =	sst s3;
	s4 =	sadd.s32 $0x54000, s7;
	s12 =	smul.u32 $0x4F00, s1  }
0x8: {  	s10 =	sshll.u32 s1, $0x1;
	s5 =	sadd.s32 $0x22A00, s7;
	s6 =	smul.u32 $0x9E000, s8  }
0x9: {  	s10 =	sor.u32 s8, s10;
	s31 =	ssub.s32 $0x2, s8;
	s14 =	smul.u32 $0x2780, s8  }
0xa: {  	_ =	strace $0x8000004A;
	s10 =	smul.u32 $0x2780, s10;
	s13 =	sshrl.u32 s31, $0x1  }
0xb: {  	s11 =	sadd.s32 s9, s6;
	s6 =	sadd.s32 $0x18C00, s7;
	s13 =	ssub.s32 s31, s13  }
0xc: {  	s12 =	sadd.s32 s14, s12;
	s14 =	simm.s32 $0x2;
	s11 =	sshrl.u32 s11, $0x3  }
0xd: {  	s10 =	sshrl.u32 s10, $0x3;
	s12 =	sadd.s32 $0x80, s12;
	s11 =	sadd.s32 s11, s7  }
0xe: {  	s7 =	sadd.s32 s9, s2;
	s8 =	sadd.s32 s5, s10;
	s9 =	sadd.s32 s6, s10  }
0xf: {  	v0 =	vimm.f32 $0.0e+00;
	s10 =	sadd.s32 $0x67C00, s11;
	s11 =	smax.u32 s13, $0x1;
	s13 =	simm.s32 $0x4200  }
.LBB2_1:
0x10: {  	s20 =	sand.u32 $0x3FF00, s3  }
0x11: {  	s21 =	sand.u32 $0x30, s3;
	s22 =	sshrl.u32 s20, $0x2  }
0x12: {  	s20 =	simm.s32 $0x40;
	s22 =	sor.u32 s21, s22;
	s21 =	simm.s32 $0x0  }
.LBB2_2:
0x13: {  	p0 =	sne.s32 s20, $0x277C0  }
0x14: {  	[tilespmem:s22+$0x4200] =	vst v0;
	s21 =	sadd.s32 $0x10, s21;
	s22 =	smov.u32 s20;
	s20 =	sadd.s32 $0x40, s20  }
.Ltmp0:
0x15: {  	(pc) =	sbr.rel @p0 .LBB2_2-.Ltmp0, $4  }
0x16: {  	_ = 	snop  }
0x17: {  	s22 =	sand.u32 $0x3FF00, s22  }
0x18: {  	s23 =	sand.u32 $0x30, s21;
	s22 =	sshrl.u32 s22, $0x2  }
0x19: {  	s22 =	sor.u32 s23, s22  }
0x1a: {  	[tilespmem:s22+$0x4200] =	vst v0  }
0x1b: {  	[spmem:s7] =	stream.linear.scatter [tilespmem:s13], [sflag:$0x2], $0x9E00, $0x38;
	[tilespmem:$0x17E00] =	vst v63  }
0x1c: {  	_ =	swait.ge [sflag:s14], $0x9E00  }
0x1d: {  	[sflag:s14] =	ssyncset.done $0x0  }
0x1e: {  	[sflag:s14] =	ssyncadd.s32 $0xFFFF6200  }
0x1f: {  	[bflag:$0x0] =	sbarrier.arrive $0xFFFF  }
0x20: {  	[tilespmem:s3], [sflag:$0x2] =	stream.linear.gather [hbm4b:s8+s3], $0x80, $0x38;
	[tilespmem:$0x17E00] =	vst v63  }
0x21: {  	_ =	swait.ge [sflag:s14], $0x80  }
0x22: {  	[sflag:s14] =	ssyncset.done $0x0  }
0x23: {  	[sflag:s14] =	ssyncadd.s32 $0xFFFFFF80  }
0x24: {  	[tilespmem:s15], [sflag:$0x2] =	stream.linear.gather [hbm4b:s9+s3], $0x80, $0x38;
	[tilespmem:$0x17E00] =	vst v63  }
0x25: {  	_ =	swait.ge [sflag:s14], $0x80  }
0x26: {  	s20 =	simm.s32 $0x1;
	[sflag:s14] =	ssyncset.done $0x0  }
0x27: {  	s21 =	sshrl.u32 s12, $0x3;
	s20 =	sand.u32 $0x1, s20;
	[sflag:s14] =	ssyncadd.s32 $0xFFFFFF80  }
0x28: {  	[tilespmem:s17], [sflag:$0x1] =	stream.indirect.gather [hbm4b:s4+s16], $0x40, s3, s16, $0xb8;
	[tilespmem:$0x17E00] =	vst v63  }
0x29: {  	s23 =	sadd.s32 s5, s21;
	s28 =	sshll.u32 s20, $0x7  }
0x2a: {  	[tilespmem:s28], [sflag:$0x2] =	stream.linear.gather [hbm4b:s23+s3], $0x80, $0x38;
	[tilespmem:$0x17E00] =	vst v63  }
0x2b: {  	_ =	swait.ge [sflag:s14], $0x80  }
0x2c: {  	[sflag:s14] =	ssyncset.done $0x0  }
0x2d: {  	s21 =	sadd.s32 s6, s21;
	s29 =	sor.u32 $0x100, s28;
	[sflag:s14] =	ssyncadd.s32 $0xFFFFFF80  }
0x2e: {  	[tilespmem:s29], [sflag:$0x2] =	stream.linear.gather [hbm4b:s21+s3], $0x80, $0x38;
	[tilespmem:$0x17E00] =	vst v63  }
0x2f: {  	_ =	swait.ge [sflag:s14], $0x80  }
0x30: {  	s20 =	sshll.u32 s20, $0xD;
	[sflag:s14] =	ssyncset.done $0x0  }
0x31: {  	s30 =	simm.s32 $0x0;
	s20 =	sor.u32 $0x200, s20;
	[sflag:s14] =	ssyncadd.s32 $0xFFFFFF80  }
0x32: {  	[tilespmem:s20], [sflag:$0x1] =	stream.indirect.gather [hbm4b:s4+s16], $0x40, s28, s16, $0xb8;
	[tilespmem:$0x17E00] =	vst v63  }
0x33: {  	s31 =	sand.u32 $0x1, s30;
	_ =	swait.ge [sflag:s18], $0x2000  }
0x34: {  	s21 =	sshll.u32 s31, $0xD;
	s20 =	sshll.u32 s31, $0x7;
	[sflag:s18] =	ssyncset.done $0x0  }
0x35: {  	s21 =	sor.u32 $0x200, s21;
	s20 =	sor.u32 $0x100, s20;
	[sflag:s18] =	ssyncadd.s32 $0xFFFFE000  }
0x36: {  	[spmem:s2] =	stream.indirect.scatter.add.f32 [tilespmem:s21], [sflag:$0x2], $0x40, s20, s16, $0xb8;
	[tilespmem:$0x17E00] =	vst v63  }
0x37: {  	s22 =	simm.s32 $0x3;
	_ =	swait.ge [sflag:s14], $0x2000  }
0x38: {  	s20 =	simm.s32 $0x2;
	s21 =	sadd.s32 $0x80, s12;
	[sflag:s14] =	ssyncset.done $0x0  }
.LBB2_4:
0x39: {  	s23 =	sand.u32 $0x1, s20  }
0x3a: {  	s24 =	sshrl.u32 s21, $0x3;
	[sflag:s14] =	ssyncadd.s32 $0xFFFFE000;
	s25 =	smov.u32 s22  }
0x3b: {  	s26 =	sshll.u32 s23, $0x7;
	s28 =	sadd.s32 s5, s24;
	s23 =	sshll.u32 s23, $0xD  }
0x3c: {  	[tilespmem:s26], [sflag:$0x2] =	stream.linear.gather [hbm4b:s28+s3], $0x80, $0x38;
	[tilespmem:$0x17E00] =	vst v63  }
0x3d: {  	p0 =	sne.s32 s22, $0x4E;
	s22 =	sadd.s32 $0x1, s22;
	_ =	swait.ge [sflag:s14], $0x80  }
0x3e: {  	[sflag:s14] =	ssyncset.done $0x0  }
0x3f: {  	s24 =	sadd.s32 s6, s24;
	s28 =	sor.u32 $0x100, s26;
	[sflag:s14] =	ssyncadd.s32 $0xFFFFFF80  }
0x40: {  	[tilespmem:s28], [sflag:$0x2] =	stream.linear.gather [hbm4b:s24+s3], $0x80, $0x38;
	[tilespmem:$0x17E00] =	vst v63  }
0x41: {  	_ =	swait.ge [sflag:s14], $0x80  }
0x42: {  	[sflag:s14] =	ssyncset.done $0x0  }
0x43: {  	s20 =	sadd.s32 $0xFFFFFFFF, s20;
	s23 =	sor.u32 $0x200, s23;
	[sflag:s14] =	ssyncadd.s32 $0xFFFFFF80  }
0x44: {  	[tilespmem:s23], [sflag:$0x1] =	stream.indirect.gather [hbm4b:s4+s16], $0x40, s26, s16, $0xb8;
	[tilespmem:$0x17E00] =	vst v63  }
0x45: {  	s23 =	sand.u32 $0x1, s20  }
0x46: {  	s20 =	smov.u32 s25;
	_ =	swait.ge [sflag:s18], $0x2000;
	s24 =	sshll.u32 s23, $0xD  }
.Ltmp1:
0x47: {  	s23 =	sshll.u32 s23, $0x7;
	[sflag:s18] =	ssyncset.done $0x0;
	(pc) =	sbr.rel @p0 .LBB2_4-.Ltmp1, $4  }
0x48: {  	s24 =	sor.u32 $0x200, s24;
	s23 =	sor.u32 $0x100, s23;
	[sflag:s18] =	ssyncadd.s32 $0xFFFFE000  }
0x49: {  	[spmem:s2] =	stream.indirect.scatter.add.f32 [tilespmem:s24], [sflag:$0x2], $0x40, s23, s16, $0xb8;
	[tilespmem:$0x17E00] =	vst v63  }
0x4a: {  	_ =	swait.ge [sflag:s14], $0x2000  }
0x4b: {  	s21 =	sadd.s32 $0x80, s21;
	[sflag:s14] =	ssyncset.done $0x0  }
0x4c: {  	s22 =	sand.u32 $0x1, s20;
	s21 =	sshrl.u32 s21, $0x3  }
0x4d: {  	[sflag:s14] =	ssyncadd.s32 $0xFFFFE000;
	s23 =	sshll.u32 s22, $0x7;
	s24 =	sadd.s32 s5, s21  }
0x4e: {  	[tilespmem:s23], [sflag:$0x2] =	stream.linear.gather [hbm4b:s24+s3], $0x80, $0x38;
	[tilespmem:$0x17E00] =	vst v63  }
0x4f: {  	_ =	swait.ge [sflag:s14], $0x80  }
0x50: {  	[sflag:s14] =	ssyncset.done $0x0  }
0x51: {  	s21 =	sadd.s32 s6, s21;
	s25 =	sor.u32 $0x100, s23;
	[sflag:s14] =	ssyncadd.s32 $0xFFFFFF80  }
0x52: {  	[tilespmem:s25], [sflag:$0x2] =	stream.linear.gather [hbm4b:s21+s3], $0x80, $0x38;
	[tilespmem:$0x17E00] =	vst v63  }
0x53: {  	_ =	swait.ge [sflag:s14], $0x80  }
0x54: {  	s26 =	sshll.u32 s22, $0xD;
	[sflag:s14] =	ssyncset.done $0x0  }
0x55: {  	s28 =	sadd.s32 $0xFFFFFFFF, s20;
	s21 =	sor.u32 $0x200, s26;
	[sflag:s14] =	ssyncadd.s32 $0xFFFFFF80  }
0x56: {  	[tilespmem:s21], [sflag:$0x1] =	stream.indirect.gather [hbm4b:s4+s16], $0x40, s23, s16, $0xb8;
	[tilespmem:$0x17E00] =	vst v63  }
0x57: {  	s20 =	sand.u32 $0x1, s28;
	_ =	swait.ge [sflag:s18], $0x2000  }
0x58: {  	s29 =	sshll.u32 s20, $0xD;
	s20 =	sshll.u32 s20, $0x7;
	[sflag:s18] =	ssyncset.done $0x0  }
0x59: {  	s20 =	sor.u32 $0x100, s20;
	s21 =	sor.u32 $0x200, s29;
	[sflag:s18] =	ssyncadd.s32 $0xFFFFE000  }
0x5a: {  	[spmem:s2] =	stream.indirect.scatter.add.f32 [tilespmem:s21], [sflag:$0x2], $0x40, s20, s16, $0xb8;
	[tilespmem:$0x17E00] =	vst v63  }
0x5b: {  	_ =	swait.ge [sflag:s14], $0x2000  }
0x5c: {  	[sflag:s14] =	ssyncset.done $0x0  }
0x5d: {  	[sflag:s14] =	ssyncadd.s32 $0xFFFFE000  }
0x5e: {  	_ =	swait.ge [sflag:s18], $0x2000  }
0x5f: {  	[sflag:s18] =	ssyncset.done $0x0  }
0x60: {  	[sflag:s18] =	ssyncadd.s32 $0xFFFFE000  }
0x61: {  	[spmem:s2] =	stream.indirect.scatter.add.f32 [tilespmem:s17], [sflag:$0x2], $0x40, s15, s16, $0xb8;
	[tilespmem:$0x17E00] =	vst v63  }
0x62: {  	_ =	swait.ge [sflag:s14], $0x2000  }
0x63: {  	s30 =	sshll.u32 s1, $0x6;
	s19 =	sadd.s32 $0x1, s19;
	[sflag:s14] =	ssyncset.done $0x0  }
0x64: {  	s31 =	sshrl.u32 s7, $0x3;
	p0 =	sne.s32 s19, s11;
	[sflag:s14] =	ssyncadd.s32 $0xFFFFE000  }
.Ltmp2:
0x65: {  	s20 =	sor.u32 $0x1C02, s30;
	[bflag:$0x0] =	sbarrier.arrive $0xFFFF;
	(pc) =	sbr.rel @p0 .LBB2_1-.Ltmp2, $4  }
0x66: {  	[hbm:s10], [sflag:s20] =	dma.local [spmem:s31], $0x13C0  }
0x67: {  	_ =	swait.ge [sflag:s14], $0x13C0  }
0x68: {  	[sflag:s14] =	ssyncset.done $0x0  }
0x69: {  	[sflag:s14] =	ssyncadd.s32 $0xFFFFEC40  }
0x6a: {  	_ =	sfence.sel $0x180000  }
0x6b: {  	[bflag:$0x0] =	sbarrier.arrive $0xFFFF  }
0x6c: {  	p0 =	sne.s32 s1, $0x0;
	_ =	strace $0x9000004A  }
0x6d: {  	s0 =	sadd.s32 @!p0 $0x100000, s0;
	[bflag:$0x2] =	sbarrier.arrive $0xFFFF  }
0x6e: {  	[sflag:s0] =	ssyncadd.tile.s32 @!p0 $0x1;
	_ =	shalt  }
.Lfunc_end2:
_tile_overlayer_lowered:
.L_overlay_start_2:
0x6f: {  	(tag) =	ssettag $0x2  }
0x70: {  	s0 =	rddreg [dreg:$0x0];
	s2 =	stileid.u32  }
0x71: {  	s1 =	rddreg [dreg:$0x1];
	p0 =	sne.s32 s2, $0x0  }
0x72: {  	s3 =	rddreg [dreg:$0x2];
	[bflag:$0x3] =	sbarrier.arrive $0xFFFF;
	s2 =	simm.s32 @!p0 $0x1C02  }
0x73: {  	[timem:s3], [sflag:s2] =	dma.local @!p0 [hbm:s0], s1  }
0x74: {  	s0 =	simm.s32 @!p0 $0x2  }
0x75: {  	_ =	swait.ge @!p0 [sflag:s0], s1  }
0x76: {  	s1 =	ssub.s32 @!p0 $0x0, s1;
	[sflag:s0] =	ssyncset.done @!p0 $0x0  }
0x77: {  	[sflag:s0] =	ssyncadd.s32 @!p0 s1  }
0x78: {  	[bflag:$0x3] =	sbarrier.arrive $0xFFFF  }
0x79: {  	_ =	shalt  }

// kernel: kernel.15.cloned.1.call-start
scs
__scs_entry_jumppad:
0x0: {  	(pc) =	sbr.rel $0x88, $3  }
0x1: {  	(tag) =	ssettag $0x0;
	lr =	simm.s32 $0x1  }
0x2: {  	[smem:$0x3F7F] =	sst lr;
	_ =	strace $0xD0000000  }
0x3: {  	_ = 	snop  }
0x4: {  	_ = 	snop  }
0x5: {  	_ = 	snop  }
0x6: {  	_ = 	snop  }
0x7: {  	_ = 	snop  }
__scs_overlays_trampoline_lowered:
0x8: {  	[smem:$0x3F8E] =	sst s0  }
0x9: {  	[smem:$0x3F8F] =	sst s1  }
0xa: {  	[smem:$0x3F90] =	sst s2  }
0xb: {  	[smem:$0x3F91] =	sst s3  }
0xc: {  	[smem:$0x3F92] =	sst s4  }
0xd: {  	[smem:$0x3F93] =	sst s5  }
0xe: {  	[smem:$0x3F94] =	sst s6  }
0xf: {  	[smem:$0x3F95] =	sst s7  }
0x10: {  	[smem:$0x3F96] =	sst s8  }
0x11: {  	[smem:$0x3F97] =	sst s9;
	s0 =	simm.s32 @!p0 $0x0  }
0x12: {  	s1 =	sld [smem:$0x3F7D];
	s0 =	simm.s32 @p0 $0x1  }
0x13: {  	[smem:$0x3F98] =	sst s0;
	s0 =	simm.s32 @!p1 $0x0  }
0x14: {  	s2 =	sld [smem:$0x3F7C];
	s0 =	simm.s32 @p1 $0x1  }
0x15: {  	[smem:$0x3F99] =	sst s0;
	s0 =	simm.s32 @!p2 $0x0  }
0x16: {  	s3 =	sld [smem:$0x3FDB];
	s0 =	simm.s32 @p2 $0x1  }
0x17: {  	s4 =	simm.s32 $0x1BF5;
	[smem:$0x3F9B] =	sst s0  }
0x18: {  	s0 =	sld [smem:$0x3F7E];
	_ =	swait.ge [sflag:s4], $0x0  }
0x19: {  	s7 =	sld [smem:$0x3F7F]  }
0x1a: {  	s8 =	sadd.s32 $0xFFFFE003, lr  }
0x1b: {  	s9 =	sadd.s32 $0xFFFFFEF7, lr;
	s5 =	simm.s32 $0xFFFFFFFF;
	p2 =	slt.u32 s8, $0xFFFFF086  }
0x1c: {  	p1 =	slt.u32 s9, $0xF7A;
	s5 =	simm.s32 @!p2 $0x0  }
0x1d: {  	s5 =	simm.s32 @p1 $0x1;
	p0 =	seq.s32 s7, s2  }
0x1e: {  	s7 =	smul.u32 @!p0 $0xF7A, s2;
	p2 =	seq.s32 @!p0 s5, $0x0  }
0x1f: {  	s9 =	smul.u32 $0xF7A, s1;
	s8 =	simm.s32 @!p0 $0x1BF5;
	p2 =	por !p2, p0  }
0x20: {  	[sflag:s8] =	ssyncset.s32 @!p0 $0xFFFFF086;
	s6 =	sadd.s32 @!p0 s3, s7;
	s7 =	simm.s32 @!p0 $0x108  }
0x21: {  	s3 =	sadd.s32 s3, s9;
	s6 =	sadd.s32 @!p0 $0x88, s6;
	s7 =	simm.s32 @p2 $0x1082  }
0x22: {  	[simem:s7], [sflag:s8] =	dma.local @!p0 [hbm:s6], $0xF7A  }
0x23: {  	s9 =	sor.u32 $0xD0000000, s2;
	s6 =	simm.s32 $0x108;
	_ =	swait.ge @!p0 [sflag:s8], $0x0  }
0x24: {  	s3 =	sadd.s32 $0x88, s3;
	s6 =	simm.s32 @!p1 $0x1082;
	[sflag:s4] =	ssyncset.s32 $0xFFFFF086  }
0x25: {  	[simem:s6], [sflag:s4] =	dma.local [hbm:s3], $0xF7A  }
0x26: {  	[smem:$0x3F7F] =	sst s1;
	(tag) =	ssettag s2;
	_ =	strace s9  }
0x27: {  	s1 =	sld [smem:$0x3F8F]  }
0x28: {  	s2 =	sld [smem:$0x3F90]  }
0x29: {  	s4 =	sld [smem:$0x3F92]  }
0x2a: {  	p0 =	seq.s32 s5, $0x0;
	s5 =	sld [smem:$0x3F93]  }
0x2b: {  	s6 =	sld [smem:$0x3F94]  }
0x2c: {  	s7 =	sld [smem:$0x3F95]  }
0x2d: {  	s3 =	simm.s32 $0x108;
	s8 =	sld [smem:$0x3F96]  }
0x2e: {  	s3 =	simm.s32 @!p0 $0x1082;
	s9 =	sld [smem:$0x3F97]  }
0x2f: {  	lr =	sadd.s32 s0, s3;
	s0 =	sld [smem:$0x3F8E]  }
0x30: {  	s3 =	sld [smem:$0x3F91]  }
0x31: {  	[smem:$0x3F9A] =	sst s10  }
0x32: {  	s10 =	sld [smem:$0x3F98];
	_ =	sdelay $0x3  }
0x33: {  	p0 =	seq.s32 s10, $0x1;
	s10 =	sld [smem:$0x3F9A];
	_ =	sdelay $0x3  }
0x34: {  	[smem:$0x3F9A] =	sst s10  }
0x35: {  	s10 =	sld [smem:$0x3F99];
	_ =	sdelay $0x3  }
0x36: {  	p1 =	seq.s32 s10, $0x1;
	s10 =	sld [smem:$0x3F9A];
	_ =	sdelay $0x3  }
0x37: {  	[smem:$0x3F9A] =	sst s10  }
0x38: {  	s10 =	sld [smem:$0x3F9B]  }
0x39: {  	_ = 	snop;
	(pc) =	sbr.ind lr, $3  }
0x3a: {  	_ = 	snop  }
0x3b: {  	_ = 	snop  }
0x3c: {  	p2 =	seq.s32 s10, $0x1;
	s10 =	sld [smem:$0x3F9A]  }
0x3d: {  	_ =	shalt  }
0x3e: {  	_ =	shalt  }
0x3f: {  	_ =	shalt  }
0x40: {  	_ =	shalt  }
0x41: {  	_ =	shalt  }
0x42: {  	_ =	shalt  }
0x43: {  	_ =	shalt  }
0x44: {  	_ =	shalt  }
0x45: {  	_ =	shalt  }
0x46: {  	_ =	shalt  }
0x47: {  	_ =	shalt  }
0x48: {  	_ =	shalt  }
0x49: {  	_ =	shalt  }
0x4a: {  	_ =	shalt  }
0x4b: {  	_ =	shalt  }
0x4c: {  	_ =	shalt  }
0x4d: {  	_ =	shalt  }
0x4e: {  	_ =	shalt  }
0x4f: {  	_ =	shalt  }
0x50: {  	_ =	shalt  }
0x51: {  	_ =	shalt  }
0x52: {  	_ =	shalt  }
0x53: {  	_ =	shalt  }
0x54: {  	_ =	shalt  }
0x55: {  	_ =	shalt  }
0x56: {  	_ =	shalt  }
0x57: {  	_ =	shalt  }
0x58: {  	_ =	shalt  }
0x59: {  	_ =	shalt  }
0x5a: {  	_ =	shalt  }
0x5b: {  	_ =	shalt  }
0x5c: {  	_ =	shalt  }
0x5d: {  	_ =	shalt  }
0x5e: {  	_ =	shalt  }
0x5f: {  	_ =	shalt  }
0x60: {  	_ =	shalt  }
0x61: {  	_ =	shalt  }
0x62: {  	_ =	shalt  }
0x63: {  	_ =	shalt  }
0x64: {  	_ =	shalt  }
0x65: {  	_ =	shalt  }
0x66: {  	_ =	shalt  }
0x67: {  	_ =	shalt  }
0x68: {  	_ =	shalt  }
0x69: {  	_ =	shalt  }
0x6a: {  	_ =	shalt  }
0x6b: {  	_ =	shalt  }
0x6c: {  	_ =	shalt  }
0x6d: {  	_ =	shalt  }
0x6e: {  	_ =	shalt  }
0x6f: {  	_ =	shalt  }
0x70: {  	_ =	shalt  }
0x71: {  	_ =	shalt  }
0x72: {  	_ =	shalt  }
0x73: {  	_ =	shalt  }
0x74: {  	_ =	shalt  }
0x75: {  	_ =	shalt  }
0x76: {  	_ =	shalt  }
0x77: {  	_ =	shalt  }
0x78: {  	_ =	shalt  }
0x79: {  	_ =	shalt  }
0x7a: {  	_ =	shalt  }
0x7b: {  	_ =	shalt  }
0x7c: {  	_ =	shalt  }
0x7d: {  	_ =	shalt  }
0x7e: {  	_ =	shalt  }
0x7f: {  	_ =	shalt  }
0x80: {  	_ =	shalt  }
0x81: {  	_ =	shalt  }
0x82: {  	_ =	shalt  }
0x83: {  	_ =	shalt  }
0x84: {  	_ =	shalt  }
0x85: {  	_ =	shalt  }
0x86: {  	_ =	shalt  }
0x87: {  	_ =	shalt  }
.Lfunc_end0:
.L_simem_size_0:
called_computation.2_lowered:
.L_overlay_start_0:
0x88: {  	s2 =	sld [smem:$0x3FD9]  }
0x89: {  	s3 =	sld [smem:$0x3FFE];
	_ =	sdelay $0x1  }
0x8a: {  	s1 =	srdreg.scid  }
0x8b: {  	s0 =	sand.u32 $0x1, s1  }
0x8c: {  	s16 =	sshll.u32 s0, $0xA;
	s2 =	sadd.s32 s3, s2  }
0x8d: {  	s2 =	sadd.s32 s2, s16  }
0x8e: {  	[smem:$0x3FA6] =	sst s2  }
0x8f: {  	_ = 	snop  }
0x90: {  	(tm) =	ssettm $0x1  }
0x91: {  	s17 =	sld [smem:$0x3FFB];
	_ =	sdelay $0x3  }
0x92: {  	_ =	strace s17  }
0x93: {  	s2 =	sld [smem:$0x3FFC];
	_ =	sdelay $0x3  }
0x94: {  	_ =	strace s2  }
0x95: {  	s2 =	sld [smem:$0x3FFD];
	_ =	sdelay $0x3  }
0x96: {  	_ =	strace s2  }
0x97: {  	_ =	strace $0x8FFFFFFF  }
0x98: {  	s18 =	sld [smem:$0x3FDB];
	_ =	sdelay $0x1  }
0x99: {  	s19 =	simm.s32 $_scs_section_size  }
0x9a: {  	s4 =	simm.s32 $_size__tile_overlayer_lowered;
	s5 =	simm.s32 $_tile_overlayer_lowered  }
0x9b: {  	s22 =	simm.s32 $0x1BFF;
	s21 =	sshll.u32 s5, $0x1;
	s2 =	sadd.s32 s19, s18  }
0x9c: {  	s6 =	simm.s32 $0x0;
	s20 =	sshll.u32 s4, $0x1;
	s4 =	sadd.s32 s21, s2  }
0x9d: {  	[timem:s6], [sflag:s22] =	dma.local [hbm:s4], s20  }
0x9e: {  	_ =	swait.ge [sflag:s22], s20  }
0x9f: {  	s3 =	ssub.s32 $0x0, s20;
	[sflag:s22] =	ssyncset.done $0x0  }
0xa0: {  	[sflag:s22] =	ssyncadd.s32 s3;
	_ =	sdelay $0x1  }
0xa1: {  	s23 =	simm.s32 $0x1B8B  }
0xa2: {  	_ =	swait.ge [sflag:s23], $0x1  }
0xa3: {  	[sflag:s23] =	ssyncset.done $0x0  }
0xa4: {  	s25 =	simm.s32 $0x1B8E;
	s24 =	sld [smem:$0x3FFE];
	[sflag:s23] =	ssyncadd.s32 $0xFFFFFFFF  }
0xa5: {  	s26 =	simm.s32 $execute0_lowered;
	[smem:$0x3FD2] =	sst s25  }
0xa6: {  	s4 =	sshll.u32 s26, $0x1;
	_ =	strace $0x8000004C;
	[dreg:$0x1] =	wrdreg $0xFFFFFFFF  }
0xa7: {  	s28 =	simm.s32 $_size_execute0_lowered;
	s2 =	sadd.s32 s2, s4;
	[dreg:$0x0] =	wrdreg $0x0  }
0xa8: {  	s4 =	sshll.u32 s28, $0x1;
	[dreg:$0x2] =	wrdreg s2  }
0xa9: {  	[dreg:$0x3] =	wrdreg s4  }
0xaa: {  	[dreg:$0x4] =	wrdreg $0xC0  }
0xab: {  	_ =	task [dreg:s6], $0x5FFFF  }
0xac: {  	[dreg:$0x1] =	wrdreg $0xFFFFFFFF  }
0xad: {  	[dreg:$0x0] =	wrdreg $0x60  }
0xae: {  	[dreg:$0x2] =	wrdreg s24  }
0xaf: {  	[dreg:$0x3] =	wrdreg $0x39800  }
0xb0: {  	[dreg:$0x4] =	wrdreg $0x9  }
0xb1: {  	_ =	task.clear_ibuf [dreg:s6], $0x5FFFF;
	_ =	strace $0x9000004C  }
0xb2: {  	s29 =	simm.s32 $0x9;
	_ =	strace $0x8000004E  }
0xb3: {  	_ =	swait.ge [sflag:s29], $0x1  }
0xb4: {  	[sflag:s29] =	ssyncadd.s32 $0xFFFFFFFF  }
0xb5: {  	_ =	strace $0x9000004E  }
0xb6: {  	_ =	sfence  }
0xb7: {  	s30 =	sld [smem:$0x0];
	_ =	sdelay $0x2  }
0xb8: {  	s31 =	sshll.u32 s1, $0xD;
	s1 =	sshrl.u32 s1, $0x2  }
0xb9: {  	s3 =	sand.u32 $0x4000, s31;
	s1 =	sadd.s32 s1, s30  }
0xba: {  	s0 =	sor.u32 s3, s0;
	s1 =	sshll.u32 s1, $0x11  }
0xbb: {  	s0 =	sor.u32 s1, s0  }
0xbc: {  	s0 =	sadd.s32 $0x8F2B, s0  }
0xbd: {  	[sflag:s0] =	ssyncadd.remote.s32 $0x1  }
0xbe: {  	_ =	sfence.sel $0xFFFF  }
0xbf: {  	[dreg:$0x0] =	wrdreg $0xFFFFFFFF;
	(pc) =	sbr.abs _section_cstart, $3  }
0xc0: {  	[dreg:$0x1] =	wrdreg $0xFFFFFFFF  }
0xc1: {  	_ =	task.clear_ibuf [dreg:s6], $0x2FFFF;
	_ =	strace $0x9FFFFFFF  }
0xc2: {  	(tm) =	ssettm $0x7FFFFFFF  }
0xc3: {  	_ =	shalt  }
tec
execute0_lowered:
.L_overlay_start_1:
0x0: {  	(tag) =	ssettag $0x1  }
0x1: {  	s7 =	rddreg [dreg:$0x0]  }
0x2: {  	s2 =	rddreg [dreg:$0x1]  }
0x3: {  	s0 =	rddreg [dreg:$0x2];
	s4 =	srdreg.scid  }
0x4: {  	s1 =	stileid.u32;
	s3 =	simm.s32 $0x0;
	s15 =	simm.s32 $0x100  }
0x5: {  	s16 =	simm.s32 $0x80;
	s17 =	simm.s32 $0x200;
	s18 =	simm.s32 $0x1  }
0x6: {  	s19 =	simm.s32 $0x0;
	s8 =	sand.u32 $0x1, s4;
	s9 =	smul.u32 $0x2780, s1  }
0x7: {  	[smem:$0x7FF] =	sst s3;
	s4 =	sadd.s32 $0x5000, s7;
	s12 =	smul.u32 $0x4F00, s1  }
0x8: {  	s10 =	sshll.u32 s1, $0x1;
	s5 =	sadd.s32 $0x22A00, s7;
	s6 =	smul.u32 $0x27800, s8  }
0x9: {  	s10 =	sor.u32 s8, s10;
	s31 =	ssub.s32 $0x2, s8;
	s14 =	smul.u32 $0x2780, s8  }
0xa: {  	_ =	strace $0x8000004D;
	s10 =	smul.u32 $0x2780, s10;
	s13 =	sshrl.u32 s31, $0x1  }
0xb: {  	s11 =	sadd.s32 s9, s6;
	s6 =	sadd.s32 $0x18C00, s7;
	s13 =	ssub.s32 s31, s13  }
0xc: {  	s12 =	sadd.s32 s14, s12;
	s14 =	simm.s32 $0x2;
	s11 =	sshrl.u32 s11, $0x3  }
0xd: {  	s10 =	sshrl.u32 s10, $0x3;
	s12 =	sadd.s32 $0x80, s12;
	s11 =	sadd.s32 s11, s7  }
0xe: {  	s7 =	sadd.s32 s9, s2;
	s8 =	sadd.s32 s5, s10;
	s9 =	sadd.s32 s6, s10  }
0xf: {  	v0 =	vimm.f32 $0.0e+00;
	s10 =	sadd.s32 $0xA000, s11;
	s11 =	smax.u32 s13, $0x1;
	s13 =	simm.s32 $0x1200  }
.LBB2_1:
0x10: {  	s20 =	simm.s32 $0x40;
	s21 =	simm.s32 $0x0  }
.LBB2_2:
0x11: {  	p0 =	sne.s32 s20, $0x9DC0;
	[tilespmem:s21+$0x1200] =	vst v0;
	s21 =	smov.u32 s20;
	s20 =	sadd.s32 $0x40, s20  }
.Ltmp0:
0x12: {  	(pc) =	sbr.rel @p0 .LBB2_2-.Ltmp0, $2  }
0x13: {  	_ =	sdelay $0x2  }
0x14: {  	s21 =	sshra.s32 s21, $0x2  }
0x15: {  	[tilespmem:s21+$0x1200] =	vst v0  }
0x16: {  	[spmem:s7] =	stream.linear.scatter [tilespmem:s13], [sflag:$0x2], $0x2780, $0x38;
	[tilespmem:$0x6100] =	vst v63  }
0x17: {  	_ =	swait.ge [sflag:s14], $0x2780  }
0x18: {  	[sflag:s14] =	ssyncset.done $0x0  }
0x19: {  	[sflag:s14] =	ssyncadd.s32 $0xFFFFD880  }
0x1a: {  	[bflag:$0x0] =	sbarrier.arrive $0xFFFF  }
0x1b: {  	[tilespmem:s3], [sflag:$0x2] =	stream.linear.gather [hbm4b:s8+s3], $0x80, $0x38;
	[tilespmem:$0x6100] =	vst v63  }
0x1c: {  	_ =	swait.ge [sflag:s14], $0x80  }
0x1d: {  	[sflag:s14] =	ssyncset.done $0x0  }
0x1e: {  	[sflag:s14] =	ssyncadd.s32 $0xFFFFFF80  }
0x1f: {  	[tilespmem:s15], [sflag:$0x2] =	stream.linear.gather [hbm4b:s9+s3], $0x80, $0x38;
	[tilespmem:$0x6100] =	vst v63  }
0x20: {  	_ =	swait.ge [sflag:s14], $0x80  }
0x21: {  	s20 =	simm.s32 $0x1;
	[sflag:s14] =	ssyncset.done $0x0  }
0x22: {  	s28 =	sshrl.u32 s12, $0x3;
	s20 =	sand.u32 $0x1, s20;
	[sflag:s14] =	ssyncadd.s32 $0xFFFFFF80  }
0x23: {  	[tilespmem:s17], [sflag:$0x1] =	stream.indirect.gather [hbm4b:s4+s16], $0x10, s3, s16, $0xb8;
	[tilespmem:$0x6100] =	vst v63  }
0x24: {  	s23 =	sadd.s32 s5, s28;
	s22 =	sshll.u32 s20, $0x7  }
0x25: {  	[tilespmem:s22], [sflag:$0x2] =	stream.linear.gather [hbm4b:s23+s3], $0x80, $0x38;
	[tilespmem:$0x6100] =	vst v63  }
0x26: {  	_ =	swait.ge [sflag:s14], $0x80  }
0x27: {  	[sflag:s14] =	ssyncset.done $0x0  }
0x28: {  	s21 =	sadd.s32 s6, s28;
	s29 =	sor.u32 $0x100, s22;
	[sflag:s14] =	ssyncadd.s32 $0xFFFFFF80  }
0x29: {  	[tilespmem:s29], [sflag:$0x2] =	stream.linear.gather [hbm4b:s21+s3], $0x80, $0x38;
	[tilespmem:$0x6100] =	vst v63  }
0x2a: {  	_ =	swait.ge [sflag:s14], $0x80  }
0x2b: {  	s20 =	sshll.u32 s20, $0xB;
	[sflag:s14] =	ssyncset.done $0x0  }
0x2c: {  	s30 =	simm.s32 $0x0;
	s20 =	sor.u32 $0x200, s20;
	[sflag:s14] =	ssyncadd.s32 $0xFFFFFF80  }
0x2d: {  	[tilespmem:s20], [sflag:$0x1] =	stream.indirect.gather [hbm4b:s4+s16], $0x10, s22, s16, $0xb8;
	[tilespmem:$0x6100] =	vst v63  }
0x2e: {  	s31 =	sand.u32 $0x1, s30;
	_ =	swait.ge [sflag:s18], $0x800  }
0x2f: {  	s21 =	sshll.u32 s31, $0xB;
	s20 =	sshll.u32 s31, $0x7;
	[sflag:s18] =	ssyncset.done $0x0  }
0x30: {  	s21 =	sor.u32 $0x200, s21;
	s20 =	sor.u32 $0x100, s20;
	[sflag:s18] =	ssyncadd.s32 $0xFFFFF800  }
0x31: {  	[spmem:s2] =	stream.indirect.scatter.add.f32 [tilespmem:s21], [sflag:$0x2], $0x10, s20, s16, $0xb8;
	[tilespmem:$0x6100] =	vst v63  }
0x32: {  	s22 =	simm.s32 $0x3;
	_ =	swait.ge [sflag:s14], $0x800  }
0x33: {  	s20 =	simm.s32 $0x2;
	s21 =	sadd.s32 $0x80, s12;
	[sflag:s14] =	ssyncset.done $0x0  }
.LBB2_4:
0x34: {  	s23 =	sand.u32 $0x1, s20  }
0x35: {  	s24 =	sshrl.u32 s21, $0x3;
	[sflag:s14] =	ssyncadd.s32 $0xFFFFF800;
	s25 =	smov.u32 s22  }
0x36: {  	s26 =	sshll.u32 s23, $0x7;
	s28 =	sadd.s32 s5, s24;
	s23 =	sshll.u32 s23, $0xB  }
0x37: {  	[tilespmem:s26], [sflag:$0x2] =	stream.linear.gather [hbm4b:s28+s3], $0x80, $0x38;
	[tilespmem:$0x6100] =	vst v63  }
0x38: {  	p0 =	sne.s32 s22, $0x4E;
	s22 =	sadd.s32 $0x1, s22;
	_ =	swait.ge [sflag:s14], $0x80  }
0x39: {  	[sflag:s14] =	ssyncset.done $0x0  }
0x3a: {  	s24 =	sadd.s32 s6, s24;
	s28 =	sor.u32 $0x100, s26;
	[sflag:s14] =	ssyncadd.s32 $0xFFFFFF80  }
0x3b: {  	[tilespmem:s28], [sflag:$0x2] =	stream.linear.gather [hbm4b:s24+s3], $0x80, $0x38;
	[tilespmem:$0x6100] =	vst v63  }
0x3c: {  	_ =	swait.ge [sflag:s14], $0x80  }
0x3d: {  	[sflag:s14] =	ssyncset.done $0x0  }
0x3e: {  	s20 =	sadd.s32 $0xFFFFFFFF, s20;
	s23 =	sor.u32 $0x200, s23;
	[sflag:s14] =	ssyncadd.s32 $0xFFFFFF80  }
0x3f: {  	[tilespmem:s23], [sflag:$0x1] =	stream.indirect.gather [hbm4b:s4+s16], $0x10, s26, s16, $0xb8;
	[tilespmem:$0x6100] =	vst v63  }
0x40: {  	s23 =	sand.u32 $0x1, s20  }
0x41: {  	s20 =	smov.u32 s25;
	_ =	swait.ge [sflag:s18], $0x800;
	s24 =	sshll.u32 s23, $0xB  }
.Ltmp1:
0x42: {  	s23 =	sshll.u32 s23, $0x7;
	[sflag:s18] =	ssyncset.done $0x0;
	(pc) =	sbr.rel @p0 .LBB2_4-.Ltmp1, $4  }
0x43: {  	s24 =	sor.u32 $0x200, s24;
	s23 =	sor.u32 $0x100, s23;
	[sflag:s18] =	ssyncadd.s32 $0xFFFFF800  }
0x44: {  	[spmem:s2] =	stream.indirect.scatter.add.f32 [tilespmem:s24], [sflag:$0x2], $0x10, s23, s16, $0xb8;
	[tilespmem:$0x6100] =	vst v63  }
0x45: {  	_ =	swait.ge [sflag:s14], $0x800  }
0x46: {  	s21 =	sadd.s32 $0x80, s21;
	[sflag:s14] =	ssyncset.done $0x0  }
0x47: {  	s22 =	sand.u32 $0x1, s20;
	s21 =	sshrl.u32 s21, $0x3  }
0x48: {  	[sflag:s14] =	ssyncadd.s32 $0xFFFFF800;
	s23 =	sshll.u32 s22, $0x7;
	s24 =	sadd.s32 s5, s21  }
0x49: {  	[tilespmem:s23], [sflag:$0x2] =	stream.linear.gather [hbm4b:s24+s3], $0x80, $0x38;
	[tilespmem:$0x6100] =	vst v63  }
0x4a: {  	_ =	swait.ge [sflag:s14], $0x80  }
0x4b: {  	[sflag:s14] =	ssyncset.done $0x0  }
0x4c: {  	s21 =	sadd.s32 s6, s21;
	s25 =	sor.u32 $0x100, s23;
	[sflag:s14] =	ssyncadd.s32 $0xFFFFFF80  }
0x4d: {  	[tilespmem:s25], [sflag:$0x2] =	stream.linear.gather [hbm4b:s21+s3], $0x80, $0x38;
	[tilespmem:$0x6100] =	vst v63  }
0x4e: {  	_ =	swait.ge [sflag:s14], $0x80  }
0x4f: {  	s26 =	sshll.u32 s22, $0xB;
	[sflag:s14] =	ssyncset.done $0x0  }
0x50: {  	s28 =	sadd.s32 $0xFFFFFFFF, s20;
	s21 =	sor.u32 $0x200, s26;
	[sflag:s14] =	ssyncadd.s32 $0xFFFFFF80  }
0x51: {  	[tilespmem:s21], [sflag:$0x1] =	stream.indirect.gather [hbm4b:s4+s16], $0x10, s23, s16, $0xb8;
	[tilespmem:$0x6100] =	vst v63  }
0x52: {  	s20 =	sand.u32 $0x1, s28;
	_ =	swait.ge [sflag:s18], $0x800  }
0x53: {  	s29 =	sshll.u32 s20, $0xB;
	s20 =	sshll.u32 s20, $0x7;
	[sflag:s18] =	ssyncset.done $0x0  }
0x54: {  	s20 =	sor.u32 $0x100, s20;
	s21 =	sor.u32 $0x200, s29;
	[sflag:s18] =	ssyncadd.s32 $0xFFFFF800  }
0x55: {  	[spmem:s2] =	stream.indirect.scatter.add.f32 [tilespmem:s21], [sflag:$0x2], $0x10, s20, s16, $0xb8;
	[tilespmem:$0x6100] =	vst v63  }
0x56: {  	_ =	swait.ge [sflag:s14], $0x800  }
0x57: {  	[sflag:s14] =	ssyncset.done $0x0  }
0x58: {  	[sflag:s14] =	ssyncadd.s32 $0xFFFFF800  }
0x59: {  	_ =	swait.ge [sflag:s18], $0x800  }
0x5a: {  	[sflag:s18] =	ssyncset.done $0x0  }
0x5b: {  	[sflag:s18] =	ssyncadd.s32 $0xFFFFF800  }
0x5c: {  	[spmem:s2] =	stream.indirect.scatter.add.f32 [tilespmem:s17], [sflag:$0x2], $0x10, s15, s16, $0xb8;
	[tilespmem:$0x6100] =	vst v63  }
0x5d: {  	_ =	swait.ge [sflag:s14], $0x800  }
0x5e: {  	s30 =	sshll.u32 s1, $0x6;
	s19 =	sadd.s32 $0x1, s19;
	[sflag:s14] =	ssyncset.done $0x0  }
0x5f: {  	s31 =	sshrl.u32 s7, $0x3;
	p0 =	sne.s32 s19, s11;
	[sflag:s14] =	ssyncadd.s32 $0xFFFFF800  }
.Ltmp2:
0x60: {  	s20 =	sor.u32 $0x1C02, s30;
	[bflag:$0x0] =	sbarrier.arrive $0xFFFF;
	(pc) =	sbr.rel @p0 .LBB2_1-.Ltmp2, $4  }
0x61: {  	[hbm:s10], [sflag:s20] =	dma.local [spmem:s31], $0x4F0  }
0x62: {  	_ =	swait.ge [sflag:s14], $0x4F0  }
0x63: {  	[sflag:s14] =	ssyncset.done $0x0  }
0x64: {  	[sflag:s14] =	ssyncadd.s32 $0xFFFFFB10  }
0x65: {  	_ =	sfence.sel $0x180000  }
0x66: {  	[bflag:$0x0] =	sbarrier.arrive $0xFFFF  }
0x67: {  	p0 =	sne.s32 s1, $0x0;
	_ =	strace $0x9000004D  }
0x68: {  	s0 =	sadd.s32 @!p0 $0x100000, s0;
	[bflag:$0x2] =	sbarrier.arrive $0xFFFF  }
0x69: {  	[sflag:s0] =	ssyncadd.tile.s32 @!p0 $0x1;
	_ =	shalt  }
.Lfunc_end2:
_tile_overlayer_lowered:
.L_overlay_start_2:
0x6a: {  	(tag) =	ssettag $0x2  }
0x6b: {  	s0 =	rddreg [dreg:$0x0];
	s2 =	stileid.u32  }
0x6c: {  	s1 =	rddreg [dreg:$0x1];
	p0 =	sne.s32 s2, $0x0  }
0x6d: {  	s3 =	rddreg [dreg:$0x2];
	[bflag:$0x3] =	sbarrier.arrive $0xFFFF;
	s2 =	simm.s32 @!p0 $0x1C02  }
0x6e: {  	[timem:s3], [sflag:s2] =	dma.local @!p0 [hbm:s0], s1  }
0x6f: {  	s0 =	simm.s32 @!p0 $0x2  }
0x70: {  	_ =	swait.ge @!p0 [sflag:s0], s1  }
0x71: {  	s1 =	ssub.s32 @!p0 $0x0, s1;
	[sflag:s0] =	ssyncset.done @!p0 $0x0  }
0x72: {  	[sflag:s0] =	ssyncadd.s32 @!p0 s1  }
0x73: {  	[bflag:$0x3] =	sbarrier.arrive $0xFFFF  }
0x74: {  	_ =	shalt  }

// kernel: kernel.18.cloned.1.call-start
scs
__scs_entry_jumppad:
0x0: {  	(pc) =	sbr.rel $0x88, $3  }
0x1: {  	(tag) =	ssettag $0x0;
	lr =	simm.s32 $0x1  }
0x2: {  	[smem:$0x3F7F] =	sst lr;
	_ =	strace $0xD0000000  }
0x3: {  	_ = 	snop  }
0x4: {  	_ = 	snop  }
0x5: {  	_ = 	snop  }
0x6: {  	_ = 	snop  }
0x7: {  	_ = 	snop  }
__scs_overlays_trampoline_lowered:
0x8: {  	[smem:$0x3F8E] =	sst s0  }
0x9: {  	[smem:$0x3F8F] =	sst s1  }
0xa: {  	[smem:$0x3F90] =	sst s2  }
0xb: {  	[smem:$0x3F91] =	sst s3  }
0xc: {  	[smem:$0x3F92] =	sst s4  }
0xd: {  	[smem:$0x3F93] =	sst s5  }
0xe: {  	[smem:$0x3F94] =	sst s6  }
0xf: {  	[smem:$0x3F95] =	sst s7  }
0x10: {  	[smem:$0x3F96] =	sst s8  }
0x11: {  	[smem:$0x3F97] =	sst s9;
	s0 =	simm.s32 @!p0 $0x0  }
0x12: {  	s1 =	sld [smem:$0x3F7D];
	s0 =	simm.s32 @p0 $0x1  }
0x13: {  	[smem:$0x3F98] =	sst s0;
	s0 =	simm.s32 @!p1 $0x0  }
0x14: {  	s2 =	sld [smem:$0x3F7C];
	s0 =	simm.s32 @p1 $0x1  }
0x15: {  	[smem:$0x3F99] =	sst s0;
	s0 =	simm.s32 @!p2 $0x0  }
0x16: {  	s3 =	sld [smem:$0x3FDB];
	s0 =	simm.s32 @p2 $0x1  }
0x17: {  	s4 =	simm.s32 $0x1BF5;
	[smem:$0x3F9B] =	sst s0  }
0x18: {  	s0 =	sld [smem:$0x3F7E];
	_ =	swait.ge [sflag:s4], $0x0  }
0x19: {  	s7 =	sld [smem:$0x3F7F]  }
0x1a: {  	s8 =	sadd.s32 $0xFFFFE003, lr  }
0x1b: {  	s9 =	sadd.s32 $0xFFFFFEF7, lr;
	s5 =	simm.s32 $0xFFFFFFFF;
	p2 =	slt.u32 s8, $0xFFFFF086  }
0x1c: {  	p1 =	slt.u32 s9, $0xF7A;
	s5 =	simm.s32 @!p2 $0x0  }
0x1d: {  	s5 =	simm.s32 @p1 $0x1;
	p0 =	seq.s32 s7, s2  }
0x1e: {  	s7 =	smul.u32 @!p0 $0xF7A, s2;
	p2 =	seq.s32 @!p0 s5, $0x0  }
0x1f: {  	s9 =	smul.u32 $0xF7A, s1;
	s8 =	simm.s32 @!p0 $0x1BF5;
	p2 =	por !p2, p0  }
0x20: {  	[sflag:s8] =	ssyncset.s32 @!p0 $0xFFFFF086;
	s6 =	sadd.s32 @!p0 s3, s7;
	s7 =	simm.s32 @!p0 $0x108  }
0x21: {  	s3 =	sadd.s32 s3, s9;
	s6 =	sadd.s32 @!p0 $0x88, s6;
	s7 =	simm.s32 @p2 $0x1082  }
0x22: {  	[simem:s7], [sflag:s8] =	dma.local @!p0 [hbm:s6], $0xF7A  }
0x23: {  	s9 =	sor.u32 $0xD0000000, s2;
	s6 =	simm.s32 $0x108;
	_ =	swait.ge @!p0 [sflag:s8], $0x0  }
0x24: {  	s3 =	sadd.s32 $0x88, s3;
	s6 =	simm.s32 @!p1 $0x1082;
	[sflag:s4] =	ssyncset.s32 $0xFFFFF086  }
0x25: {  	[simem:s6], [sflag:s4] =	dma.local [hbm:s3], $0xF7A  }
0x26: {  	[smem:$0x3F7F] =	sst s1;
	(tag) =	ssettag s2;
	_ =	strace s9  }
0x27: {  	s1 =	sld [smem:$0x3F8F]  }
0x28: {  	s2 =	sld [smem:$0x3F90]  }
0x29: {  	s4 =	sld [smem:$0x3F92]  }
0x2a: {  	p0 =	seq.s32 s5, $0x0;
	s5 =	sld [smem:$0x3F93]  }
0x2b: {  	s6 =	sld [smem:$0x3F94]  }
0x2c: {  	s7 =	sld [smem:$0x3F95]  }
0x2d: {  	s3 =	simm.s32 $0x108;
	s8 =	sld [smem:$0x3F96]  }
0x2e: {  	s3 =	simm.s32 @!p0 $0x1082;
	s9 =	sld [smem:$0x3F97]  }
0x2f: {  	lr =	sadd.s32 s0, s3;
	s0 =	sld [smem:$0x3F8E]  }
0x30: {  	s3 =	sld [smem:$0x3F91]  }
0x31: {  	[smem:$0x3F9A] =	sst s10  }
0x32: {  	s10 =	sld [smem:$0x3F98];
	_ =	sdelay $0x3  }
0x33: {  	p0 =	seq.s32 s10, $0x1;
	s10 =	sld [smem:$0x3F9A];
	_ =	sdelay $0x3  }
0x34: {  	[smem:$0x3F9A] =	sst s10  }
0x35: {  	s10 =	sld [smem:$0x3F99];
	_ =	sdelay $0x3  }
0x36: {  	p1 =	seq.s32 s10, $0x1;
	s10 =	sld [smem:$0x3F9A];
	_ =	sdelay $0x3  }
0x37: {  	[smem:$0x3F9A] =	sst s10  }
0x38: {  	s10 =	sld [smem:$0x3F9B]  }
0x39: {  	_ = 	snop;
	(pc) =	sbr.ind lr, $3  }
0x3a: {  	_ = 	snop  }
0x3b: {  	_ = 	snop  }
0x3c: {  	p2 =	seq.s32 s10, $0x1;
	s10 =	sld [smem:$0x3F9A]  }
0x3d: {  	_ =	shalt  }
0x3e: {  	_ =	shalt  }
0x3f: {  	_ =	shalt  }
0x40: {  	_ =	shalt  }
0x41: {  	_ =	shalt  }
0x42: {  	_ =	shalt  }
0x43: {  	_ =	shalt  }
0x44: {  	_ =	shalt  }
0x45: {  	_ =	shalt  }
0x46: {  	_ =	shalt  }
0x47: {  	_ =	shalt  }
0x48: {  	_ =	shalt  }
0x49: {  	_ =	shalt  }
0x4a: {  	_ =	shalt  }
0x4b: {  	_ =	shalt  }
0x4c: {  	_ =	shalt  }
0x4d: {  	_ =	shalt  }
0x4e: {  	_ =	shalt  }
0x4f: {  	_ =	shalt  }
0x50: {  	_ =	shalt  }
0x51: {  	_ =	shalt  }
0x52: {  	_ =	shalt  }
0x53: {  	_ =	shalt  }
0x54: {  	_ =	shalt  }
0x55: {  	_ =	shalt  }
0x56: {  	_ =	shalt  }
0x57: {  	_ =	shalt  }
0x58: {  	_ =	shalt  }
0x59: {  	_ =	shalt  }
0x5a: {  	_ =	shalt  }
0x5b: {  	_ =	shalt  }
0x5c: {  	_ =	shalt  }
0x5d: {  	_ =	shalt  }
0x5e: {  	_ =	shalt  }
0x5f: {  	_ =	shalt  }
0x60: {  	_ =	shalt  }
0x61: {  	_ =	shalt  }
0x62: {  	_ =	shalt  }
0x63: {  	_ =	shalt  }
0x64: {  	_ =	shalt  }
0x65: {  	_ =	shalt  }
0x66: {  	_ =	shalt  }
0x67: {  	_ =	shalt  }
0x68: {  	_ =	shalt  }
0x69: {  	_ =	shalt  }
0x6a: {  	_ =	shalt  }
0x6b: {  	_ =	shalt  }
0x6c: {  	_ =	shalt  }
0x6d: {  	_ =	shalt  }
0x6e: {  	_ =	shalt  }
0x6f: {  	_ =	shalt  }
0x70: {  	_ =	shalt  }
0x71: {  	_ =	shalt  }
0x72: {  	_ =	shalt  }
0x73: {  	_ =	shalt  }
0x74: {  	_ =	shalt  }
0x75: {  	_ =	shalt  }
0x76: {  	_ =	shalt  }
0x77: {  	_ =	shalt  }
0x78: {  	_ =	shalt  }
0x79: {  	_ =	shalt  }
0x7a: {  	_ =	shalt  }
0x7b: {  	_ =	shalt  }
0x7c: {  	_ =	shalt  }
0x7d: {  	_ =	shalt  }
0x7e: {  	_ =	shalt  }
0x7f: {  	_ =	shalt  }
0x80: {  	_ =	shalt  }
0x81: {  	_ =	shalt  }
0x82: {  	_ =	shalt  }
0x83: {  	_ =	shalt  }
0x84: {  	_ =	shalt  }
0x85: {  	_ =	shalt  }
0x86: {  	_ =	shalt  }
0x87: {  	_ =	shalt  }
.Lfunc_end0:
.L_simem_size_0:
called_computation.3_lowered:
.L_overlay_start_0:
0x88: {  	s2 =	sld [smem:$0x3FD9]  }
0x89: {  	s3 =	sld [smem:$0x3FFE];
	_ =	sdelay $0x1  }
0x8a: {  	s1 =	srdreg.scid  }
0x8b: {  	s0 =	sand.u32 $0x1, s1  }
0x8c: {  	s16 =	sshll.u32 s0, $0xA;
	s2 =	sadd.s32 s3, s2  }
0x8d: {  	s2 =	sadd.s32 s2, s16  }
0x8e: {  	[smem:$0x3FA6] =	sst s2  }
0x8f: {  	_ = 	snop  }
0x90: {  	(tm) =	ssettm $0x1  }
0x91: {  	s17 =	sld [smem:$0x3FFB];
	_ =	sdelay $0x3  }
0x92: {  	_ =	strace s17  }
0x93: {  	s2 =	sld [smem:$0x3FFC];
	_ =	sdelay $0x3  }
0x94: {  	_ =	strace s2  }
0x95: {  	s2 =	sld [smem:$0x3FFD];
	_ =	sdelay $0x3  }
0x96: {  	_ =	strace s2  }
0x97: {  	_ =	strace $0x8FFFFFFF  }
0x98: {  	s18 =	sld [smem:$0x3FDB];
	_ =	sdelay $0x1  }
0x99: {  	s19 =	simm.s32 $_scs_section_size  }
0x9a: {  	s4 =	simm.s32 $_size__tile_overlayer_lowered;
	s5 =	simm.s32 $_tile_overlayer_lowered  }
0x9b: {  	s22 =	simm.s32 $0x1BFF;
	s21 =	sshll.u32 s5, $0x1;
	s2 =	sadd.s32 s19, s18  }
0x9c: {  	s6 =	simm.s32 $0x0;
	s20 =	sshll.u32 s4, $0x1;
	s4 =	sadd.s32 s21, s2  }
0x9d: {  	[timem:s6], [sflag:s22] =	dma.local [hbm:s4], s20  }
0x9e: {  	_ =	swait.ge [sflag:s22], s20  }
0x9f: {  	s3 =	ssub.s32 $0x0, s20;
	[sflag:s22] =	ssyncset.done $0x0  }
0xa0: {  	[sflag:s22] =	ssyncadd.s32 s3;
	_ =	sdelay $0x1  }
0xa1: {  	s23 =	simm.s32 $0x1B8B  }
0xa2: {  	_ =	swait.ge [sflag:s23], $0x1  }
0xa3: {  	[sflag:s23] =	ssyncset.done $0x0  }
0xa4: {  	s25 =	simm.s32 $0x1B8E;
	s24 =	sld [smem:$0x3FFE];
	[sflag:s23] =	ssyncadd.s32 $0xFFFFFFFF  }
0xa5: {  	s26 =	simm.s32 $execute0_lowered;
	[smem:$0x3FD2] =	sst s25  }
0xa6: {  	s4 =	sshll.u32 s26, $0x1;
	_ =	strace $0x8000004F;
	[dreg:$0x1] =	wrdreg $0xFFFFFFFF  }
0xa7: {  	s28 =	simm.s32 $_size_execute0_lowered;
	s2 =	sadd.s32 s2, s4;
	[dreg:$0x0] =	wrdreg $0x0  }
0xa8: {  	s4 =	sshll.u32 s28, $0x1;
	[dreg:$0x2] =	wrdreg s2  }
0xa9: {  	[dreg:$0x3] =	wrdreg s4  }
0xaa: {  	[dreg:$0x4] =	wrdreg $0xC0  }
0xab: {  	_ =	task [dreg:s6], $0x5FFFF  }
0xac: {  	[dreg:$0x1] =	wrdreg $0xFFFFFFFF  }
0xad: {  	[dreg:$0x0] =	wrdreg $0x60  }
0xae: {  	[dreg:$0x2] =	wrdreg s24  }
0xaf: {  	[dreg:$0x3] =	wrdreg $0x39800  }
0xb0: {  	[dreg:$0x4] =	wrdreg $0x9  }
0xb1: {  	_ =	task.clear_ibuf [dreg:s6], $0x5FFFF;
	_ =	strace $0x9000004F  }
0xb2: {  	s29 =	simm.s32 $0x9;
	_ =	strace $0x80000051  }
0xb3: {  	_ =	swait.ge [sflag:s29], $0x1  }
0xb4: {  	[sflag:s29] =	ssyncadd.s32 $0xFFFFFFFF  }
0xb5: {  	_ =	strace $0x90000051  }
0xb6: {  	_ =	sfence  }
0xb7: {  	s30 =	sld [smem:$0x0];
	_ =	sdelay $0x2  }
0xb8: {  	s31 =	sshll.u32 s1, $0xD;
	s1 =	sshrl.u32 s1, $0x2  }
0xb9: {  	s3 =	sand.u32 $0x4000, s31;
	s1 =	sadd.s32 s1, s30  }
0xba: {  	s0 =	sor.u32 s3, s0;
	s1 =	sshll.u32 s1, $0x11  }
0xbb: {  	s0 =	sor.u32 s1, s0  }
0xbc: {  	s0 =	sadd.s32 $0x8F2B, s0  }
0xbd: {  	[sflag:s0] =	ssyncadd.remote.s32 $0x1  }
0xbe: {  	_ =	sfence.sel $0xFFFF  }
0xbf: {  	[dreg:$0x0] =	wrdreg $0xFFFFFFFF;
	(pc) =	sbr.abs _section_cstart, $3  }
0xc0: {  	[dreg:$0x1] =	wrdreg $0xFFFFFFFF  }
0xc1: {  	_ =	task.clear_ibuf [dreg:s6], $0x2FFFF;
	_ =	strace $0x9FFFFFFF  }
0xc2: {  	(tm) =	ssettm $0x7FFFFFFF  }
0xc3: {  	_ =	shalt  }
tec
execute0_lowered:
.L_overlay_start_1:
0x0: {  	(tag) =	ssettag $0x1  }
0x1: {  	s7 =	rddreg [dreg:$0x0]  }
0x2: {  	s2 =	rddreg [dreg:$0x1]  }
0x3: {  	s0 =	rddreg [dreg:$0x2];
	s4 =	srdreg.scid  }
0x4: {  	s1 =	stileid.u32;
	s3 =	simm.s32 $0x0;
	s15 =	simm.s32 $0x100  }
0x5: {  	s16 =	simm.s32 $0x80;
	s17 =	simm.s32 $0x200;
	s18 =	simm.s32 $0x1  }
0x6: {  	s19 =	simm.s32 $0x0;
	s8 =	sand.u32 $0x1, s4;
	s9 =	smul.u32 $0x2780, s1  }
0x7: {  	[smem:$0x7FF] =	sst s3;
	s4 =	sadd.s32 $0x5000, s7;
	s12 =	smul.u32 $0x4F00, s1  }
0x8: {  	s10 =	sshll.u32 s1, $0x1;
	s5 =	sadd.s32 $0x22A00, s7;
	s6 =	smul.u32 $0x27800, s8  }
0x9: {  	s10 =	sor.u32 s8, s10;
	s31 =	ssub.s32 $0x2, s8;
	s14 =	smul.u32 $0x2780, s8  }
0xa: {  	_ =	strace $0x80000050;
	s10 =	smul.u32 $0x2780, s10;
	s13 =	sshrl.u32 s31, $0x1  }
0xb: {  	s11 =	sadd.s32 s9, s6;
	s6 =	sadd.s32 $0x18C00, s7;
	s13 =	ssub.s32 s31, s13  }
0xc: {  	s12 =	sadd.s32 s14, s12;
	s14 =	simm.s32 $0x2;
	s11 =	sshrl.u32 s11, $0x3  }
0xd: {  	s10 =	sshrl.u32 s10, $0x3;
	s12 =	sadd.s32 $0x80, s12;
	s11 =	sadd.s32 s11, s7  }
0xe: {  	s7 =	sadd.s32 s9, s2;
	s8 =	sadd.s32 s5, s10;
	s9 =	sadd.s32 s6, s10  }
0xf: {  	v0 =	vimm.f32 $0.0e+00;
	s10 =	sadd.s32 $0xA000, s11;
	s11 =	smax.u32 s13, $0x1;
	s13 =	simm.s32 $0x1200  }
.LBB2_1:
0x10: {  	s20 =	simm.s32 $0x40;
	s21 =	simm.s32 $0x0  }
.LBB2_2:
0x11: {  	p0 =	sne.s32 s20, $0x9DC0;
	[tilespmem:s21+$0x1200] =	vst v0;
	s21 =	smov.u32 s20;
	s20 =	sadd.s32 $0x40, s20  }
.Ltmp0:
0x12: {  	(pc) =	sbr.rel @p0 .LBB2_2-.Ltmp0, $2  }
0x13: {  	_ =	sdelay $0x2  }
0x14: {  	s21 =	sshra.s32 s21, $0x2  }
0x15: {  	[tilespmem:s21+$0x1200] =	vst v0  }
0x16: {  	[spmem:s7] =	stream.linear.scatter [tilespmem:s13], [sflag:$0x2], $0x2780, $0x38;
	[tilespmem:$0x6100] =	vst v63  }
0x17: {  	_ =	swait.ge [sflag:s14], $0x2780  }
0x18: {  	[sflag:s14] =	ssyncset.done $0x0  }
0x19: {  	[sflag:s14] =	ssyncadd.s32 $0xFFFFD880  }
0x1a: {  	[bflag:$0x0] =	sbarrier.arrive $0xFFFF  }
0x1b: {  	[tilespmem:s3], [sflag:$0x2] =	stream.linear.gather [hbm4b:s8+s3], $0x80, $0x38;
	[tilespmem:$0x6100] =	vst v63  }
0x1c: {  	_ =	swait.ge [sflag:s14], $0x80  }
0x1d: {  	[sflag:s14] =	ssyncset.done $0x0  }
0x1e: {  	[sflag:s14] =	ssyncadd.s32 $0xFFFFFF80  }
0x1f: {  	[tilespmem:s15], [sflag:$0x2] =	stream.linear.gather [hbm4b:s9+s3], $0x80, $0x38;
	[tilespmem:$0x6100] =	vst v63  }
0x20: {  	_ =	swait.ge [sflag:s14], $0x80  }
0x21: {  	s20 =	simm.s32 $0x1;
	[sflag:s14] =	ssyncset.done $0x0  }
0x22: {  	s28 =	sshrl.u32 s12, $0x3;
	s20 =	sand.u32 $0x1, s20;
	[sflag:s14] =	ssyncadd.s32 $0xFFFFFF80  }
0x23: {  	[tilespmem:s17], [sflag:$0x1] =	stream.indirect.gather [hbm4b:s4+s16], $0x10, s3, s16, $0xb8;
	[tilespmem:$0x6100] =	vst v63  }
0x24: {  	s23 =	sadd.s32 s5, s28;
	s22 =	sshll.u32 s20, $0x7  }
0x25: {  	[tilespmem:s22], [sflag:$0x2] =	stream.linear.gather [hbm4b:s23+s3], $0x80, $0x38;
	[tilespmem:$0x6100] =	vst v63  }
0x26: {  	_ =	swait.ge [sflag:s14], $0x80  }
0x27: {  	[sflag:s14] =	ssyncset.done $0x0  }
0x28: {  	s21 =	sadd.s32 s6, s28;
	s29 =	sor.u32 $0x100, s22;
	[sflag:s14] =	ssyncadd.s32 $0xFFFFFF80  }
0x29: {  	[tilespmem:s29], [sflag:$0x2] =	stream.linear.gather [hbm4b:s21+s3], $0x80, $0x38;
	[tilespmem:$0x6100] =	vst v63  }
0x2a: {  	_ =	swait.ge [sflag:s14], $0x80  }
0x2b: {  	s20 =	sshll.u32 s20, $0xB;
	[sflag:s14] =	ssyncset.done $0x0  }
0x2c: {  	s30 =	simm.s32 $0x0;
	s20 =	sor.u32 $0x200, s20;
	[sflag:s14] =	ssyncadd.s32 $0xFFFFFF80  }
0x2d: {  	[tilespmem:s20], [sflag:$0x1] =	stream.indirect.gather [hbm4b:s4+s16], $0x10, s22, s16, $0xb8;
	[tilespmem:$0x6100] =	vst v63  }
0x2e: {  	s31 =	sand.u32 $0x1, s30;
	_ =	swait.ge [sflag:s18], $0x800  }
0x2f: {  	s21 =	sshll.u32 s31, $0xB;
	s20 =	sshll.u32 s31, $0x7;
	[sflag:s18] =	ssyncset.done $0x0  }
0x30: {  	s21 =	sor.u32 $0x200, s21;
	s20 =	sor.u32 $0x100, s20;
	[sflag:s18] =	ssyncadd.s32 $0xFFFFF800  }
0x31: {  	[spmem:s2] =	stream.indirect.scatter.add.f32 [tilespmem:s21], [sflag:$0x2], $0x10, s20, s16, $0xb8;
	[tilespmem:$0x6100] =	vst v63  }
0x32: {  	s22 =	simm.s32 $0x3;
	_ =	swait.ge [sflag:s14], $0x800  }
0x33: {  	s20 =	simm.s32 $0x2;
	s21 =	sadd.s32 $0x80, s12;
	[sflag:s14] =	ssyncset.done $0x0  }
.LBB2_4:
0x34: {  	s23 =	sand.u32 $0x1, s20  }
0x35: {  	s24 =	sshrl.u32 s21, $0x3;
	[sflag:s14] =	ssyncadd.s32 $0xFFFFF800;
	s25 =	smov.u32 s22  }
0x36: {  	s26 =	sshll.u32 s23, $0x7;
	s28 =	sadd.s32 s5, s24;
	s23 =	sshll.u32 s23, $0xB  }
0x37: {  	[tilespmem:s26], [sflag:$0x2] =	stream.linear.gather [hbm4b:s28+s3], $0x80, $0x38;
	[tilespmem:$0x6100] =	vst v63  }
0x38: {  	p0 =	sne.s32 s22, $0x4E;
	s22 =	sadd.s32 $0x1, s22;
	_ =	swait.ge [sflag:s14], $0x80  }
0x39: {  	[sflag:s14] =	ssyncset.done $0x0  }
0x3a: {  	s24 =	sadd.s32 s6, s24;
	s28 =	sor.u32 $0x100, s26;
	[sflag:s14] =	ssyncadd.s32 $0xFFFFFF80  }
0x3b: {  	[tilespmem:s28], [sflag:$0x2] =	stream.linear.gather [hbm4b:s24+s3], $0x80, $0x38;
	[tilespmem:$0x6100] =	vst v63  }
0x3c: {  	_ =	swait.ge [sflag:s14], $0x80  }
0x3d: {  	[sflag:s14] =	ssyncset.done $0x0  }
0x3e: {  	s20 =	sadd.s32 $0xFFFFFFFF, s20;
	s23 =	sor.u32 $0x200, s23;
	[sflag:s14] =	ssyncadd.s32 $0xFFFFFF80  }
0x3f: {  	[tilespmem:s23], [sflag:$0x1] =	stream.indirect.gather [hbm4b:s4+s16], $0x10, s26, s16, $0xb8;
	[tilespmem:$0x6100] =	vst v63  }
0x40: {  	s23 =	sand.u32 $0x1, s20  }
0x41: {  	s20 =	smov.u32 s25;
	_ =	swait.ge [sflag:s18], $0x800;
	s24 =	sshll.u32 s23, $0xB  }
.Ltmp1:
0x42: {  	s23 =	sshll.u32 s23, $0x7;
	[sflag:s18] =	ssyncset.done $0x0;
	(pc) =	sbr.rel @p0 .LBB2_4-.Ltmp1, $4  }
0x43: {  	s24 =	sor.u32 $0x200, s24;
	s23 =	sor.u32 $0x100, s23;
	[sflag:s18] =	ssyncadd.s32 $0xFFFFF800  }
0x44: {  	[spmem:s2] =	stream.indirect.scatter.add.f32 [tilespmem:s24], [sflag:$0x2], $0x10, s23, s16, $0xb8;
	[tilespmem:$0x6100] =	vst v63  }
0x45: {  	_ =	swait.ge [sflag:s14], $0x800  }
0x46: {  	s21 =	sadd.s32 $0x80, s21;
	[sflag:s14] =	ssyncset.done $0x0  }
0x47: {  	s22 =	sand.u32 $0x1, s20;
	s21 =	sshrl.u32 s21, $0x3  }
0x48: {  	[sflag:s14] =	ssyncadd.s32 $0xFFFFF800;
	s23 =	sshll.u32 s22, $0x7;
	s24 =	sadd.s32 s5, s21  }
0x49: {  	[tilespmem:s23], [sflag:$0x2] =	stream.linear.gather [hbm4b:s24+s3], $0x80, $0x38;
	[tilespmem:$0x6100] =	vst v63  }
0x4a: {  	_ =	swait.ge [sflag:s14], $0x80  }
0x4b: {  	[sflag:s14] =	ssyncset.done $0x0  }
0x4c: {  	s21 =	sadd.s32 s6, s21;
	s25 =	sor.u32 $0x100, s23;
	[sflag:s14] =	ssyncadd.s32 $0xFFFFFF80  }
0x4d: {  	[tilespmem:s25], [sflag:$0x2] =	stream.linear.gather [hbm4b:s21+s3], $0x80, $0x38;
	[tilespmem:$0x6100] =	vst v63  }
0x4e: {  	_ =	swait.ge [sflag:s14], $0x80  }
0x4f: {  	s26 =	sshll.u32 s22, $0xB;
	[sflag:s14] =	ssyncset.done $0x0  }
0x50: {  	s28 =	sadd.s32 $0xFFFFFFFF, s20;
	s21 =	sor.u32 $0x200, s26;
	[sflag:s14] =	ssyncadd.s32 $0xFFFFFF80  }
0x51: {  	[tilespmem:s21], [sflag:$0x1] =	stream.indirect.gather [hbm4b:s4+s16], $0x10, s23, s16, $0xb8;
	[tilespmem:$0x6100] =	vst v63  }
0x52: {  	s20 =	sand.u32 $0x1, s28;
	_ =	swait.ge [sflag:s18], $0x800  }
0x53: {  	s29 =	sshll.u32 s20, $0xB;
	s20 =	sshll.u32 s20, $0x7;
	[sflag:s18] =	ssyncset.done $0x0  }
0x54: {  	s20 =	sor.u32 $0x100, s20;
	s21 =	sor.u32 $0x200, s29;
	[sflag:s18] =	ssyncadd.s32 $0xFFFFF800  }
0x55: {  	[spmem:s2] =	stream.indirect.scatter.add.f32 [tilespmem:s21], [sflag:$0x2], $0x10, s20, s16, $0xb8;
	[tilespmem:$0x6100] =	vst v63  }
0x56: {  	_ =	swait.ge [sflag:s14], $0x800  }
0x57: {  	[sflag:s14] =	ssyncset.done $0x0  }
0x58: {  	[sflag:s14] =	ssyncadd.s32 $0xFFFFF800  }
0x59: {  	_ =	swait.ge [sflag:s18], $0x800  }
0x5a: {  	[sflag:s18] =	ssyncset.done $0x0  }
0x5b: {  	[sflag:s18] =	ssyncadd.s32 $0xFFFFF800  }
0x5c: {  	[spmem:s2] =	stream.indirect.scatter.add.f32 [tilespmem:s17], [sflag:$0x2], $0x10, s15, s16, $0xb8;
	[tilespmem:$0x6100] =	vst v63  }
0x5d: {  	_ =	swait.ge [sflag:s14], $0x800  }
0x5e: {  	s30 =	sshll.u32 s1, $0x6;
	s19 =	sadd.s32 $0x1, s19;
	[sflag:s14] =	ssyncset.done $0x0  }
0x5f: {  	s31 =	sshrl.u32 s7, $0x3;
	p0 =	sne.s32 s19, s11;
	[sflag:s14] =	ssyncadd.s32 $0xFFFFF800  }
.Ltmp2:
0x60: {  	s20 =	sor.u32 $0x1C02, s30;
	[bflag:$0x0] =	sbarrier.arrive $0xFFFF;
	(pc) =	sbr.rel @p0 .LBB2_1-.Ltmp2, $4  }
0x61: {  	[hbm:s10], [sflag:s20] =	dma.local [spmem:s31], $0x4F0  }
0x62: {  	_ =	swait.ge [sflag:s14], $0x4F0  }
0x63: {  	[sflag:s14] =	ssyncset.done $0x0  }
0x64: {  	[sflag:s14] =	ssyncadd.s32 $0xFFFFFB10  }
0x65: {  	_ =	sfence.sel $0x180000  }
0x66: {  	[bflag:$0x0] =	sbarrier.arrive $0xFFFF  }
0x67: {  	p0 =	sne.s32 s1, $0x0;
	_ =	strace $0x90000050  }
0x68: {  	s0 =	sadd.s32 @!p0 $0x100000, s0;
	[bflag:$0x2] =	sbarrier.arrive $0xFFFF  }
0x69: {  	[sflag:s0] =	ssyncadd.tile.s32 @!p0 $0x1;
	_ =	shalt  }
.Lfunc_end2:
_tile_overlayer_lowered:
.L_overlay_start_2:
0x6a: {  	(tag) =	ssettag $0x2  }
0x6b: {  	s0 =	rddreg [dreg:$0x0];
	s2 =	stileid.u32  }
0x6c: {  	s1 =	rddreg [dreg:$0x1];
	p0 =	sne.s32 s2, $0x0  }
0x6d: {  	s3 =	rddreg [dreg:$0x2];
	[bflag:$0x3] =	sbarrier.arrive $0xFFFF;
	s2 =	simm.s32 @!p0 $0x1C02  }
0x6e: {  	[timem:s3], [sflag:s2] =	dma.local @!p0 [hbm:s0], s1  }
0x6f: {  	s0 =	simm.s32 @!p0 $0x2  }
0x70: {  	_ =	swait.ge @!p0 [sflag:s0], s1  }
0x71: {  	s1 =	ssub.s32 @!p0 $0x0, s1;
	[sflag:s0] =	ssyncset.done @!p0 $0x0  }
0x72: {  	[sflag:s0] =	ssyncadd.s32 @!p0 s1  }
0x73: {  	[bflag:$0x3] =	sbarrier.arrive $0xFFFF  }
0x74: {  	_ =	shalt  }

// kernel: kernel.9.cloned.1.call-start
scs
__scs_entry_jumppad:
0x0: {  	(pc) =	sbr.rel $0x88, $3  }
0x1: {  	(tag) =	ssettag $0x0;
	lr =	simm.s32 $0x1  }
0x2: {  	[smem:$0x3F7F] =	sst lr;
	_ =	strace $0xD0000000  }
0x3: {  	_ = 	snop  }
0x4: {  	_ = 	snop  }
0x5: {  	_ = 	snop  }
0x6: {  	_ = 	snop  }
0x7: {  	_ = 	snop  }
__scs_overlays_trampoline_lowered:
0x8: {  	[smem:$0x3F8E] =	sst s0  }
0x9: {  	[smem:$0x3F8F] =	sst s1  }
0xa: {  	[smem:$0x3F90] =	sst s2  }
0xb: {  	[smem:$0x3F91] =	sst s3  }
0xc: {  	[smem:$0x3F92] =	sst s4  }
0xd: {  	[smem:$0x3F93] =	sst s5  }
0xe: {  	[smem:$0x3F94] =	sst s6  }
0xf: {  	[smem:$0x3F95] =	sst s7  }
0x10: {  	[smem:$0x3F96] =	sst s8  }
0x11: {  	[smem:$0x3F97] =	sst s9;
	s0 =	simm.s32 @!p0 $0x0  }
0x12: {  	s1 =	sld [smem:$0x3F7D];
	s0 =	simm.s32 @p0 $0x1  }
0x13: {  	[smem:$0x3F98] =	sst s0;
	s0 =	simm.s32 @!p1 $0x0  }
0x14: {  	s2 =	sld [smem:$0x3F7C];
	s0 =	simm.s32 @p1 $0x1  }
0x15: {  	[smem:$0x3F99] =	sst s0;
	s0 =	simm.s32 @!p2 $0x0  }
0x16: {  	s3 =	sld [smem:$0x3FDB];
	s0 =	simm.s32 @p2 $0x1  }
0x17: {  	s4 =	simm.s32 $0x1BF5;
	[smem:$0x3F9B] =	sst s0  }
0x18: {  	s0 =	sld [smem:$0x3F7E];
	_ =	swait.ge [sflag:s4], $0x0  }
0x19: {  	s7 =	sld [smem:$0x3F7F]  }
0x1a: {  	s8 =	sadd.s32 $0xFFFFE003, lr  }
0x1b: {  	s9 =	sadd.s32 $0xFFFFFEF7, lr;
	s5 =	simm.s32 $0xFFFFFFFF;
	p2 =	slt.u32 s8, $0xFFFFF086  }
0x1c: {  	p1 =	slt.u32 s9, $0xF7A;
	s5 =	simm.s32 @!p2 $0x0  }
0x1d: {  	s5 =	simm.s32 @p1 $0x1;
	p0 =	seq.s32 s7, s2  }
0x1e: {  	s7 =	smul.u32 @!p0 $0xF7A, s2;
	p2 =	seq.s32 @!p0 s5, $0x0  }
0x1f: {  	s9 =	smul.u32 $0xF7A, s1;
	s8 =	simm.s32 @!p0 $0x1BF5;
	p2 =	por !p2, p0  }
0x20: {  	[sflag:s8] =	ssyncset.s32 @!p0 $0xFFFFF086;
	s6 =	sadd.s32 @!p0 s3, s7;
	s7 =	simm.s32 @!p0 $0x108  }
0x21: {  	s3 =	sadd.s32 s3, s9;
	s6 =	sadd.s32 @!p0 $0x88, s6;
	s7 =	simm.s32 @p2 $0x1082  }
0x22: {  	[simem:s7], [sflag:s8] =	dma.local @!p0 [hbm:s6], $0xF7A  }
0x23: {  	s9 =	sor.u32 $0xD0000000, s2;
	s6 =	simm.s32 $0x108;
	_ =	swait.ge @!p0 [sflag:s8], $0x0  }
0x24: {  	s3 =	sadd.s32 $0x88, s3;
	s6 =	simm.s32 @!p1 $0x1082;
	[sflag:s4] =	ssyncset.s32 $0xFFFFF086  }
0x25: {  	[simem:s6], [sflag:s4] =	dma.local [hbm:s3], $0xF7A  }
0x26: {  	[smem:$0x3F7F] =	sst s1;
	(tag) =	ssettag s2;
	_ =	strace s9  }
0x27: {  	s1 =	sld [smem:$0x3F8F]  }
0x28: {  	s2 =	sld [smem:$0x3F90]  }
0x29: {  	s4 =	sld [smem:$0x3F92]  }
0x2a: {  	p0 =	seq.s32 s5, $0x0;
	s5 =	sld [smem:$0x3F93]  }
0x2b: {  	s6 =	sld [smem:$0x3F94]  }
0x2c: {  	s7 =	sld [smem:$0x3F95]  }
0x2d: {  	s3 =	simm.s32 $0x108;
	s8 =	sld [smem:$0x3F96]  }
0x2e: {  	s3 =	simm.s32 @!p0 $0x1082;
	s9 =	sld [smem:$0x3F97]  }
0x2f: {  	lr =	sadd.s32 s0, s3;
	s0 =	sld [smem:$0x3F8E]  }
0x30: {  	s3 =	sld [smem:$0x3F91]  }
0x31: {  	[smem:$0x3F9A] =	sst s10  }
0x32: {  	s10 =	sld [smem:$0x3F98];
	_ =	sdelay $0x3  }
0x33: {  	p0 =	seq.s32 s10, $0x1;
	s10 =	sld [smem:$0x3F9A];
	_ =	sdelay $0x3  }
0x34: {  	[smem:$0x3F9A] =	sst s10  }
0x35: {  	s10 =	sld [smem:$0x3F99];
	_ =	sdelay $0x3  }
0x36: {  	p1 =	seq.s32 s10, $0x1;
	s10 =	sld [smem:$0x3F9A];
	_ =	sdelay $0x3  }
0x37: {  	[smem:$0x3F9A] =	sst s10  }
0x38: {  	s10 =	sld [smem:$0x3F9B]  }
0x39: {  	_ = 	snop;
	(pc) =	sbr.ind lr, $3  }
0x3a: {  	_ = 	snop  }
0x3b: {  	_ = 	snop  }
0x3c: {  	p2 =	seq.s32 s10, $0x1;
	s10 =	sld [smem:$0x3F9A]  }
0x3d: {  	_ =	shalt  }
0x3e: {  	_ =	shalt  }
0x3f: {  	_ =	shalt  }
0x40: {  	_ =	shalt  }
0x41: {  	_ =	shalt  }
0x42: {  	_ =	shalt  }
0x43: {  	_ =	shalt  }
0x44: {  	_ =	shalt  }
0x45: {  	_ =	shalt  }
0x46: {  	_ =	shalt  }
0x47: {  	_ =	shalt  }
0x48: {  	_ =	shalt  }
0x49: {  	_ =	shalt  }
0x4a: {  	_ =	shalt  }
0x4b: {  	_ =	shalt  }
0x4c: {  	_ =	shalt  }
0x4d: {  	_ =	shalt  }
0x4e: {  	_ =	shalt  }
0x4f: {  	_ =	shalt  }
0x50: {  	_ =	shalt  }
0x51: {  	_ =	shalt  }
0x52: {  	_ =	shalt  }
0x53: {  	_ =	shalt  }
0x54: {  	_ =	shalt  }
0x55: {  	_ =	shalt  }
0x56: {  	_ =	shalt  }
0x57: {  	_ =	shalt  }
0x58: {  	_ =	shalt  }
0x59: {  	_ =	shalt  }
0x5a: {  	_ =	shalt  }
0x5b: {  	_ =	shalt  }
0x5c: {  	_ =	shalt  }
0x5d: {  	_ =	shalt  }
0x5e: {  	_ =	shalt  }
0x5f: {  	_ =	shalt  }
0x60: {  	_ =	shalt  }
0x61: {  	_ =	shalt  }
0x62: {  	_ =	shalt  }
0x63: {  	_ =	shalt  }
0x64: {  	_ =	shalt  }
0x65: {  	_ =	shalt  }
0x66: {  	_ =	shalt  }
0x67: {  	_ =	shalt  }
0x68: {  	_ =	shalt  }
0x69: {  	_ =	shalt  }
0x6a: {  	_ =	shalt  }
0x6b: {  	_ =	shalt  }
0x6c: {  	_ =	shalt  }
0x6d: {  	_ =	shalt  }
0x6e: {  	_ =	shalt  }
0x6f: {  	_ =	shalt  }
0x70: {  	_ =	shalt  }
0x71: {  	_ =	shalt  }
0x72: {  	_ =	shalt  }
0x73: {  	_ =	shalt  }
0x74: {  	_ =	shalt  }
0x75: {  	_ =	shalt  }
0x76: {  	_ =	shalt  }
0x77: {  	_ =	shalt  }
0x78: {  	_ =	shalt  }
0x79: {  	_ =	shalt  }
0x7a: {  	_ =	shalt  }
0x7b: {  	_ =	shalt  }
0x7c: {  	_ =	shalt  }
0x7d: {  	_ =	shalt  }
0x7e: {  	_ =	shalt  }
0x7f: {  	_ =	shalt  }
0x80: {  	_ =	shalt  }
0x81: {  	_ =	shalt  }
0x82: {  	_ =	shalt  }
0x83: {  	_ =	shalt  }
0x84: {  	_ =	shalt  }
0x85: {  	_ =	shalt  }
0x86: {  	_ =	shalt  }
0x87: {  	_ =	shalt  }
.Lfunc_end0:
.L_simem_size_0:
called_computation_lowered:
.L_overlay_start_0:
0x88: {  	s2 =	sld [smem:$0x3FD9]  }
0x89: {  	s3 =	sld [smem:$0x3FFE];
	_ =	sdelay $0x1  }
0x8a: {  	s1 =	srdreg.scid  }
0x8b: {  	s0 =	sand.u32 $0x1, s1  }
0x8c: {  	s16 =	sshll.u32 s0, $0xA;
	s2 =	sadd.s32 s3, s2  }
0x8d: {  	s2 =	sadd.s32 s2, s16  }
0x8e: {  	[smem:$0x3FA6] =	sst s2  }
0x8f: {  	_ = 	snop  }
0x90: {  	(tm) =	ssettm $0x1  }
0x91: {  	s17 =	sld [smem:$0x3FFB];
	_ =	sdelay $0x3  }
0x92: {  	_ =	strace s17  }
0x93: {  	s2 =	sld [smem:$0x3FFC];
	_ =	sdelay $0x3  }
0x94: {  	_ =	strace s2  }
0x95: {  	s2 =	sld [smem:$0x3FFD];
	_ =	sdelay $0x3  }
0x96: {  	_ =	strace s2  }
0x97: {  	_ =	strace $0x8FFFFFFF  }
0x98: {  	s18 =	sld [smem:$0x3FDB];
	_ =	sdelay $0x1  }
0x99: {  	s19 =	simm.s32 $_scs_section_size  }
0x9a: {  	s4 =	simm.s32 $_size__tile_overlayer_lowered;
	s5 =	simm.s32 $_tile_overlayer_lowered  }
0x9b: {  	s22 =	simm.s32 $0x1BFF;
	s21 =	sshll.u32 s5, $0x1;
	s2 =	sadd.s32 s19, s18  }
0x9c: {  	s6 =	simm.s32 $0x0;
	s20 =	sshll.u32 s4, $0x1;
	s4 =	sadd.s32 s21, s2  }
0x9d: {  	[timem:s6], [sflag:s22] =	dma.local [hbm:s4], s20  }
0x9e: {  	_ =	swait.ge [sflag:s22], s20  }
0x9f: {  	s3 =	ssub.s32 $0x0, s20;
	[sflag:s22] =	ssyncset.done $0x0  }
0xa0: {  	[sflag:s22] =	ssyncadd.s32 s3;
	_ =	sdelay $0x1  }
0xa1: {  	s23 =	simm.s32 $0x1B8B  }
0xa2: {  	_ =	swait.ge [sflag:s23], $0x1  }
0xa3: {  	[sflag:s23] =	ssyncset.done $0x0  }
0xa4: {  	s25 =	simm.s32 $0x1B8E;
	s24 =	sld [smem:$0x3FFE];
	[sflag:s23] =	ssyncadd.s32 $0xFFFFFFFF  }
0xa5: {  	s26 =	simm.s32 $execute0_lowered;
	[smem:$0x3FD2] =	sst s25  }
0xa6: {  	s4 =	sshll.u32 s26, $0x1;
	_ =	strace $0x80000046;
	[dreg:$0x1] =	wrdreg $0xFFFFFFFF  }
0xa7: {  	s28 =	simm.s32 $_size_execute0_lowered;
	s2 =	sadd.s32 s2, s4;
	[dreg:$0x0] =	wrdreg $0x0  }
0xa8: {  	s4 =	sshll.u32 s28, $0x1;
	[dreg:$0x2] =	wrdreg s2  }
0xa9: {  	[dreg:$0x3] =	wrdreg s4  }
0xaa: {  	[dreg:$0x4] =	wrdreg $0xC0  }
0xab: {  	_ =	task [dreg:s6], $0x5FFFF  }
0xac: {  	[dreg:$0x1] =	wrdreg $0xFFFFFFFF  }
0xad: {  	[dreg:$0x0] =	wrdreg $0x60  }
0xae: {  	[dreg:$0x2] =	wrdreg s24  }
0xaf: {  	[dreg:$0x3] =	wrdreg $0xE0000  }
0xb0: {  	[dreg:$0x4] =	wrdreg $0x9  }
0xb1: {  	_ =	task.clear_ibuf [dreg:s6], $0x5FFFF;
	_ =	strace $0x90000046  }
0xb2: {  	s29 =	simm.s32 $0x9;
	_ =	strace $0x80000048  }
0xb3: {  	_ =	swait.ge [sflag:s29], $0x1  }
0xb4: {  	[sflag:s29] =	ssyncadd.s32 $0xFFFFFFFF  }
0xb5: {  	_ =	strace $0x90000048  }
0xb6: {  	_ =	sfence  }
0xb7: {  	s30 =	sld [smem:$0x0];
	_ =	sdelay $0x2  }
0xb8: {  	s31 =	sshll.u32 s1, $0xD;
	s1 =	sshrl.u32 s1, $0x2  }
0xb9: {  	s3 =	sand.u32 $0x4000, s31;
	s1 =	sadd.s32 s1, s30  }
0xba: {  	s0 =	sor.u32 s3, s0;
	s1 =	sshll.u32 s1, $0x11  }
0xbb: {  	s0 =	sor.u32 s1, s0  }
0xbc: {  	s0 =	sadd.s32 $0x8F2B, s0  }
0xbd: {  	[sflag:s0] =	ssyncadd.remote.s32 $0x1  }
0xbe: {  	_ =	sfence.sel $0xFFFF  }
0xbf: {  	[dreg:$0x0] =	wrdreg $0xFFFFFFFF;
	(pc) =	sbr.abs _section_cstart, $3  }
0xc0: {  	[dreg:$0x1] =	wrdreg $0xFFFFFFFF  }
0xc1: {  	_ =	task.clear_ibuf [dreg:s6], $0x2FFFF;
	_ =	strace $0x9FFFFFFF  }
0xc2: {  	(tm) =	ssettm $0x7FFFFFFF  }
0xc3: {  	_ =	shalt  }
tec
execute0_lowered:
.L_overlay_start_1:
0x0: {  	(tag) =	ssettag $0x1  }
0x1: {  	s7 =	rddreg [dreg:$0x0]  }
0x2: {  	s2 =	rddreg [dreg:$0x1]  }
0x3: {  	s0 =	rddreg [dreg:$0x2];
	s4 =	srdreg.scid  }
0x4: {  	s1 =	stileid.u32;
	s3 =	simm.s32 $0x0;
	s15 =	simm.s32 $0x100  }
0x5: {  	s16 =	simm.s32 $0x80;
	s17 =	simm.s32 $0x200;
	s18 =	simm.s32 $0x1  }
0x6: {  	s19 =	simm.s32 $0x0;
	s8 =	sand.u32 $0x1, s4;
	s9 =	smul.u32 $0x9E00, s1  }
0x7: {  	[smem:$0x7FF] =	sst s3;
	s4 =	sadd.s32 $0x5000, s7;
	s12 =	smul.u32 $0x4F00, s1  }
0x8: {  	s10 =	sshll.u32 s1, $0x1;
	s5 =	sadd.s32 $0x22A00, s7;
	s6 =	smul.u32 $0x9E000, s8  }
0x9: {  	s10 =	sor.u32 s8, s10;
	s31 =	ssub.s32 $0x2, s8;
	s14 =	smul.u32 $0x2780, s8  }
0xa: {  	_ =	strace $0x80000047;
	s10 =	smul.u32 $0x2780, s10;
	s13 =	sshrl.u32 s31, $0x1  }
0xb: {  	s11 =	sadd.s32 s9, s6;
	s6 =	sadd.s32 $0x18C00, s7;
	s13 =	ssub.s32 s31, s13  }
0xc: {  	s12 =	sadd.s32 s14, s12;
	s14 =	simm.s32 $0x2;
	s11 =	sshrl.u32 s11, $0x3  }
0xd: {  	s10 =	sshrl.u32 s10, $0x3;
	s12 =	sadd.s32 $0x80, s12;
	s11 =	sadd.s32 s11, s7  }
0xe: {  	s7 =	sadd.s32 s9, s2;
	s8 =	sadd.s32 s5, s10;
	s9 =	sadd.s32 s6, s10  }
0xf: {  	v0 =	vimm.f32 $0.0e+00;
	s10 =	sadd.s32 $0x2C800, s11;
	s11 =	smax.u32 s13, $0x1;
	s13 =	simm.s32 $0x4200  }
.LBB2_1:
0x10: {  	s20 =	sand.u32 $0x3FF00, s3  }
0x11: {  	s21 =	sand.u32 $0x30, s3;
	s22 =	sshrl.u32 s20, $0x2  }
0x12: {  	s20 =	simm.s32 $0x40;
	s22 =	sor.u32 s21, s22;
	s21 =	simm.s32 $0x0  }
.LBB2_2:
0x13: {  	p0 =	sne.s32 s20, $0x277C0  }
0x14: {  	[tilespmem:s22+$0x4200] =	vst v0;
	s21 =	sadd.s32 $0x10, s21;
	s22 =	smov.u32 s20;
	s20 =	sadd.s32 $0x40, s20  }
.Ltmp0:
0x15: {  	(pc) =	sbr.rel @p0 .LBB2_2-.Ltmp0, $4  }
0x16: {  	_ = 	snop  }
0x17: {  	s22 =	sand.u32 $0x3FF00, s22  }
0x18: {  	s23 =	sand.u32 $0x30, s21;
	s22 =	sshrl.u32 s22, $0x2  }
0x19: {  	s22 =	sor.u32 s23, s22  }
0x1a: {  	[tilespmem:s22+$0x4200] =	vst v0  }
0x1b: {  	[spmem:s7] =	stream.linear.scatter [tilespmem:s13], [sflag:$0x2], $0x9E00, $0x38;
	[tilespmem:$0x17E00] =	vst v63  }
0x1c: {  	_ =	swait.ge [sflag:s14], $0x9E00  }
0x1d: {  	[sflag:s14] =	ssyncset.done $0x0  }
0x1e: {  	[sflag:s14] =	ssyncadd.s32 $0xFFFF6200  }
0x1f: {  	[bflag:$0x0] =	sbarrier.arrive $0xFFFF  }
0x20: {  	[tilespmem:s3], [sflag:$0x2] =	stream.linear.gather [hbm4b:s8+s3], $0x80, $0x38;
	[tilespmem:$0x17E00] =	vst v63  }
0x21: {  	_ =	swait.ge [sflag:s14], $0x80  }
0x22: {  	[sflag:s14] =	ssyncset.done $0x0  }
0x23: {  	[sflag:s14] =	ssyncadd.s32 $0xFFFFFF80  }
0x24: {  	[tilespmem:s15], [sflag:$0x2] =	stream.linear.gather [hbm4b:s9+s3], $0x80, $0x38;
	[tilespmem:$0x17E00] =	vst v63  }
0x25: {  	_ =	swait.ge [sflag:s14], $0x80  }
0x26: {  	s20 =	simm.s32 $0x1;
	[sflag:s14] =	ssyncset.done $0x0  }
0x27: {  	s21 =	sshrl.u32 s12, $0x3;
	s20 =	sand.u32 $0x1, s20;
	[sflag:s14] =	ssyncadd.s32 $0xFFFFFF80  }
0x28: {  	[tilespmem:s17], [sflag:$0x1] =	stream.indirect.gather [hbm4b:s4+s16], $0x40, s3, s16, $0xb8;
	[tilespmem:$0x17E00] =	vst v63  }
0x29: {  	s23 =	sadd.s32 s5, s21;
	s28 =	sshll.u32 s20, $0x7  }
0x2a: {  	[tilespmem:s28], [sflag:$0x2] =	stream.linear.gather [hbm4b:s23+s3], $0x80, $0x38;
	[tilespmem:$0x17E00] =	vst v63  }
0x2b: {  	_ =	swait.ge [sflag:s14], $0x80  }
0x2c: {  	[sflag:s14] =	ssyncset.done $0x0  }
0x2d: {  	s21 =	sadd.s32 s6, s21;
	s29 =	sor.u32 $0x100, s28;
	[sflag:s14] =	ssyncadd.s32 $0xFFFFFF80  }
0x2e: {  	[tilespmem:s29], [sflag:$0x2] =	stream.linear.gather [hbm4b:s21+s3], $0x80, $0x38;
	[tilespmem:$0x17E00] =	vst v63  }
0x2f: {  	_ =	swait.ge [sflag:s14], $0x80  }
0x30: {  	s20 =	sshll.u32 s20, $0xD;
	[sflag:s14] =	ssyncset.done $0x0  }
0x31: {  	s30 =	simm.s32 $0x0;
	s20 =	sor.u32 $0x200, s20;
	[sflag:s14] =	ssyncadd.s32 $0xFFFFFF80  }
0x32: {  	[tilespmem:s20], [sflag:$0x1] =	stream.indirect.gather [hbm4b:s4+s16], $0x40, s28, s16, $0xb8;
	[tilespmem:$0x17E00] =	vst v63  }
0x33: {  	s31 =	sand.u32 $0x1, s30;
	_ =	swait.ge [sflag:s18], $0x2000  }
0x34: {  	s21 =	sshll.u32 s31, $0xD;
	s20 =	sshll.u32 s31, $0x7;
	[sflag:s18] =	ssyncset.done $0x0  }
0x35: {  	s21 =	sor.u32 $0x200, s21;
	s20 =	sor.u32 $0x100, s20;
	[sflag:s18] =	ssyncadd.s32 $0xFFFFE000  }
0x36: {  	[spmem:s2] =	stream.indirect.scatter.add.f32 [tilespmem:s21], [sflag:$0x2], $0x40, s20, s16, $0xb8;
	[tilespmem:$0x17E00] =	vst v63  }
0x37: {  	s22 =	simm.s32 $0x3;
	_ =	swait.ge [sflag:s14], $0x2000  }
0x38: {  	s20 =	simm.s32 $0x2;
	s21 =	sadd.s32 $0x80, s12;
	[sflag:s14] =	ssyncset.done $0x0  }
.LBB2_4:
0x39: {  	s23 =	sand.u32 $0x1, s20  }
0x3a: {  	s24 =	sshrl.u32 s21, $0x3;
	[sflag:s14] =	ssyncadd.s32 $0xFFFFE000;
	s25 =	smov.u32 s22  }
0x3b: {  	s26 =	sshll.u32 s23, $0x7;
	s28 =	sadd.s32 s5, s24;
	s23 =	sshll.u32 s23, $0xD  }
0x3c: {  	[tilespmem:s26], [sflag:$0x2] =	stream.linear.gather [hbm4b:s28+s3], $0x80, $0x38;
	[tilespmem:$0x17E00] =	vst v63  }
0x3d: {  	p0 =	sne.s32 s22, $0x4E;
	s22 =	sadd.s32 $0x1, s22;
	_ =	swait.ge [sflag:s14], $0x80  }
0x3e: {  	[sflag:s14] =	ssyncset.done $0x0  }
0x3f: {  	s24 =	sadd.s32 s6, s24;
	s28 =	sor.u32 $0x100, s26;
	[sflag:s14] =	ssyncadd.s32 $0xFFFFFF80  }
0x40: {  	[tilespmem:s28], [sflag:$0x2] =	stream.linear.gather [hbm4b:s24+s3], $0x80, $0x38;
	[tilespmem:$0x17E00] =	vst v63  }
0x41: {  	_ =	swait.ge [sflag:s14], $0x80  }
0x42: {  	[sflag:s14] =	ssyncset.done $0x0  }
0x43: {  	s20 =	sadd.s32 $0xFFFFFFFF, s20;
	s23 =	sor.u32 $0x200, s23;
	[sflag:s14] =	ssyncadd.s32 $0xFFFFFF80  }
0x44: {  	[tilespmem:s23], [sflag:$0x1] =	stream.indirect.gather [hbm4b:s4+s16], $0x40, s26, s16, $0xb8;
	[tilespmem:$0x17E00] =	vst v63  }
0x45: {  	s23 =	sand.u32 $0x1, s20  }
0x46: {  	s20 =	smov.u32 s25;
	_ =	swait.ge [sflag:s18], $0x2000;
	s24 =	sshll.u32 s23, $0xD  }
.Ltmp1:
0x47: {  	s23 =	sshll.u32 s23, $0x7;
	[sflag:s18] =	ssyncset.done $0x0;
	(pc) =	sbr.rel @p0 .LBB2_4-.Ltmp1, $4  }
0x48: {  	s24 =	sor.u32 $0x200, s24;
	s23 =	sor.u32 $0x100, s23;
	[sflag:s18] =	ssyncadd.s32 $0xFFFFE000  }
0x49: {  	[spmem:s2] =	stream.indirect.scatter.add.f32 [tilespmem:s24], [sflag:$0x2], $0x40, s23, s16, $0xb8;
	[tilespmem:$0x17E00] =	vst v63  }
0x4a: {  	_ =	swait.ge [sflag:s14], $0x2000  }
0x4b: {  	s21 =	sadd.s32 $0x80, s21;
	[sflag:s14] =	ssyncset.done $0x0  }
0x4c: {  	s22 =	sand.u32 $0x1, s20;
	s21 =	sshrl.u32 s21, $0x3  }
0x4d: {  	[sflag:s14] =	ssyncadd.s32 $0xFFFFE000;
	s23 =	sshll.u32 s22, $0x7;
	s24 =	sadd.s32 s5, s21  }
0x4e: {  	[tilespmem:s23], [sflag:$0x2] =	stream.linear.gather [hbm4b:s24+s3], $0x80, $0x38;
	[tilespmem:$0x17E00] =	vst v63  }
0x4f: {  	_ =	swait.ge [sflag:s14], $0x80  }
0x50: {  	[sflag:s14] =	ssyncset.done $0x0  }
0x51: {  	s21 =	sadd.s32 s6, s21;
	s25 =	sor.u32 $0x100, s23;
	[sflag:s14] =	ssyncadd.s32 $0xFFFFFF80  }
0x52: {  	[tilespmem:s25], [sflag:$0x2] =	stream.linear.gather [hbm4b:s21+s3], $0x80, $0x38;
	[tilespmem:$0x17E00] =	vst v63  }
0x53: {  	_ =	swait.ge [sflag:s14], $0x80  }
0x54: {  	s26 =	sshll.u32 s22, $0xD;
	[sflag:s14] =	ssyncset.done $0x0  }
0x55: {  	s28 =	sadd.s32 $0xFFFFFFFF, s20;
	s21 =	sor.u32 $0x200, s26;
	[sflag:s14] =	ssyncadd.s32 $0xFFFFFF80  }
0x56: {  	[tilespmem:s21], [sflag:$0x1] =	stream.indirect.gather [hbm4b:s4+s16], $0x40, s23, s16, $0xb8;
	[tilespmem:$0x17E00] =	vst v63  }
0x57: {  	s20 =	sand.u32 $0x1, s28;
	_ =	swait.ge [sflag:s18], $0x2000  }
0x58: {  	s29 =	sshll.u32 s20, $0xD;
	s20 =	sshll.u32 s20, $0x7;
	[sflag:s18] =	ssyncset.done $0x0  }
0x59: {  	s20 =	sor.u32 $0x100, s20;
	s21 =	sor.u32 $0x200, s29;
	[sflag:s18] =	ssyncadd.s32 $0xFFFFE000  }
0x5a: {  	[spmem:s2] =	stream.indirect.scatter.add.f32 [tilespmem:s21], [sflag:$0x2], $0x40, s20, s16, $0xb8;
	[tilespmem:$0x17E00] =	vst v63  }
0x5b: {  	_ =	swait.ge [sflag:s14], $0x2000  }
0x5c: {  	[sflag:s14] =	ssyncset.done $0x0  }
0x5d: {  	[sflag:s14] =	ssyncadd.s32 $0xFFFFE000  }
0x5e: {  	_ =	swait.ge [sflag:s18], $0x2000  }
0x5f: {  	[sflag:s18] =	ssyncset.done $0x0  }
0x60: {  	[sflag:s18] =	ssyncadd.s32 $0xFFFFE000  }
0x61: {  	[spmem:s2] =	stream.indirect.scatter.add.f32 [tilespmem:s17], [sflag:$0x2], $0x40, s15, s16, $0xb8;
	[tilespmem:$0x17E00] =	vst v63  }
0x62: {  	_ =	swait.ge [sflag:s14], $0x2000  }
0x63: {  	s30 =	sshll.u32 s1, $0x6;
	s19 =	sadd.s32 $0x1, s19;
	[sflag:s14] =	ssyncset.done $0x0  }
0x64: {  	s31 =	sshrl.u32 s7, $0x3;
	p0 =	sne.s32 s19, s11;
	[sflag:s14] =	ssyncadd.s32 $0xFFFFE000  }
.Ltmp2:
0x65: {  	s20 =	sor.u32 $0x1C02, s30;
	[bflag:$0x0] =	sbarrier.arrive $0xFFFF;
	(pc) =	sbr.rel @p0 .LBB2_1-.Ltmp2, $4  }
0x66: {  	[hbm:s10], [sflag:s20] =	dma.local [spmem:s31], $0x13C0  }
0x67: {  	_ =	swait.ge [sflag:s14], $0x13C0  }
0x68: {  	[sflag:s14] =	ssyncset.done $0x0  }
0x69: {  	[sflag:s14] =	ssyncadd.s32 $0xFFFFEC40  }
0x6a: {  	_ =	sfence.sel $0x180000  }
0x6b: {  	[bflag:$0x0] =	sbarrier.arrive $0xFFFF  }
0x6c: {  	p0 =	sne.s32 s1, $0x0;
	_ =	strace $0x90000047  }
0x6d: {  	s0 =	sadd.s32 @!p0 $0x100000, s0;
	[bflag:$0x2] =	sbarrier.arrive $0xFFFF  }
0x6e: {  	[sflag:s0] =	ssyncadd.tile.s32 @!p0 $0x1;
	_ =	shalt  }
.Lfunc_end2:
_tile_overlayer_lowered:
.L_overlay_start_2:
0x6f: {  	(tag) =	ssettag $0x2  }
0x70: {  	s0 =	rddreg [dreg:$0x0];
	s2 =	stileid.u32  }
0x71: {  	s1 =	rddreg [dreg:$0x1];
	p0 =	sne.s32 s2, $0x0  }
0x72: {  	s3 =	rddreg [dreg:$0x2];
	[bflag:$0x3] =	sbarrier.arrive $0xFFFF;
	s2 =	simm.s32 @!p0 $0x1C02  }
0x73: {  	[timem:s3], [sflag:s2] =	dma.local @!p0 [hbm:s0], s1  }
0x74: {  	s0 =	simm.s32 @!p0 $0x2  }
0x75: {  	_ =	swait.ge @!p0 [sflag:s0], s1  }
0x76: {  	s1 =	ssub.s32 @!p0 $0x0, s1;
	[sflag:s0] =	ssyncset.done @!p0 $0x0  }
0x77: {  	[sflag:s0] =	ssyncadd.s32 @!p0 s1  }
0x78: {  	[bflag:$0x3] =	sbarrier.arrive $0xFFFF  }
0x79: {  	_ =	shalt  }

</sc_bundles>
